<compile_context>
chip_gen: v7x
topology: tpu7x:2x2x1
jax: 0.10.2.dev20260603
libtpu: 0.0.44.dev20260713+nightly
codegen_flags: <defaults>
</compile_context>

<pallas_src>
import functools

import jax
import jax.numpy as jnp
from jax import lax
from jax.experimental import pallas as pl
from jax.experimental.pallas import tpu as pltpu
from jax.experimental.pallas import tpu_sc as plsc

N_NODES = 10000
N_EDGES = 320000
D_IN = 128
D_HID = 256

NC = 2
NS = 16
N_WORKERS = NC * NS

CHUNK = 80
N_CHUNKS = 126
EDGES_PER_TILE = N_CHUNKS * CHUNK
E_PAD = N_WORKERS * EDGES_PER_TILE
N_PAD = 10240
ROWS_PER_TILE = N_PAD // NS
NR = 4
NSRC = 4
NDST = 8


def _sc_agg(x, src, dst):
    mesh = plsc.VectorSubcoreMesh(core_axis_name="c", subcore_axis_name="s")

    @functools.partial(
        pl.kernel,
        out_type=jax.ShapeDtypeStruct((NC, N_PAD, D_IN), jnp.float32),
        mesh=mesh,
        scratch_types=[
            [pltpu.VMEM((CHUNK,), jnp.int32) for _ in range(NSRC)],
            [pltpu.VMEM((CHUNK,), jnp.int32) for _ in range(NDST)],
            [pltpu.VMEM((CHUNK, D_IN), jnp.float32) for _ in range(NR)],
            pltpu.VMEM_SHARED((N_PAD, D_IN), jnp.float32),
            [pltpu.SemaphoreType.DMA for _ in range(NSRC)],
            [pltpu.SemaphoreType.DMA for _ in range(NDST)],
            [pltpu.SemaphoreType.DMA for _ in range(NR)],
            [pltpu.SemaphoreType.DMA for _ in range(NR)],
        ],
    )
    def k(x_hbm, src_hbm, dst_hbm, out_hbm, sbufs, dbufs, rows, agg_sh,
          isems, dsems, gsems, ssems):
        cid = lax.axis_index("c")
        sid = lax.axis_index("s")
        wid = sid * NC + cid
        ebase = wid * EDGES_PER_TILE

        def src_start(j, b):
            off = ebase + j * CHUNK
            pltpu.async_copy(src_hbm.at[pl.ds(off, CHUNK)], sbufs[b], isems[b])

        def src_wait(j, b):
            off = ebase + j * CHUNK
            pltpu.make_async_copy(src_hbm.at[pl.ds(off, CHUNK)], sbufs[b],
                                  isems[b]).wait()

        def dst_start(j, u):
            off = ebase + j * CHUNK
            pltpu.async_copy(dst_hbm.at[pl.ds(off, CHUNK)], dbufs[u], dsems[u])

        def dst_wait(j, u):
            off = ebase + j * CHUNK
            pltpu.make_async_copy(dst_hbm.at[pl.ds(off, CHUNK)], dbufs[u],
                                  dsems[u]).wait()

        def gather_start(b):
            pltpu.async_copy(x_hbm.at[sbufs[b % NSRC]], rows[b], gsems[b])

        def gather_wait(b):
            pltpu.make_async_copy(x_hbm.at[sbufs[b % NSRC]], rows[b],
                                  gsems[b]).wait()

        def scatter_start(b, u):
            pltpu.async_copy(rows[b], agg_sh.at[dbufs[u]], ssems[b], add=True)

        def scatter_wait(b, u):
            pltpu.make_async_copy(rows[b], agg_sh.at[dbufs[u]],
                                  ssems[b]).wait()

        for b in range(NSRC):
            src_start(b, b)
        for u in range(NDST):
            dst_start(u, u)

        def zrow(r, carry):
            for c in range(D_IN // 16):
                rows[0][r, pl.ds(c * 16, 16)] = jnp.zeros((16,), jnp.float32)
            return carry
        lax.fori_loop(0, CHUNK, zrow, 0)
        nbase = sid * ROWS_PER_TILE
        for j in range(ROWS_PER_TILE // CHUNK):
            pltpu.sync_copy(rows[0], agg_sh.at[pl.ds(nbase + j * CHUNK, CHUNK)])
        _rem = ROWS_PER_TILE % CHUNK
        if _rem:
            pltpu.sync_copy(
                rows[0].at[pl.ds(0, _rem)],
                agg_sh.at[pl.ds(nbase + ROWS_PER_TILE - _rem, _rem)])

        for b in range(NR - 1):
            src_wait(b, b)
            gather_start(b)

        plsc.subcore_barrier()

        def astep(j, r, u, first=False, with_next=True, src_refill=True,
                  dst_refill=True):
            if with_next:
                src_wait(j + 3, (r + 3) % NSRC)
                if not first:
                    scatter_wait((r + 3) % NR, (u - 1) % NDST)
                gather_start((r + 3) % NR)
            gather_wait(r)
            if src_refill:
                src_start(j + 4, r % NSRC)
            dst_wait(j, u)
            scatter_start(r, u)
            if dst_refill:
                dst_start(j + 7, (u + 7) % NDST)

        astep(0, 0, 0, first=True, dst_refill=False)

        n_body = (N_CHUNKS - 9) // 8
        tail_start = 1 + 8 * n_body

        def body(t, carry):
            j0 = 8 * t + 1
            for v in range(8):
                astep(j0 + v, (1 + v) % NR, (1 + v) % NDST)
            return carry
        lax.fori_loop(0, n_body, body, 0)

        for j in range(tail_start, N_CHUNKS):
            astep(j, j % NR, j % NDST,
                  with_next=(j + 3 < N_CHUNKS),
                  src_refill=(j + 4 < N_CHUNKS),
                  dst_refill=(j + 7 < N_CHUNKS))
        for j in range(N_CHUNKS - NR, N_CHUNKS):
            scatter_wait(j % NR, j % NDST)

        plsc.subcore_barrier()
        pltpu.sync_copy(agg_sh.at[pl.ds(nbase, ROWS_PER_TILE)],
                        out_hbm.at[cid, pl.ds(nbase, ROWS_PER_TILE)])

    return k(x, src, dst)


BLK = 1000


def _mlp_body(x_ref, a0_ref, a1_ref, w1_ref, b1_ref, w2_ref, b2_ref, o_ref):
    feat = x_ref[...] + a0_ref[...] + a1_ref[...]
    h = lax.dot_general(feat, w1_ref[...], (((1,), (1,)), ((), ())),
                        preferred_element_type=jnp.float32)
    h = jnp.maximum(h + b1_ref[...], 0.0)
    o = lax.dot_general(h, w2_ref[...], (((1,), (1,)), ((), ())),
                        preferred_element_type=jnp.float32)
    o_ref[...] = o + b2_ref[...]


def _mlp(x, a0, a1, W1, b1, W2, b2):
    return pl.pallas_call(
        _mlp_body,
        grid=(N_NODES // BLK,),
        in_specs=[
            pl.BlockSpec((BLK, D_IN), lambda i: (i, 0)),
            pl.BlockSpec((BLK, D_IN), lambda i: (i, 0)),
            pl.BlockSpec((BLK, D_IN), lambda i: (i, 0)),
            pl.BlockSpec((D_HID, D_IN), lambda i: (0, 0)),
            pl.BlockSpec((1, D_HID), lambda i: (0, 0)),
            pl.BlockSpec((D_IN, D_HID), lambda i: (0, 0)),
            pl.BlockSpec((1, D_IN), lambda i: (0, 0)),
        ],
        out_specs=pl.BlockSpec((BLK, D_IN), lambda i: (i, 0)),
        out_shape=jax.ShapeDtypeStruct((N_NODES, D_IN), jnp.float32),
    )(x, a0, a1, W1, b1.reshape(1, D_HID), W2, b2.reshape(1, D_IN))


def kernel(x, edge_index, W1, b1, W2, b2):
    src = edge_index[0].astype(jnp.int32)
    dst = edge_index[1].astype(jnp.int32)
    n_extra = E_PAD - N_EDGES
    src_p = jnp.concatenate([src, jnp.zeros((n_extra,), jnp.int32)])
    dst_p = jnp.concatenate([dst, jnp.full((n_extra,), N_PAD - 1, jnp.int32)])
    agg = _sc_agg(x, src_p, dst_p)
    return _mlp(x, agg[0], agg[1], W1, b1, W2, b2)

# --- scband reference (transcript-rebuilt; emitter-appended) ---
"""Pipeline reference for scband-gcnlayer-9311489097971 (READ-ONLY COPY).

The authoritative reference and input builder live on the scoring server;
editing this copy changes nothing except your own understanding.
"""

import jax, jax.numpy as jnp
import numpy as np

N_NODES = 10000
N_EDGES = 320000
IN_FEATS = 128
HIDDEN_FEATS = 256
OUT_FEATS = 128


def setup_inputs(seed: int = 0) -> dict:
    key = jax.random.key(seed)
    k1, k2, k3, k4, k5, k6 = jax.random.split(key, 6)
    x = jax.random.normal(k1, (N_NODES, IN_FEATS), dtype=jnp.float32)
    edge_index = jax.random.randint(k2, (2, N_EDGES), 0, N_NODES, dtype=jnp.int64)
    # torch nn.Linear default init: U(-1/sqrt(fan_in), 1/sqrt(fan_in))
    bound1 = 1.0 / np.sqrt(IN_FEATS)
    W1 = jax.random.uniform(k3, (HIDDEN_FEATS, IN_FEATS), minval=-bound1, maxval=bound1, dtype=jnp.float32)
    b1 = jax.random.uniform(k4, (HIDDEN_FEATS,), minval=-bound1, maxval=bound1, dtype=jnp.float32)
    bound2 = 1.0 / np.sqrt(HIDDEN_FEATS)
    W2 = jax.random.uniform(k5, (OUT_FEATS, HIDDEN_FEATS), minval=-bound2, maxval=bound2, dtype=jnp.float32)
    b2 = jax.random.uniform(k6, (OUT_FEATS,), minval=-bound2, maxval=bound2, dtype=jnp.float32)
    return {"x": x, "edge_index": edge_index, "W1": W1, "b1": b1, "W2": W2, "b2": b2}


def reference(x, edge_index, W1, b1, W2, b2):
    src = edge_index[0]
    dst = edge_index[1]
    # gcn_msg: copy src 'feat' to mailbox; gcn_reduce: sum mailbox + own feat
    messages = jnp.take(x, src, axis=0)  # gather [E, d]
    agg = jax.ops.segment_sum(messages, dst, num_segments=N_NODES)  # scatter-add
    feat = agg + x
    # NodeApplyModule: linear1 -> activation(relu) -> linear2
    h = feat @ W1.T + b1
    h = jax.nn.relu(h)
    out = h @ W2.T + b2
    return out

if __name__ == "__main__":
    import jax
    _d = setup_inputs()
    print(jax.jit(kernel)(*tuple(_d.values())))

</pallas_src>

<mosaic_0001>
#map = affine_map<(d0, d1) -> (0, 0)>
#map1 = affine_map<(d0, d1) -> (0)>
#map2 = affine_map<(d0, d1) -> (0, 0, 0)>
module attributes {stable_mosaic.version = 14 : i64} {
  func.func @k(%arg0: i32, %arg1: i32, %arg2: memref<10000x128xf32, #tpu.memory_space<hbm>>, %arg3: memref<322560xi32, #tpu.memory_space<hbm>>, %arg4: memref<322560xi32, #tpu.memory_space<hbm>>, %arg5: memref<2x10240x128xf32, #tpu.memory_space<hbm>>, %arg6: memref<80xi32, #tpu.memory_space<vmem>>, %arg7: memref<80xi32, #tpu.memory_space<vmem>>, %arg8: memref<80xi32, #tpu.memory_space<vmem>>, %arg9: memref<80xi32, #tpu.memory_space<vmem>>, %arg10: memref<80xi32, #tpu.memory_space<vmem>>, %arg11: memref<80xi32, #tpu.memory_space<vmem>>, %arg12: memref<80xi32, #tpu.memory_space<vmem>>, %arg13: memref<80xi32, #tpu.memory_space<vmem>>, %arg14: memref<80xi32, #tpu.memory_space<vmem>>, %arg15: memref<80xi32, #tpu.memory_space<vmem>>, %arg16: memref<80xi32, #tpu.memory_space<vmem>>, %arg17: memref<80xi32, #tpu.memory_space<vmem>>, %arg18: memref<80x128xf32, #tpu.memory_space<vmem>>, %arg19: memref<80x128xf32, #tpu.memory_space<vmem>>, %arg20: memref<80x128xf32, #tpu.memory_space<vmem>>, %arg21: memref<80x128xf32, #tpu.memory_space<vmem>>, %arg22: memref<10240x128xf32, #tpu.memory_space<vmem_shared>>, %arg23: memref<!tpu.dma_semaphore, #tpu.memory_space<semaphore_mem>>, %arg24: memref<!tpu.dma_semaphore, #tpu.memory_space<semaphore_mem>>, %arg25: memref<!tpu.dma_semaphore, #tpu.memory_space<semaphore_mem>>, %arg26: memref<!tpu.dma_semaphore, #tpu.memory_space<semaphore_mem>>, %arg27: memref<!tpu.dma_semaphore, #tpu.memory_space<semaphore_mem>>, %arg28: memref<!tpu.dma_semaphore, #tpu.memory_space<semaphore_mem>>, %arg29: memref<!tpu.dma_semaphore, #tpu.memory_space<semaphore_mem>>, %arg30: memref<!tpu.dma_semaphore, #tpu.memory_space<semaphore_mem>>, %arg31: memref<!tpu.dma_semaphore, #tpu.memory_space<semaphore_mem>>, %arg32: memref<!tpu.dma_semaphore, #tpu.memory_space<semaphore_mem>>, %arg33: memref<!tpu.dma_semaphore, #tpu.memory_space<semaphore_mem>>, %arg34: memref<!tpu.dma_semaphore, #tpu.memory_space<semaphore_mem>>, %arg35: memref<!tpu.dma_semaphore, #tpu.memory_space<semaphore_mem>>, %arg36: memref<!tpu.dma_semaphore, #tpu.memory_space<semaphore_mem>>, %arg37: memref<!tpu.dma_semaphore, #tpu.memory_space<semaphore_mem>>, %arg38: memref<!tpu.dma_semaphore, #tpu.memory_space<semaphore_mem>>, %arg39: memref<!tpu.dma_semaphore, #tpu.memory_space<semaphore_mem>>, %arg40: memref<!tpu.dma_semaphore, #tpu.memory_space<semaphore_mem>>, %arg41: memref<!tpu.dma_semaphore, #tpu.memory_space<semaphore_mem>>, %arg42: memref<!tpu.dma_semaphore, #tpu.memory_space<semaphore_mem>>) attributes {dimension_semantics = [#tpu.dimension_semantics<core_parallel>, #tpu.dimension_semantics<subcore_parallel>], iteration_bounds = array<i64: 2, 16>, scalar_prefetch = 0 : i64, scratch_operands = 37 : i64, tpu.core_type = #tpu.core_type<sc_vector_subcore>, window_params = [{transform_indices = #map}, {transform_indices = #map1}, {transform_indices = #map1}, {transform_indices = #map2}]} {
    %mul3A = arith.constant 2 : i32
    %mul3A_0 = arith.muli %arg1, %mul3A : i32
    %add3A = arith.addi %mul3A_0, %arg0 : i32
    %mul3A_1 = arith.constant 10080 : i32
    %mul3A_2 = arith.muli %add3A, %mul3A_1 : i32
    %add3A_3 = arith.constant 0 : i32
    %add3A_4 = arith.addi %mul3A_2, %add3A_3 : i32
    %dma_start3A = tpu.memref_slice %arg3[%add3A_4] : memref<322560xi32, #tpu.memory_space<hbm>> -> memref<80xi32, #tpu.memory_space<hbm>>
    %dma_start3A_5 = tpu.memref_slice %arg3[%add3A_4] : memref<322560xi32, #tpu.memory_space<hbm>> -> memref<80xi32, #tpu.memory_space<hbm>>
    tpu.enqueue_dma source(%dma_start3A_5 : memref<80xi32, #tpu.memory_space<hbm>>) target(%arg6 : memref<80xi32, #tpu.memory_space<vmem>>) target_semaphore(%arg23 : memref<!tpu.dma_semaphore, #tpu.memory_space<semaphore_mem>>)
    %add3A_6 = arith.constant 80 : i32
    %add3A_7 = arith.addi %mul3A_2, %add3A_6 : i32
    %dma_start3A_8 = tpu.memref_slice %arg3[%add3A_7] : memref<322560xi32, #tpu.memory_space<hbm>> -> memref<80xi32, #tpu.memory_space<hbm>>
    %dma_start3A_9 = tpu.memref_slice %arg3[%add3A_7] : memref<322560xi32, #tpu.memory_space<hbm>> -> memref<80xi32, #tpu.memory_space<hbm>>
    tpu.enqueue_dma source(%dma_start3A_9 : memref<80xi32, #tpu.memory_space<hbm>>) target(%arg7 : memref<80xi32, #tpu.memory_space<vmem>>) target_semaphore(%arg24 : memref<!tpu.dma_semaphore, #tpu.memory_space<semaphore_mem>>)
    %add3A_10 = arith.constant 160 : i32
    %add3A_11 = arith.addi %mul3A_2, %add3A_10 : i32
    %dma_start3A_12 = tpu.memref_slice %arg3[%add3A_11] : memref<322560xi32, #tpu.memory_space<hbm>> -> memref<80xi32, #tpu.memory_space<hbm>>
    %dma_start3A_13 = tpu.memref_slice %arg3[%add3A_11] : memref<322560xi32, #tpu.memory_space<hbm>> -> memref<80xi32, #tpu.memory_space<hbm>>
    tpu.enqueue_dma source(%dma_start3A_13 : memref<80xi32, #tpu.memory_space<hbm>>) target(%arg8 : memref<80xi32, #tpu.memory_space<vmem>>) target_semaphore(%arg25 : memref<!tpu.dma_semaphore, #tpu.memory_space<semaphore_mem>>)
    %add3A_14 = arith.constant 240 : i32
    %add3A_15 = arith.addi %mul3A_2, %add3A_14 : i32
    %dma_start3A_16 = tpu.memref_slice %arg3[%add3A_15] : memref<322560xi32, #tpu.memory_space<hbm>> -> memref<80xi32, #tpu.memory_space<hbm>>
    %dma_start3A_17 = tpu.memref_slice %arg3[%add3A_15] : memref<322560xi32, #tpu.memory_space<hbm>> -> memref<80xi32, #tpu.memory_space<hbm>>
    tpu.enqueue_dma source(%dma_start3A_17 : memref<80xi32, #tpu.memory_space<hbm>>) target(%arg9 : memref<80xi32, #tpu.memory_space<vmem>>) target_semaphore(%arg26 : memref<!tpu.dma_semaphore, #tpu.memory_space<semaphore_mem>>)
    %add3A_18 = arith.constant 0 : i32
    %add3A_19 = arith.addi %mul3A_2, %add3A_18 : i32
    %dma_start3A_20 = tpu.memref_slice %arg4[%add3A_19] : memref<322560xi32, #tpu.memory_space<hbm>> -> memref<80xi32, #tpu.memory_space<hbm>>
    %dma_start3A_21 = tpu.memref_slice %arg4[%add3A_19] : memref<322560xi32, #tpu.memory_space<hbm>> -> memref<80xi32, #tpu.memory_space<hbm>>
    tpu.enqueue_dma source(%dma_start3A_21 : memref<80xi32, #tpu.memory_space<hbm>>) target(%arg10 : memref<80xi32, #tpu.memory_space<vmem>>) target_semaphore(%arg27 : memref<!tpu.dma_semaphore, #tpu.memory_space<semaphore_mem>>)
    %add3A_22 = arith.constant 80 : i32
    %add3A_23 = arith.addi %mul3A_2, %add3A_22 : i32
    %dma_start3A_24 = tpu.memref_slice %arg4[%add3A_23] : memref<322560xi32, #tpu.memory_space<hbm>> -> memref<80xi32, #tpu.memory_space<hbm>>
    %dma_start3A_25 = tpu.memref_slice %arg4[%add3A_23] : memref<322560xi32, #tpu.memory_space<hbm>> -> memref<80xi32, #tpu.memory_space<hbm>>
    tpu.enqueue_dma source(%dma_start3A_25 : memref<80xi32, #tpu.memory_space<hbm>>) target(%arg11 : memref<80xi32, #tpu.memory_space<vmem>>) target_semaphore(%arg28 : memref<!tpu.dma_semaphore, #tpu.memory_space<semaphore_mem>>)
    %add3A_26 = arith.constant 160 : i32
    %add3A_27 = arith.addi %mul3A_2, %add3A_26 : i32
    %dma_start3A_28 = tpu.memref_slice %arg4[%add3A_27] : memref<322560xi32, #tpu.memory_space<hbm>> -> memref<80xi32, #tpu.memory_space<hbm>>
    %dma_start3A_29 = tpu.memref_slice %arg4[%add3A_27] : memref<322560xi32, #tpu.memory_space<hbm>> -> memref<80xi32, #tpu.memory_space<hbm>>
    tpu.enqueue_dma source(%dma_start3A_29 : memref<80xi32, #tpu.memory_space<hbm>>) target(%arg12 : memref<80xi32, #tpu.memory_space<vmem>>) target_semaphore(%arg29 : memref<!tpu.dma_semaphore, #tpu.memory_space<semaphore_mem>>)
    %add3A_30 = arith.constant 240 : i32
    %add3A_31 = arith.addi %mul3A_2, %add3A_30 : i32
    %dma_start3A_32 = tpu.memref_slice %arg4[%add3A_31] : memref<322560xi32, #tpu.memory_space<hbm>> -> memref<80xi32, #tpu.memory_space<hbm>>
    %dma_start3A_33 = tpu.memref_slice %arg4[%add3A_31] : memref<322560xi32, #tpu.memory_space<hbm>> -> memref<80xi32, #tpu.memory_space<hbm>>
    tpu.enqueue_dma source(%dma_start3A_33 : memref<80xi32, #tpu.memory_space<hbm>>) target(%arg13 : memref<80xi32, #tpu.memory_space<vmem>>) target_semaphore(%arg30 : memref<!tpu.dma_semaphore, #tpu.memory_space<semaphore_mem>>)
    %add3A_34 = arith.constant 320 : i32
    %add3A_35 = arith.addi %mul3A_2, %add3A_34 : i32
    %dma_start3A_36 = tpu.memref_slice %arg4[%add3A_35] : memref<322560xi32, #tpu.memory_space<hbm>> -> memref<80xi32, #tpu.memory_space<hbm>>
    %dma_start3A_37 = tpu.memref_slice %arg4[%add3A_35] : memref<322560xi32, #tpu.memory_space<hbm>> -> memref<80xi32, #tpu.memory_space<hbm>>
    tpu.enqueue_dma source(%dma_start3A_37 : memref<80xi32, #tpu.memory_space<hbm>>) target(%arg14 : memref<80xi32, #tpu.memory_space<vmem>>) target_semaphore(%arg31 : memref<!tpu.dma_semaphore, #tpu.memory_space<semaphore_mem>>)
    %add3A_38 = arith.constant 400 : i32
    %add3A_39 = arith.addi %mul3A_2, %add3A_38 : i32
    %dma_start3A_40 = tpu.memref_slice %arg4[%add3A_39] : memref<322560xi32, #tpu.memory_space<hbm>> -> memref<80xi32, #tpu.memory_space<hbm>>
    %dma_start3A_41 = tpu.memref_slice %arg4[%add3A_39] : memref<322560xi32, #tpu.memory_space<hbm>> -> memref<80xi32, #tpu.memory_space<hbm>>
    tpu.enqueue_dma source(%dma_start3A_41 : memref<80xi32, #tpu.memory_space<hbm>>) target(%arg15 : memref<80xi32, #tpu.memory_space<vmem>>) target_semaphore(%arg32 : memref<!tpu.dma_semaphore, #tpu.memory_space<semaphore_mem>>)
    %add3A_42 = arith.constant 480 : i32
    %add3A_43 = arith.addi %mul3A_2, %add3A_42 : i32
    %dma_start3A_44 = tpu.memref_slice %arg4[%add3A_43] : memref<322560xi32, #tpu.memory_space<hbm>> -> memref<80xi32, #tpu.memory_space<hbm>>
    %dma_start3A_45 = tpu.memref_slice %arg4[%add3A_43] : memref<322560xi32, #tpu.memory_space<hbm>> -> memref<80xi32, #tpu.memory_space<hbm>>
    tpu.enqueue_dma source(%dma_start3A_45 : memref<80xi32, #tpu.memory_space<hbm>>) target(%arg16 : memref<80xi32, #tpu.memory_space<vmem>>) target_semaphore(%arg33 : memref<!tpu.dma_semaphore, #tpu.memory_space<semaphore_mem>>)
    %add3A_46 = arith.constant 560 : i32
    %add3A_47 = arith.addi %mul3A_2, %add3A_46 : i32
    %dma_start3A_48 = tpu.memref_slice %arg4[%add3A_47] : memref<322560xi32, #tpu.memory_space<hbm>> -> memref<80xi32, #tpu.memory_space<hbm>>
    %dma_start3A_49 = tpu.memref_slice %arg4[%add3A_47] : memref<322560xi32, #tpu.memory_space<hbm>> -> memref<80xi32, #tpu.memory_space<hbm>>
    tpu.enqueue_dma source(%dma_start3A_49 : memref<80xi32, #tpu.memory_space<hbm>>) target(%arg17 : memref<80xi32, #tpu.memory_space<vmem>>) target_semaphore(%arg34 : memref<!tpu.dma_semaphore, #tpu.memory_space<semaphore_mem>>)
    %scan3A = arith.constant 0 : i32
    %scan3A_50 = arith.constant 0 : i32
    %scan3A_51 = arith.constant 80 : i32
    %scan3A_52 = arith.addi %scan3A_50, %scan3A_51 : i32
    %scan3A_53 = arith.constant 1 : i32
    scf.for %scan3A_423 = %scan3A_50 to %scan3A_52 step %scan3A_53  : i32 {
      %broadcast_in_dim3A = arith.constant 0.000000e+00 : f32
      %broadcast_in_dim3A_424 = vector.broadcast %broadcast_in_dim3A : f32 to vector<16xf32>
      %swap3A = arith.index_cast %scan3A_423 : i32 to index
      %swap3A_425 = arith.constant 0 : index
      %swap3A_426 = tpu.vector_load %arg18[%swap3A, %swap3A_425] {strides = array<i32>} : memref<80x128xf32, #tpu.memory_space<vmem>>, vector<1x16xf32>,
      %swap3A_427 = vector.shape_cast %swap3A_426 : vector<1x16xf32> to vector<16xf32>
      %swap3A_428 = vector.shape_cast %broadcast_in_dim3A_424 : vector<16xf32> to vector<1x16xf32>
      tpu.vector_store %arg18[%swap3A, %swap3A_425], %swap3A_428 {strides = array<i32>} : memref<80x128xf32, #tpu.memory_space<vmem>>, vector<1x16xf32>,
      %broadcast_in_dim3A_429 = arith.constant 0.000000e+00 : f32
      %broadcast_in_dim3A_430 = vector.broadcast %broadcast_in_dim3A_429 : f32 to vector<16xf32>
      %swap3A_431 = arith.index_cast %scan3A_423 : i32 to index
      %swap3A_432 = arith.constant 16 : index
      %swap3A_433 = tpu.vector_load %arg18[%swap3A_431, %swap3A_432] {strides = array<i32>} : memref<80x128xf32, #tpu.memory_space<vmem>>, vector<1x16xf32>,
      %swap3A_434 = vector.shape_cast %swap3A_433 : vector<1x16xf32> to vector<16xf32>
      %swap3A_435 = vector.shape_cast %broadcast_in_dim3A_430 : vector<16xf32> to vector<1x16xf32>
      tpu.vector_store %arg18[%swap3A_431, %swap3A_432], %swap3A_435 {strides = array<i32>} : memref<80x128xf32, #tpu.memory_space<vmem>>, vector<1x16xf32>,
      %broadcast_in_dim3A_436 = arith.constant 0.000000e+00 : f32
      %broadcast_in_dim3A_437 = vector.broadcast %broadcast_in_dim3A_436 : f32 to vector<16xf32>
      %swap3A_438 = arith.index_cast %scan3A_423 : i32 to index
      %swap3A_439 = arith.constant 32 : index
      %swap3A_440 = tpu.vector_load %arg18[%swap3A_438, %swap3A_439] {strides = array<i32>} : memref<80x128xf32, #tpu.memory_space<vmem>>, vector<1x16xf32>,
      %swap3A_441 = vector.shape_cast %swap3A_440 : vector<1x16xf32> to vector<16xf32>
      %swap3A_442 = vector.shape_cast %broadcast_in_dim3A_437 : vector<16xf32> to vector<1x16xf32>
      tpu.vector_store %arg18[%swap3A_438, %swap3A_439], %swap3A_442 {strides = array<i32>} : memref<80x128xf32, #tpu.memory_space<vmem>>, vector<1x16xf32>,
      %broadcast_in_dim3A_443 = arith.constant 0.000000e+00 : f32
      %broadcast_in_dim3A_444 = vector.broadcast %broadcast_in_dim3A_443 : f32 to vector<16xf32>
      %swap3A_445 = arith.index_cast %scan3A_423 : i32 to index
      %swap3A_446 = arith.constant 48 : index
      %swap3A_447 = tpu.vector_load %arg18[%swap3A_445, %swap3A_446] {strides = array<i32>} : memref<80x128xf32, #tpu.memory_space<vmem>>, vector<1x16xf32>,
      %swap3A_448 = vector.shape_cast %swap3A_447 : vector<1x16xf32> to vector<16xf32>
      %swap3A_449 = vector.shape_cast %broadcast_in_dim3A_444 : vector<16xf32> to vector<1x16xf32>
      tpu.vector_store %arg18[%swap3A_445, %swap3A_446], %swap3A_449 {strides = array<i32>} : memref<80x128xf32, #tpu.memory_space<vmem>>, vector<1x16xf32>,
      %broadcast_in_dim3A_450 = arith.constant 0.000000e+00 : f32
      %broadcast_in_dim3A_451 = vector.broadcast %broadcast_in_dim3A_450 : f32 to vector<16xf32>
      %swap3A_452 = arith.index_cast %scan3A_423 : i32 to index
      %swap3A_453 = arith.constant 64 : index
      %swap3A_454 = tpu.vector_load %arg18[%swap3A_452, %swap3A_453] {strides = array<i32>} : memref<80x128xf32, #tpu.memory_space<vmem>>, vector<1x16xf32>,
      %swap3A_455 = vector.shape_cast %swap3A_454 : vector<1x16xf32> to vector<16xf32>
      %swap3A_456 = vector.shape_cast %broadcast_in_dim3A_451 : vector<16xf32> to vector<1x16xf32>
      tpu.vector_store %arg18[%swap3A_452, %swap3A_453], %swap3A_456 {strides = array<i32>} : memref<80x128xf32, #tpu.memory_space<vmem>>, vector<1x16xf32>,
      %broadcast_in_dim3A_457 = arith.constant 0.000000e+00 : f32
      %broadcast_in_dim3A_458 = vector.broadcast %broadcast_in_dim3A_457 : f32 to vector<16xf32>
      %swap3A_459 = arith.index_cast %scan3A_423 : i32 to index
      %swap3A_460 = arith.constant 80 : index
      %swap3A_461 = tpu.vector_load %arg18[%swap3A_459, %swap3A_460] {strides = array<i32>} : memref<80x128xf32, #tpu.memory_space<vmem>>, vector<1x16xf32>,
      %swap3A_462 = vector.shape_cast %swap3A_461 : vector<1x16xf32> to vector<16xf32>
      %swap3A_463 = vector.shape_cast %broadcast_in_dim3A_458 : vector<16xf32> to vector<1x16xf32>
      tpu.vector_store %arg18[%swap3A_459, %swap3A_460], %swap3A_463 {strides = array<i32>} : memref<80x128xf32, #tpu.memory_space<vmem>>, vector<1x16xf32>,
      %broadcast_in_dim3A_464 = arith.constant 0.000000e+00 : f32
      %broadcast_in_dim3A_465 = vector.broadcast %broadcast_in_dim3A_464 : f32 to vector<16xf32>
      %swap3A_466 = arith.index_cast %scan3A_423 : i32 to index
      %swap3A_467 = arith.constant 96 : index
      %swap3A_468 = tpu.vector_load %arg18[%swap3A_466, %swap3A_467] {strides = array<i32>} : memref<80x128xf32, #tpu.memory_space<vmem>>, vector<1x16xf32>,
      %swap3A_469 = vector.shape_cast %swap3A_468 : vector<1x16xf32> to vector<16xf32>
      %swap3A_470 = vector.shape_cast %broadcast_in_dim3A_465 : vector<16xf32> to vector<1x16xf32>
      tpu.vector_store %arg18[%swap3A_466, %swap3A_467], %swap3A_470 {strides = array<i32>} : memref<80x128xf32, #tpu.memory_space<vmem>>, vector<1x16xf32>,
      %broadcast_in_dim3A_471 = arith.constant 0.000000e+00 : f32
      %broadcast_in_dim3A_472 = vector.broadcast %broadcast_in_dim3A_471 : f32 to vector<16xf32>
      %swap3A_473 = arith.index_cast %scan3A_423 : i32 to index
      %swap3A_474 = arith.constant 112 : index
      %swap3A_475 = tpu.vector_load %arg18[%swap3A_473, %swap3A_474] {strides = array<i32>} : memref<80x128xf32, #tpu.memory_space<vmem>>, vector<1x16xf32>,
      %swap3A_476 = vector.shape_cast %swap3A_475 : vector<1x16xf32> to vector<16xf32>
      %swap3A_477 = vector.shape_cast %broadcast_in_dim3A_472 : vector<16xf32> to vector<1x16xf32>
      tpu.vector_store %arg18[%swap3A_473, %swap3A_474], %swap3A_477 {strides = array<i32>} : memref<80x128xf32, #tpu.memory_space<vmem>>, vector<1x16xf32>,
    }
    %scan3A_54 = arith.constant 80 : i32
    %mul3A_55 = arith.constant 640 : i32
    %mul3A_56 = arith.muli %arg1, %mul3A_55 : i32
    %add3A_57 = arith.constant 0 : i32
    %add3A_58 = arith.addi %mul3A_56, %add3A_57 : i32
    "tpu.region"() ({
      %run_scoped3A = tpu.sem_alloc : memref<!tpu.dma_semaphore, #tpu.memory_space<semaphore_mem>>
      %dma_start3A_423 = arith.constant 0 : i32
      %dma_start3A_424 = tpu.memref_slice %arg22[%add3A_58, %dma_start3A_423] : memref<10240x128xf32, #tpu.memory_space<vmem_shared>> -> memref<80x128xf32, #tpu.memory_space<vmem_shared>>
      %dma_start3A_425 = arith.constant 0 : i32
      %dma_start3A_426 = tpu.memref_slice %arg22[%add3A_58, %dma_start3A_425] : memref<10240x128xf32, #tpu.memory_space<vmem_shared>> -> memref<80x128xf32, #tpu.memory_space<vmem_shared>>
      tpu.enqueue_dma source(%arg18 : memref<80x128xf32, #tpu.memory_space<vmem>>) target(%dma_start3A_426 : memref<80x128xf32, #tpu.memory_space<vmem_shared>>) target_semaphore(%run_scoped3A : memref<!tpu.dma_semaphore, #tpu.memory_space<semaphore_mem>>)
      %dma_wait3A_427 = arith.constant 0 : i32
      %dma_wait3A_428 = tpu.memref_slice %arg22[%add3A_58, %dma_wait3A_427] : memref<10240x128xf32, #tpu.memory_space<vmem_shared>> -> memref<80x128xf32, #tpu.memory_space<vmem_shared>>
      %dma_wait3A_429 = arith.constant 0 : i32
      %dma_wait3A_430 = tpu.memref_slice %arg22[%add3A_58, %dma_wait3A_429] : memref<10240x128xf32, #tpu.memory_space<vmem_shared>> -> memref<80x128xf32, #tpu.memory_space<vmem_shared>>
      tpu.wait_dma2 semaphore(%run_scoped3A : memref<!tpu.dma_semaphore, #tpu.memory_space<semaphore_mem>>) src(%arg18 : memref<80x128xf32, #tpu.memory_space<vmem>>) dst(%dma_wait3A_430 : memref<80x128xf32, #tpu.memory_space<vmem_shared>>)
      tpu.yield
    }) : () -> ()
    %add3A_59 = arith.constant 80 : i32
    %add3A_60 = arith.addi %mul3A_56, %add3A_59 : i32
    "tpu.region"() ({
      %run_scoped3A = tpu.sem_alloc : memref<!tpu.dma_semaphore, #tpu.memory_space<semaphore_mem>>
      %dma_start3A_423 = arith.constant 0 : i32
      %dma_start3A_424 = tpu.memref_slice %arg22[%add3A_60, %dma_start3A_423] : memref<10240x128xf32, #tpu.memory_space<vmem_shared>> -> memref<80x128xf32, #tpu.memory_space<vmem_shared>>
      %dma_start3A_425 = arith.constant 0 : i32
      %dma_start3A_426 = tpu.memref_slice %arg22[%add3A_60, %dma_start3A_425] : memref<10240x128xf32, #tpu.memory_space<vmem_shared>> -> memref<80x128xf32, #tpu.memory_space<vmem_shared>>
      tpu.enqueue_dma source(%arg18 : memref<80x128xf32, #tpu.memory_space<vmem>>) target(%dma_start3A_426 : memref<80x128xf32, #tpu.memory_space<vmem_shared>>) target_semaphore(%run_scoped3A : memref<!tpu.dma_semaphore, #tpu.memory_space<semaphore_mem>>)
      %dma_wait3A_427 = arith.constant 0 : i32
      %dma_wait3A_428 = tpu.memref_slice %arg22[%add3A_60, %dma_wait3A_427] : memref<10240x128xf32, #tpu.memory_space<vmem_shared>> -> memref<80x128xf32, #tpu.memory_space<vmem_shared>>
      %dma_wait3A_429 = arith.constant 0 : i32
      %dma_wait3A_430 = tpu.memref_slice %arg22[%add3A_60, %dma_wait3A_429] : memref<10240x128xf32, #tpu.memory_space<vmem_shared>> -> memref<80x128xf32, #tpu.memory_space<vmem_shared>>
      tpu.wait_dma2 semaphore(%run_scoped3A : memref<!tpu.dma_semaphore, #tpu.memory_space<semaphore_mem>>) src(%arg18 : memref<80x128xf32, #tpu.memory_space<vmem>>) dst(%dma_wait3A_430 : memref<80x128xf32, #tpu.memory_space<vmem_shared>>)
      tpu.yield
    }) : () -> ()
    %add3A_61 = arith.constant 160 : i32
    %add3A_62 = arith.addi %mul3A_56, %add3A_61 : i32
    "tpu.region"() ({
      %run_scoped3A = tpu.sem_alloc : memref<!tpu.dma_semaphore, #tpu.memory_space<semaphore_mem>>
      %dma_start3A_423 = arith.constant 0 : i32
      %dma_start3A_424 = tpu.memref_slice %arg22[%add3A_62, %dma_start3A_423] : memref<10240x128xf32, #tpu.memory_space<vmem_shared>> -> memref<80x128xf32, #tpu.memory_space<vmem_shared>>
      %dma_start3A_425 = arith.constant 0 : i32
      %dma_start3A_426 = tpu.memref_slice %arg22[%add3A_62, %dma_start3A_425] : memref<10240x128xf32, #tpu.memory_space<vmem_shared>> -> memref<80x128xf32, #tpu.memory_space<vmem_shared>>
      tpu.enqueue_dma source(%arg18 : memref<80x128xf32, #tpu.memory_space<vmem>>) target(%dma_start3A_426 : memref<80x128xf32, #tpu.memory_space<vmem_shared>>) target_semaphore(%run_scoped3A : memref<!tpu.dma_semaphore, #tpu.memory_space<semaphore_mem>>)
      %dma_wait3A_427 = arith.constant 0 : i32
      %dma_wait3A_428 = tpu.memref_slice %arg22[%add3A_62, %dma_wait3A_427] : memref<10240x128xf32, #tpu.memory_space<vmem_shared>> -> memref<80x128xf32, #tpu.memory_space<vmem_shared>>
      %dma_wait3A_429 = arith.constant 0 : i32
      %dma_wait3A_430 = tpu.memref_slice %arg22[%add3A_62, %dma_wait3A_429] : memref<10240x128xf32, #tpu.memory_space<vmem_shared>> -> memref<80x128xf32, #tpu.memory_space<vmem_shared>>
      tpu.wait_dma2 semaphore(%run_scoped3A : memref<!tpu.dma_semaphore, #tpu.memory_space<semaphore_mem>>) src(%arg18 : memref<80x128xf32, #tpu.memory_space<vmem>>) dst(%dma_wait3A_430 : memref<80x128xf32, #tpu.memory_space<vmem_shared>>)
      tpu.yield
    }) : () -> ()
    %add3A_63 = arith.constant 240 : i32
    %add3A_64 = arith.addi %mul3A_56, %add3A_63 : i32
    "tpu.region"() ({
      %run_scoped3A = tpu.sem_alloc : memref<!tpu.dma_semaphore, #tpu.memory_space<semaphore_mem>>
      %dma_start3A_423 = arith.constant 0 : i32
      %dma_start3A_424 = tpu.memref_slice %arg22[%add3A_64, %dma_start3A_423] : memref<10240x128xf32, #tpu.memory_space<vmem_shared>> -> memref<80x128xf32, #tpu.memory_space<vmem_shared>>
      %dma_start3A_425 = arith.constant 0 : i32
      %dma_start3A_426 = tpu.memref_slice %arg22[%add3A_64, %dma_start3A_425] : memref<10240x128xf32, #tpu.memory_space<vmem_shared>> -> memref<80x128xf32, #tpu.memory_space<vmem_shared>>
      tpu.enqueue_dma source(%arg18 : memref<80x128xf32, #tpu.memory_space<vmem>>) target(%dma_start3A_426 : memref<80x128xf32, #tpu.memory_space<vmem_shared>>) target_semaphore(%run_scoped3A : memref<!tpu.dma_semaphore, #tpu.memory_space<semaphore_mem>>)
      %dma_wait3A_427 = arith.constant 0 : i32
      %dma_wait3A_428 = tpu.memref_slice %arg22[%add3A_64, %dma_wait3A_427] : memref<10240x128xf32, #tpu.memory_space<vmem_shared>> -> memref<80x128xf32, #tpu.memory_space<vmem_shared>>
      %dma_wait3A_429 = arith.constant 0 : i32
      %dma_wait3A_430 = tpu.memref_slice %arg22[%add3A_64, %dma_wait3A_429] : memref<10240x128xf32, #tpu.memory_space<vmem_shared>> -> memref<80x128xf32, #tpu.memory_space<vmem_shared>>
      tpu.wait_dma2 semaphore(%run_scoped3A : memref<!tpu.dma_semaphore, #tpu.memory_space<semaphore_mem>>) src(%arg18 : memref<80x128xf32, #tpu.memory_space<vmem>>) dst(%dma_wait3A_430 : memref<80x128xf32, #tpu.memory_space<vmem_shared>>)
      tpu.yield
    }) : () -> ()
    %add3A_65 = arith.constant 320 : i32
    %add3A_66 = arith.addi %mul3A_56, %add3A_65 : i32
    "tpu.region"() ({
      %run_scoped3A = tpu.sem_alloc : memref<!tpu.dma_semaphore, #tpu.memory_space<semaphore_mem>>
      %dma_start3A_423 = arith.constant 0 : i32
      %dma_start3A_424 = tpu.memref_slice %arg22[%add3A_66, %dma_start3A_423] : memref<10240x128xf32, #tpu.memory_space<vmem_shared>> -> memref<80x128xf32, #tpu.memory_space<vmem_shared>>
      %dma_start3A_425 = arith.constant 0 : i32
      %dma_start3A_426 = tpu.memref_slice %arg22[%add3A_66, %dma_start3A_425] : memref<10240x128xf32, #tpu.memory_space<vmem_shared>> -> memref<80x128xf32, #tpu.memory_space<vmem_shared>>
      tpu.enqueue_dma source(%arg18 : memref<80x128xf32, #tpu.memory_space<vmem>>) target(%dma_start3A_426 : memref<80x128xf32, #tpu.memory_space<vmem_shared>>) target_semaphore(%run_scoped3A : memref<!tpu.dma_semaphore, #tpu.memory_space<semaphore_mem>>)
      %dma_wait3A_427 = arith.constant 0 : i32
      %dma_wait3A_428 = tpu.memref_slice %arg22[%add3A_66, %dma_wait3A_427] : memref<10240x128xf32, #tpu.memory_space<vmem_shared>> -> memref<80x128xf32, #tpu.memory_space<vmem_shared>>
      %dma_wait3A_429 = arith.constant 0 : i32
      %dma_wait3A_430 = tpu.memref_slice %arg22[%add3A_66, %dma_wait3A_429] : memref<10240x128xf32, #tpu.memory_space<vmem_shared>> -> memref<80x128xf32, #tpu.memory_space<vmem_shared>>
      tpu.wait_dma2 semaphore(%run_scoped3A : memref<!tpu.dma_semaphore, #tpu.memory_space<semaphore_mem>>) src(%arg18 : memref<80x128xf32, #tpu.memory_space<vmem>>) dst(%dma_wait3A_430 : memref<80x128xf32, #tpu.memory_space<vmem_shared>>)
      tpu.yield
    }) : () -> ()
    %add3A_67 = arith.constant 400 : i32
    %add3A_68 = arith.addi %mul3A_56, %add3A_67 : i32
    "tpu.region"() ({
      %run_scoped3A = tpu.sem_alloc : memref<!tpu.dma_semaphore, #tpu.memory_space<semaphore_mem>>
      %dma_start3A_423 = arith.constant 0 : i32
      %dma_start3A_424 = tpu.memref_slice %arg22[%add3A_68, %dma_start3A_423] : memref<10240x128xf32, #tpu.memory_space<vmem_shared>> -> memref<80x128xf32, #tpu.memory_space<vmem_shared>>
      %dma_start3A_425 = arith.constant 0 : i32
      %dma_start3A_426 = tpu.memref_slice %arg22[%add3A_68, %dma_start3A_425] : memref<10240x128xf32, #tpu.memory_space<vmem_shared>> -> memref<80x128xf32, #tpu.memory_space<vmem_shared>>
      tpu.enqueue_dma source(%arg18 : memref<80x128xf32, #tpu.memory_space<vmem>>) target(%dma_start3A_426 : memref<80x128xf32, #tpu.memory_space<vmem_shared>>) target_semaphore(%run_scoped3A : memref<!tpu.dma_semaphore, #tpu.memory_space<semaphore_mem>>)
      %dma_wait3A_427 = arith.constant 0 : i32
      %dma_wait3A_428 = tpu.memref_slice %arg22[%add3A_68, %dma_wait3A_427] : memref<10240x128xf32, #tpu.memory_space<vmem_shared>> -> memref<80x128xf32, #tpu.memory_space<vmem_shared>>
      %dma_wait3A_429 = arith.constant 0 : i32
      %dma_wait3A_430 = tpu.memref_slice %arg22[%add3A_68, %dma_wait3A_429] : memref<10240x128xf32, #tpu.memory_space<vmem_shared>> -> memref<80x128xf32, #tpu.memory_space<vmem_shared>>
      tpu.wait_dma2 semaphore(%run_scoped3A : memref<!tpu.dma_semaphore, #tpu.memory_space<semaphore_mem>>) src(%arg18 : memref<80x128xf32, #tpu.memory_space<vmem>>) dst(%dma_wait3A_430 : memref<80x128xf32, #tpu.memory_space<vmem_shared>>)
      tpu.yield
    }) : () -> ()
    %add3A_69 = arith.constant 480 : i32
    %add3A_70 = arith.addi %mul3A_56, %add3A_69 : i32
    "tpu.region"() ({
      %run_scoped3A = tpu.sem_alloc : memref<!tpu.dma_semaphore, #tpu.memory_space<semaphore_mem>>
      %dma_start3A_423 = arith.constant 0 : i32
      %dma_start3A_424 = tpu.memref_slice %arg22[%add3A_70, %dma_start3A_423] : memref<10240x128xf32, #tpu.memory_space<vmem_shared>> -> memref<80x128xf32, #tpu.memory_space<vmem_shared>>
      %dma_start3A_425 = arith.constant 0 : i32
      %dma_start3A_426 = tpu.memref_slice %arg22[%add3A_70, %dma_start3A_425] : memref<10240x128xf32, #tpu.memory_space<vmem_shared>> -> memref<80x128xf32, #tpu.memory_space<vmem_shared>>
      tpu.enqueue_dma source(%arg18 : memref<80x128xf32, #tpu.memory_space<vmem>>) target(%dma_start3A_426 : memref<80x128xf32, #tpu.memory_space<vmem_shared>>) target_semaphore(%run_scoped3A : memref<!tpu.dma_semaphore, #tpu.memory_space<semaphore_mem>>)
      %dma_wait3A_427 = arith.constant 0 : i32
      %dma_wait3A_428 = tpu.memref_slice %arg22[%add3A_70, %dma_wait3A_427] : memref<10240x128xf32, #tpu.memory_space<vmem_shared>> -> memref<80x128xf32, #tpu.memory_space<vmem_shared>>
      %dma_wait3A_429 = arith.constant 0 : i32
      %dma_wait3A_430 = tpu.memref_slice %arg22[%add3A_70, %dma_wait3A_429] : memref<10240x128xf32, #tpu.memory_space<vmem_shared>> -> memref<80x128xf32, #tpu.memory_space<vmem_shared>>
      tpu.wait_dma2 semaphore(%run_scoped3A : memref<!tpu.dma_semaphore, #tpu.memory_space<semaphore_mem>>) src(%arg18 : memref<80x128xf32, #tpu.memory_space<vmem>>) dst(%dma_wait3A_430 : memref<80x128xf32, #tpu.memory_space<vmem_shared>>)
      tpu.yield
    }) : () -> ()
    %add3A_71 = arith.constant 560 : i32
    %add3A_72 = arith.addi %mul3A_56, %add3A_71 : i32
    "tpu.region"() ({
      %run_scoped3A = tpu.sem_alloc : memref<!tpu.dma_semaphore, #tpu.memory_space<semaphore_mem>>
      %dma_start3A_423 = arith.constant 0 : i32
      %dma_start3A_424 = tpu.memref_slice %arg22[%add3A_72, %dma_start3A_423] : memref<10240x128xf32, #tpu.memory_space<vmem_shared>> -> memref<80x128xf32, #tpu.memory_space<vmem_shared>>
      %dma_start3A_425 = arith.constant 0 : i32
      %dma_start3A_426 = tpu.memref_slice %arg22[%add3A_72, %dma_start3A_425] : memref<10240x128xf32, #tpu.memory_space<vmem_shared>> -> memref<80x128xf32, #tpu.memory_space<vmem_shared>>
      tpu.enqueue_dma source(%arg18 : memref<80x128xf32, #tpu.memory_space<vmem>>) target(%dma_start3A_426 : memref<80x128xf32, #tpu.memory_space<vmem_shared>>) target_semaphore(%run_scoped3A : memref<!tpu.dma_semaphore, #tpu.memory_space<semaphore_mem>>)
      %dma_wait3A_427 = arith.constant 0 : i32
      %dma_wait3A_428 = tpu.memref_slice %arg22[%add3A_72, %dma_wait3A_427] : memref<10240x128xf32, #tpu.memory_space<vmem_shared>> -> memref<80x128xf32, #tpu.memory_space<vmem_shared>>
      %dma_wait3A_429 = arith.constant 0 : i32
      %dma_wait3A_430 = tpu.memref_slice %arg22[%add3A_72, %dma_wait3A_429] : memref<10240x128xf32, #tpu.memory_space<vmem_shared>> -> memref<80x128xf32, #tpu.memory_space<vmem_shared>>
      tpu.wait_dma2 semaphore(%run_scoped3A : memref<!tpu.dma_semaphore, #tpu.memory_space<semaphore_mem>>) src(%arg18 : memref<80x128xf32, #tpu.memory_space<vmem>>) dst(%dma_wait3A_430 : memref<80x128xf32, #tpu.memory_space<vmem_shared>>)
      tpu.yield
    }) : () -> ()
    %add3A_73 = arith.constant 0 : i32
    %add3A_74 = arith.addi %mul3A_2, %add3A_73 : i32
    %dma_wait3A = tpu.memref_slice %arg3[%add3A_74] : memref<322560xi32, #tpu.memory_space<hbm>> -> memref<80xi32, #tpu.memory_space<hbm>>
    %dma_wait3A_75 = tpu.memref_slice %arg3[%add3A_74] : memref<322560xi32, #tpu.memory_space<hbm>> -> memref<80xi32, #tpu.memory_space<hbm>>
    tpu.wait_dma2 semaphore(%arg23 : memref<!tpu.dma_semaphore, #tpu.memory_space<semaphore_mem>>) src(%dma_wait3A_75 : memref<80xi32, #tpu.memory_space<hbm>>) dst(%arg6 : memref<80xi32, #tpu.memory_space<vmem>>)
    %dma_start3A_76 = arith.constant 0 : i32
    %dma_start3A_77 = arith.constant 0 : i32
    %dma_start3A_78 = tpu.memref_slice %arg2[%dma_start3A_76, %dma_start3A_77] : memref<10000x128xf32, #tpu.memory_space<hbm>> -> memref<10000x128xf32, #tpu.memory_space<hbm>>
    tpu.enqueue_indirect_dma source(%dma_start3A_78 : memref<10000x128xf32, #tpu.memory_space<hbm>>) target(%arg18 : memref<80x128xf32, #tpu.memory_space<vmem>>) offsets(%arg6 : memref<80xi32, #tpu.memory_space<vmem>>) semaphore(%arg35 : memref<!tpu.dma_semaphore, #tpu.memory_space<semaphore_mem>>)
    %add3A_79 = arith.constant 80 : i32
    %add3A_80 = arith.addi %mul3A_2, %add3A_79 : i32
    %dma_wait3A_81 = tpu.memref_slice %arg3[%add3A_80] : memref<322560xi32, #tpu.memory_space<hbm>> -> memref<80xi32, #tpu.memory_space<hbm>>
    %dma_wait3A_82 = tpu.memref_slice %arg3[%add3A_80] : memref<322560xi32, #tpu.memory_space<hbm>> -> memref<80xi32, #tpu.memory_space<hbm>>
    tpu.wait_dma2 semaphore(%arg24 : memref<!tpu.dma_semaphore, #tpu.memory_space<semaphore_mem>>) src(%dma_wait3A_82 : memref<80xi32, #tpu.memory_space<hbm>>) dst(%arg7 : memref<80xi32, #tpu.memory_space<vmem>>)
    %dma_start3A_83 = arith.constant 0 : i32
    %dma_start3A_84 = arith.constant 0 : i32
    %dma_start3A_85 = tpu.memref_slice %arg2[%dma_start3A_83, %dma_start3A_84] : memref<10000x128xf32, #tpu.memory_space<hbm>> -> memref<10000x128xf32, #tpu.memory_space<hbm>>
    tpu.enqueue_indirect_dma source(%dma_start3A_85 : memref<10000x128xf32, #tpu.memory_space<hbm>>) target(%arg19 : memref<80x128xf32, #tpu.memory_space<vmem>>) offsets(%arg7 : memref<80xi32, #tpu.memory_space<vmem>>) semaphore(%arg36 : memref<!tpu.dma_semaphore, #tpu.memory_space<semaphore_mem>>)
    %add3A_86 = arith.constant 160 : i32
    %add3A_87 = arith.addi %mul3A_2, %add3A_86 : i32
    %dma_wait3A_88 = tpu.memref_slice %arg3[%add3A_87] : memref<322560xi32, #tpu.memory_space<hbm>> -> memref<80xi32, #tpu.memory_space<hbm>>
    %dma_wait3A_89 = tpu.memref_slice %arg3[%add3A_87] : memref<322560xi32, #tpu.memory_space<hbm>> -> memref<80xi32, #tpu.memory_space<hbm>>
    tpu.wait_dma2 semaphore(%arg25 : memref<!tpu.dma_semaphore, #tpu.memory_space<semaphore_mem>>) src(%dma_wait3A_89 : memref<80xi32, #tpu.memory_space<hbm>>) dst(%arg8 : memref<80xi32, #tpu.memory_space<vmem>>)
    %dma_start3A_90 = arith.constant 0 : i32
    %dma_start3A_91 = arith.constant 0 : i32
    %dma_start3A_92 = tpu.memref_slice %arg2[%dma_start3A_90, %dma_start3A_91] : memref<10000x128xf32, #tpu.memory_space<hbm>> -> memref<10000x128xf32, #tpu.memory_space<hbm>>
    tpu.enqueue_indirect_dma source(%dma_start3A_92 : memref<10000x128xf32, #tpu.memory_space<hbm>>) target(%arg20 : memref<80x128xf32, #tpu.memory_space<vmem>>) offsets(%arg8 : memref<80xi32, #tpu.memory_space<vmem>>) semaphore(%arg37 : memref<!tpu.dma_semaphore, #tpu.memory_space<semaphore_mem>>)
    %barrier3A = arith.constant 0 : index
    tpu.barrier barrier_id(%barrier3A)
    %add3A_93 = arith.constant 240 : i32
    %add3A_94 = arith.addi %mul3A_2, %add3A_93 : i32
    %dma_wait3A_95 = tpu.memref_slice %arg3[%add3A_94] : memref<322560xi32, #tpu.memory_space<hbm>> -> memref<80xi32, #tpu.memory_space<hbm>>
    %dma_wait3A_96 = tpu.memref_slice %arg3[%add3A_94] : memref<322560xi32, #tpu.memory_space<hbm>> -> memref<80xi32, #tpu.memory_space<hbm>>
    tpu.wait_dma2 semaphore(%arg26 : memref<!tpu.dma_semaphore, #tpu.memory_space<semaphore_mem>>) src(%dma_wait3A_96 : memref<80xi32, #tpu.memory_space<hbm>>) dst(%arg9 : memref<80xi32, #tpu.memory_space<vmem>>)
    %dma_start3A_97 = arith.constant 0 : i32
    %dma_start3A_98 = arith.constant 0 : i32
    %dma_start3A_99 = tpu.memref_slice %arg2[%dma_start3A_97, %dma_start3A_98] : memref<10000x128xf32, #tpu.memory_space<hbm>> -> memref<10000x128xf32, #tpu.memory_space<hbm>>
    tpu.enqueue_indirect_dma source(%dma_start3A_99 : memref<10000x128xf32, #tpu.memory_space<hbm>>) target(%arg21 : memref<80x128xf32, #tpu.memory_space<vmem>>) offsets(%arg9 : memref<80xi32, #tpu.memory_space<vmem>>) semaphore(%arg38 : memref<!tpu.dma_semaphore, #tpu.memory_space<semaphore_mem>>)
    %dma_wait3A_100 = arith.constant 0 : i32
    %dma_wait3A_101 = arith.constant 0 : i32
    %dma_wait3A_102 = tpu.memref_slice %arg2[%dma_wait3A_100, %dma_wait3A_101] : memref<10000x128xf32, #tpu.memory_space<hbm>> -> memref<10000x128xf32, #tpu.memory_space<hbm>>
    tpu.wait_indirect_dma semaphore(%arg35 : memref<!tpu.dma_semaphore, #tpu.memory_space<semaphore_mem>>) src(%dma_wait3A_102 : memref<10000x128xf32, #tpu.memory_space<hbm>>) dst(%arg18 : memref<80x128xf32, #tpu.memory_space<vmem>>)
    %add3A_103 = arith.constant 320 : i32
    %add3A_104 = arith.addi %mul3A_2, %add3A_103 : i32
    %dma_start3A_105 = tpu.memref_slice %arg3[%add3A_104] : memref<322560xi32, #tpu.memory_space<hbm>> -> memref<80xi32, #tpu.memory_space<hbm>>
    %dma_start3A_106 = tpu.memref_slice %arg3[%add3A_104] : memref<322560xi32, #tpu.memory_space<hbm>> -> memref<80xi32, #tpu.memory_space<hbm>>
    tpu.enqueue_dma source(%dma_start3A_106 : memref<80xi32, #tpu.memory_space<hbm>>) target(%arg6 : memref<80xi32, #tpu.memory_space<vmem>>) target_semaphore(%arg23 : memref<!tpu.dma_semaphore, #tpu.memory_space<semaphore_mem>>)
    %add3A_107 = arith.constant 0 : i32
    %add3A_108 = arith.addi %mul3A_2, %add3A_107 : i32
    %dma_wait3A_109 = tpu.memref_slice %arg4[%add3A_108] : memref<322560xi32, #tpu.memory_space<hbm>> -> memref<80xi32, #tpu.memory_space<hbm>>
    %dma_wait3A_110 = tpu.memref_slice %arg4[%add3A_108] : memref<322560xi32, #tpu.memory_space<hbm>> -> memref<80xi32, #tpu.memory_space<hbm>>
    tpu.wait_dma2 semaphore(%arg27 : memref<!tpu.dma_semaphore, #tpu.memory_space<semaphore_mem>>) src(%dma_wait3A_110 : memref<80xi32, #tpu.memory_space<hbm>>) dst(%arg10 : memref<80xi32, #tpu.memory_space<vmem>>)
    %dma_start3A_111 = arith.constant 0 : i32
    %dma_start3A_112 = arith.constant 0 : i32
    %dma_start3A_113 = tpu.memref_slice %arg22[%dma_start3A_111, %dma_start3A_112] : memref<10240x128xf32, #tpu.memory_space<vmem_shared>> -> memref<10240x128xf32, #tpu.memory_space<vmem_shared>>
    tpu.enqueue_indirect_dma source(%arg18 : memref<80x128xf32, #tpu.memory_space<vmem>>) target(%dma_start3A_113 : memref<10240x128xf32, #tpu.memory_space<vmem_shared>>) offsets(%arg10 : memref<80xi32, #tpu.memory_space<vmem>>) semaphore(%arg39 : memref<!tpu.dma_semaphore, #tpu.memory_space<semaphore_mem>>) {add = true}
    %scan3A_114 = arith.constant 0 : i32
    %scan3A_115 = arith.constant 0 : i32
    %scan3A_116 = arith.constant 14 : i32
    %scan3A_117 = arith.addi %scan3A_115, %scan3A_116 : i32
    %scan3A_118 = arith.constant 1 : i32
    scf.for %scan3A_423 = %scan3A_115 to %scan3A_117 step %scan3A_118  : i32 {
      %mul3A_424 = arith.constant 8 : i32
      %mul3A_425 = arith.muli %mul3A_424, %scan3A_423 : i32
      %add3A_426 = arith.constant 1 : i32
      %add3A_427 = arith.addi %mul3A_425, %add3A_426 : i32
      %add3A_428 = arith.constant 0 : i32
      %add3A_429 = arith.addi %add3A_427, %add3A_428 : i32
      %add3A_430 = arith.constant 3 : i32
      %add3A_431 = arith.addi %add3A_429, %add3A_430 : i32
      %mul3A_432 = arith.constant 80 : i32
      %mul3A_433 = arith.muli %add3A_431, %mul3A_432 : i32
      %add3A_434 = arith.addi %mul3A_2, %mul3A_433 : i32
      %dma_wait3A_435 = tpu.memref_slice %arg3[%add3A_434] : memref<322560xi32, #tpu.memory_space<hbm>> -> memref<80xi32, #tpu.memory_space<hbm>>
      %dma_wait3A_436 = tpu.memref_slice %arg3[%add3A_434] : memref<322560xi32, #tpu.memory_space<hbm>> -> memref<80xi32, #tpu.memory_space<hbm>>
      tpu.wait_dma2 semaphore(%arg23 : memref<!tpu.dma_semaphore, #tpu.memory_space<semaphore_mem>>) src(%dma_wait3A_436 : memref<80xi32, #tpu.memory_space<hbm>>) dst(%arg6 : memref<80xi32, #tpu.memory_space<vmem>>)
      %dma_wait3A_437 = arith.constant 0 : i32
      %dma_wait3A_438 = arith.constant 0 : i32
      %dma_wait3A_439 = tpu.memref_slice %arg22[%dma_wait3A_437, %dma_wait3A_438] : memref<10240x128xf32, #tpu.memory_space<vmem_shared>> -> memref<10240x128xf32, #tpu.memory_space<vmem_shared>>
      tpu.wait_indirect_dma semaphore(%arg39 : memref<!tpu.dma_semaphore, #tpu.memory_space<semaphore_mem>>) src(%arg18 : memref<80x128xf32, #tpu.memory_space<vmem>>) dst(%dma_wait3A_439 : memref<10240x128xf32, #tpu.memory_space<vmem_shared>>)
      %dma_start3A_440 = arith.constant 0 : i32
      %dma_start3A_441 = arith.constant 0 : i32
      %dma_start3A_442 = tpu.memref_slice %arg2[%dma_start3A_440, %dma_start3A_441] : memref<10000x128xf32, #tpu.memory_space<hbm>> -> memref<10000x128xf32, #tpu.memory_space<hbm>>
      tpu.enqueue_indirect_dma source(%dma_start3A_442 : memref<10000x128xf32, #tpu.memory_space<hbm>>) target(%arg18 : memref<80x128xf32, #tpu.memory_space<vmem>>) offsets(%arg6 : memref<80xi32, #tpu.memory_space<vmem>>) semaphore(%arg35 : memref<!tpu.dma_semaphore, #tpu.memory_space<semaphore_mem>>)
      %dma_wait3A_443 = arith.constant 0 : i32
      %dma_wait3A_444 = arith.constant 0 : i32
      %dma_wait3A_445 = tpu.memref_slice %arg2[%dma_wait3A_443, %dma_wait3A_444] : memref<10000x128xf32, #tpu.memory_space<hbm>> -> memref<10000x128xf32, #tpu.memory_space<hbm>>
      tpu.wait_indirect_dma semaphore(%arg36 : memref<!tpu.dma_semaphore, #tpu.memory_space<semaphore_mem>>) src(%dma_wait3A_445 : memref<10000x128xf32, #tpu.memory_space<hbm>>) dst(%arg19 : memref<80x128xf32, #tpu.memory_space<vmem>>)
      %add3A_446 = arith.constant 4 : i32
      %add3A_447 = arith.addi %add3A_429, %add3A_446 : i32
      %mul3A_448 = arith.constant 80 : i32
      %mul3A_449 = arith.muli %add3A_447, %mul3A_448 : i32
      %add3A_450 = arith.addi %mul3A_2, %mul3A_449 : i32
      %dma_start3A_451 = tpu.memref_slice %arg3[%add3A_450] : memref<322560xi32, #tpu.memory_space<hbm>> -> memref<80xi32, #tpu.memory_space<hbm>>
      %dma_start3A_452 = tpu.memref_slice %arg3[%add3A_450] : memref<322560xi32, #tpu.memory_space<hbm>> -> memref<80xi32, #tpu.memory_space<hbm>>
      tpu.enqueue_dma source(%dma_start3A_452 : memref<80xi32, #tpu.memory_space<hbm>>) target(%arg7 : memref<80xi32, #tpu.memory_space<vmem>>) target_semaphore(%arg24 : memref<!tpu.dma_semaphore, #tpu.memory_space<semaphore_mem>>)
      %mul3A_453 = arith.constant 80 : i32
      %mul3A_454 = arith.muli %add3A_429, %mul3A_453 : i32
      %add3A_455 = arith.addi %mul3A_2, %mul3A_454 : i32
      %dma_wait3A_456 = tpu.memref_slice %arg4[%add3A_455] : memref<322560xi32, #tpu.memory_space<hbm>> -> memref<80xi32, #tpu.memory_space<hbm>>
      %dma_wait3A_457 = tpu.memref_slice %arg4[%add3A_455] : memref<322560xi32, #tpu.memory_space<hbm>> -> memref<80xi32, #tpu.memory_space<hbm>>
      tpu.wait_dma2 semaphore(%arg28 : memref<!tpu.dma_semaphore, #tpu.memory_space<semaphore_mem>>) src(%dma_wait3A_457 : memref<80xi32, #tpu.memory_space<hbm>>) dst(%arg11 : memref<80xi32, #tpu.memory_space<vmem>>)
      %dma_start3A_458 = arith.constant 0 : i32
      %dma_start3A_459 = arith.constant 0 : i32
      %dma_start3A_460 = tpu.memref_slice %arg22[%dma_start3A_458, %dma_start3A_459] : memref<10240x128xf32, #tpu.memory_space<vmem_shared>> -> memref<10240x128xf32, #tpu.memory_space<vmem_shared>>
      tpu.enqueue_indirect_dma source(%arg19 : memref<80x128xf32, #tpu.memory_space<vmem>>) target(%dma_start3A_460 : memref<10240x128xf32, #tpu.memory_space<vmem_shared>>) offsets(%arg11 : memref<80xi32, #tpu.memory_space<vmem>>) semaphore(%arg40 : memref<!tpu.dma_semaphore, #tpu.memory_space<semaphore_mem>>) {add = true}
      %add3A_461 = arith.constant 7 : i32
      %add3A_462 = arith.addi %add3A_429, %add3A_461 : i32
      %mul3A_463 = arith.constant 80 : i32
      %mul3A_464 = arith.muli %add3A_462, %mul3A_463 : i32
      %add3A_465 = arith.addi %mul3A_2, %mul3A_464 : i32
      %dma_start3A_466 = tpu.memref_slice %arg4[%add3A_465] : memref<322560xi32, #tpu.memory_space<hbm>> -> memref<80xi32, #tpu.memory_space<hbm>>
      %dma_start3A_467 = tpu.memref_slice %arg4[%add3A_465] : memref<322560xi32, #tpu.memory_space<hbm>> -> memref<80xi32, #tpu.memory_space<hbm>>
      tpu.enqueue_dma source(%dma_start3A_467 : memref<80xi32, #tpu.memory_space<hbm>>) target(%arg10 : memref<80xi32, #tpu.memory_space<vmem>>) target_semaphore(%arg27 : memref<!tpu.dma_semaphore, #tpu.memory_space<semaphore_mem>>)
      %add3A_468 = arith.constant 1 : i32
      %add3A_469 = arith.addi %add3A_427, %add3A_468 : i32
      %add3A_470 = arith.constant 3 : i32
      %add3A_471 = arith.addi %add3A_469, %add3A_470 : i32
      %mul3A_472 = arith.constant 80 : i32
      %mul3A_473 = arith.muli %add3A_471, %mul3A_472 : i32
      %add3A_474 = arith.addi %mul3A_2, %mul3A_473 : i32
      %dma_wait3A_475 = tpu.memref_slice %arg3[%add3A_474] : memref<322560xi32, #tpu.memory_space<hbm>> -> memref<80xi32, #tpu.memory_space<hbm>>
      %dma_wait3A_476 = tpu.memref_slice %arg3[%add3A_474] : memref<322560xi32, #tpu.memory_space<hbm>> -> memref<80xi32, #tpu.memory_space<hbm>>
      tpu.wait_dma2 semaphore(%arg24 : memref<!tpu.dma_semaphore, #tpu.memory_space<semaphore_mem>>) src(%dma_wait3A_476 : memref<80xi32, #tpu.memory_space<hbm>>) dst(%arg7 : memref<80xi32, #tpu.memory_space<vmem>>)
      %dma_wait3A_477 = arith.constant 0 : i32
      %dma_wait3A_478 = arith.constant 0 : i32
      %dma_wait3A_479 = tpu.memref_slice %arg22[%dma_wait3A_477, %dma_wait3A_478] : memref<10240x128xf32, #tpu.memory_space<vmem_shared>> -> memref<10240x128xf32, #tpu.memory_space<vmem_shared>>
      tpu.wait_indirect_dma semaphore(%arg40 : memref<!tpu.dma_semaphore, #tpu.memory_space<semaphore_mem>>) src(%arg19 : memref<80x128xf32, #tpu.memory_space<vmem>>) dst(%dma_wait3A_479 : memref<10240x128xf32, #tpu.memory_space<vmem_shared>>)
      %dma_start3A_480 = arith.constant 0 : i32
      %dma_start3A_481 = arith.constant 0 : i32
      %dma_start3A_482 = tpu.memref_slice %arg2[%dma_start3A_480, %dma_start3A_481] : memref<10000x128xf32, #tpu.memory_space<hbm>> -> memref<10000x128xf32, #tpu.memory_space<hbm>>
      tpu.enqueue_indirect_dma source(%dma_start3A_482 : memref<10000x128xf32, #tpu.memory_space<hbm>>) target(%arg19 : memref<80x128xf32, #tpu.memory_space<vmem>>) offsets(%arg7 : memref<80xi32, #tpu.memory_space<vmem>>) semaphore(%arg36 : memref<!tpu.dma_semaphore, #tpu.memory_space<semaphore_mem>>)
      %dma_wait3A_483 = arith.constant 0 : i32
      %dma_wait3A_484 = arith.constant 0 : i32
      %dma_wait3A_485 = tpu.memref_slice %arg2[%dma_wait3A_483, %dma_wait3A_484] : memref<10000x128xf32, #tpu.memory_space<hbm>> -> memref<10000x128xf32, #tpu.memory_space<hbm>>
      tpu.wait_indirect_dma semaphore(%arg37 : memref<!tpu.dma_semaphore, #tpu.memory_space<semaphore_mem>>) src(%dma_wait3A_485 : memref<10000x128xf32, #tpu.memory_space<hbm>>) dst(%arg20 : memref<80x128xf32, #tpu.memory_space<vmem>>)
      %add3A_486 = arith.constant 4 : i32
      %add3A_487 = arith.addi %add3A_469, %add3A_486 : i32
      %mul3A_488 = arith.constant 80 : i32
      %mul3A_489 = arith.muli %add3A_487, %mul3A_488 : i32
      %add3A_490 = arith.addi %mul3A_2, %mul3A_489 : i32
      %dma_start3A_491 = tpu.memref_slice %arg3[%add3A_490] : memref<322560xi32, #tpu.memory_space<hbm>> -> memref<80xi32, #tpu.memory_space<hbm>>
      %dma_start3A_492 = tpu.memref_slice %arg3[%add3A_490] : memref<322560xi32, #tpu.memory_space<hbm>> -> memref<80xi32, #tpu.memory_space<hbm>>
      tpu.enqueue_dma source(%dma_start3A_492 : memref<80xi32, #tpu.memory_space<hbm>>) target(%arg8 : memref<80xi32, #tpu.memory_space<vmem>>) target_semaphore(%arg25 : memref<!tpu.dma_semaphore, #tpu.memory_space<semaphore_mem>>)
      %mul3A_493 = arith.constant 80 : i32
      %mul3A_494 = arith.muli %add3A_469, %mul3A_493 : i32
      %add3A_495 = arith.addi %mul3A_2, %mul3A_494 : i32
      %dma_wait3A_496 = tpu.memref_slice %arg4[%add3A_495] : memref<322560xi32, #tpu.memory_space<hbm>> -> memref<80xi32, #tpu.memory_space<hbm>>
      %dma_wait3A_497 = tpu.memref_slice %arg4[%add3A_495] : memref<322560xi32, #tpu.memory_space<hbm>> -> memref<80xi32, #tpu.memory_space<hbm>>
      tpu.wait_dma2 semaphore(%arg29 : memref<!tpu.dma_semaphore, #tpu.memory_space<semaphore_mem>>) src(%dma_wait3A_497 : memref<80xi32, #tpu.memory_space<hbm>>) dst(%arg12 : memref<80xi32, #tpu.memory_space<vmem>>)
      %dma_start3A_498 = arith.constant 0 : i32
      %dma_start3A_499 = arith.constant 0 : i32
      %dma_start3A_500 = tpu.memref_slice %arg22[%dma_start3A_498, %dma_start3A_499] : memref<10240x128xf32, #tpu.memory_space<vmem_shared>> -> memref<10240x128xf32, #tpu.memory_space<vmem_shared>>
      tpu.enqueue_indirect_dma source(%arg20 : memref<80x128xf32, #tpu.memory_space<vmem>>) target(%dma_start3A_500 : memref<10240x128xf32, #tpu.memory_space<vmem_shared>>) offsets(%arg12 : memref<80xi32, #tpu.memory_space<vmem>>) semaphore(%arg41 : memref<!tpu.dma_semaphore, #tpu.memory_space<semaphore_mem>>) {add = true}
      %add3A_501 = arith.constant 7 : i32
      %add3A_502 = arith.addi %add3A_469, %add3A_501 : i32
      %mul3A_503 = arith.constant 80 : i32
      %mul3A_504 = arith.muli %add3A_502, %mul3A_503 : i32
      %add3A_505 = arith.addi %mul3A_2, %mul3A_504 : i32
      %dma_start3A_506 = tpu.memref_slice %arg4[%add3A_505] : memref<322560xi32, #tpu.memory_space<hbm>> -> memref<80xi32, #tpu.memory_space<hbm>>
      %dma_start3A_507 = tpu.memref_slice %arg4[%add3A_505] : memref<322560xi32, #tpu.memory_space<hbm>> -> memref<80xi32, #tpu.memory_space<hbm>>
      tpu.enqueue_dma source(%dma_start3A_507 : memref<80xi32, #tpu.memory_space<hbm>>) target(%arg11 : memref<80xi32, #tpu.memory_space<vmem>>) target_semaphore(%arg28 : memref<!tpu.dma_semaphore, #tpu.memory_space<semaphore_mem>>)
      %add3A_508 = arith.constant 2 : i32
      %add3A_509 = arith.addi %add3A_427, %add3A_508 : i32
      %add3A_510 = arith.constant 3 : i32
      %add3A_511 = arith.addi %add3A_509, %add3A_510 : i32
      %mul3A_512 = arith.constant 80 : i32
      %mul3A_513 = arith.muli %add3A_511, %mul3A_512 : i32
      %add3A_514 = arith.addi %mul3A_2, %mul3A_513 : i32
      %dma_wait3A_515 = tpu.memref_slice %arg3[%add3A_514] : memref<322560xi32, #tpu.memory_space<hbm>> -> memref<80xi32, #tpu.memory_space<hbm>>
      %dma_wait3A_516 = tpu.memref_slice %arg3[%add3A_514] : memref<322560xi32, #tpu.memory_space<hbm>> -> memref<80xi32, #tpu.memory_space<hbm>>
      tpu.wait_dma2 semaphore(%arg25 : memref<!tpu.dma_semaphore, #tpu.memory_space<semaphore_mem>>) src(%dma_wait3A_516 : memref<80xi32, #tpu.memory_space<hbm>>) dst(%arg8 : memref<80xi32, #tpu.memory_space<vmem>>)
      %dma_wait3A_517 = arith.constant 0 : i32
      %dma_wait3A_518 = arith.constant 0 : i32
      %dma_wait3A_519 = tpu.memref_slice %arg22[%dma_wait3A_517, %dma_wait3A_518] : memref<10240x128xf32, #tpu.memory_space<vmem_shared>> -> memref<10240x128xf32, #tpu.memory_space<vmem_shared>>
      tpu.wait_indirect_dma semaphore(%arg41 : memref<!tpu.dma_semaphore, #tpu.memory_space<semaphore_mem>>) src(%arg20 : memref<80x128xf32, #tpu.memory_space<vmem>>) dst(%dma_wait3A_519 : memref<10240x128xf32, #tpu.memory_space<vmem_shared>>)
      %dma_start3A_520 = arith.constant 0 : i32
      %dma_start3A_521 = arith.constant 0 : i32
      %dma_start3A_522 = tpu.memref_slice %arg2[%dma_start3A_520, %dma_start3A_521] : memref<10000x128xf32, #tpu.memory_space<hbm>> -> memref<10000x128xf32, #tpu.memory_space<hbm>>
      tpu.enqueue_indirect_dma source(%dma_start3A_522 : memref<10000x128xf32, #tpu.memory_space<hbm>>) target(%arg20 : memref<80x128xf32, #tpu.memory_space<vmem>>) offsets(%arg8 : memref<80xi32, #tpu.memory_space<vmem>>) semaphore(%arg37 : memref<!tpu.dma_semaphore, #tpu.memory_space<semaphore_mem>>)
      %dma_wait3A_523 = arith.constant 0 : i32
      %dma_wait3A_524 = arith.constant 0 : i32
      %dma_wait3A_525 = tpu.memref_slice %arg2[%dma_wait3A_523, %dma_wait3A_524] : memref<10000x128xf32, #tpu.memory_space<hbm>> -> memref<10000x128xf32, #tpu.memory_space<hbm>>
      tpu.wait_indirect_dma semaphore(%arg38 : memref<!tpu.dma_semaphore, #tpu.memory_space<semaphore_mem>>) src(%dma_wait3A_525 : memref<10000x128xf32, #tpu.memory_space<hbm>>) dst(%arg21 : memref<80x128xf32, #tpu.memory_space<vmem>>)
      %add3A_526 = arith.constant 4 : i32
      %add3A_527 = arith.addi %add3A_509, %add3A_526 : i32
      %mul3A_528 = arith.constant 80 : i32
      %mul3A_529 = arith.muli %add3A_527, %mul3A_528 : i32
      %add3A_530 = arith.addi %mul3A_2, %mul3A_529 : i32
      %dma_start3A_531 = tpu.memref_slice %arg3[%add3A_530] : memref<322560xi32, #tpu.memory_space<hbm>> -> memref<80xi32, #tpu.memory_space<hbm>>
      %dma_start3A_532 = tpu.memref_slice %arg3[%add3A_530] : memref<322560xi32, #tpu.memory_space<hbm>> -> memref<80xi32, #tpu.memory_space<hbm>>
      tpu.enqueue_dma source(%dma_start3A_532 : memref<80xi32, #tpu.memory_space<hbm>>) target(%arg9 : memref<80xi32, #tpu.memory_space<vmem>>) target_semaphore(%arg26 : memref<!tpu.dma_semaphore, #tpu.memory_space<semaphore_mem>>)
      %mul3A_533 = arith.constant 80 : i32
      %mul3A_534 = arith.muli %add3A_509, %mul3A_533 : i32
      %add3A_535 = arith.addi %mul3A_2, %mul3A_534 : i32
      %dma_wait3A_536 = tpu.memref_slice %arg4[%add3A_535] : memref<322560xi32, #tpu.memory_space<hbm>> -> memref<80xi32, #tpu.memory_space<hbm>>
      %dma_wait3A_537 = tpu.memref_slice %arg4[%add3A_535] : memref<322560xi32, #tpu.memory_space<hbm>> -> memref<80xi32, #tpu.memory_space<hbm>>
      tpu.wait_dma2 semaphore(%arg30 : memref<!tpu.dma_semaphore, #tpu.memory_space<semaphore_mem>>) src(%dma_wait3A_537 : memref<80xi32, #tpu.memory_space<hbm>>) dst(%arg13 : memref<80xi32, #tpu.memory_space<vmem>>)
      %dma_start3A_538 = arith.constant 0 : i32
      %dma_start3A_539 = arith.constant 0 : i32
      %dma_start3A_540 = tpu.memref_slice %arg22[%dma_start3A_538, %dma_start3A_539] : memref<10240x128xf32, #tpu.memory_space<vmem_shared>> -> memref<10240x128xf32, #tpu.memory_space<vmem_shared>>
      tpu.enqueue_indirect_dma source(%arg21 : memref<80x128xf32, #tpu.memory_space<vmem>>) target(%dma_start3A_540 : memref<10240x128xf32, #tpu.memory_space<vmem_shared>>) offsets(%arg13 : memref<80xi32, #tpu.memory_space<vmem>>) semaphore(%arg42 : memref<!tpu.dma_semaphore, #tpu.memory_space<semaphore_mem>>) {add = true}
      %add3A_541 = arith.constant 7 : i32
      %add3A_542 = arith.addi %add3A_509, %add3A_541 : i32
      %mul3A_543 = arith.constant 80 : i32
      %mul3A_544 = arith.muli %add3A_542, %mul3A_543 : i32
      %add3A_545 = arith.addi %mul3A_2, %mul3A_544 : i32
      %dma_start3A_546 = tpu.memref_slice %arg4[%add3A_545] : memref<322560xi32, #tpu.memory_space<hbm>> -> memref<80xi32, #tpu.memory_space<hbm>>
      %dma_start3A_547 = tpu.memref_slice %arg4[%add3A_545] : memref<322560xi32, #tpu.memory_space<hbm>> -> memref<80xi32, #tpu.memory_space<hbm>>
      tpu.enqueue_dma source(%dma_start3A_547 : memref<80xi32, #tpu.memory_space<hbm>>) target(%arg12 : memref<80xi32, #tpu.memory_space<vmem>>) target_semaphore(%arg29 : memref<!tpu.dma_semaphore, #tpu.memory_space<semaphore_mem>>)
      %add3A_548 = arith.constant 3 : i32
      %add3A_549 = arith.addi %add3A_427, %add3A_548 : i32
      %add3A_550 = arith.constant 3 : i32
      %add3A_551 = arith.addi %add3A_549, %add3A_550 : i32
      %mul3A_552 = arith.constant 80 : i32
      %mul3A_553 = arith.muli %add3A_551, %mul3A_552 : i32
      %add3A_554 = arith.addi %mul3A_2, %mul3A_553 : i32
      %dma_wait3A_555 = tpu.memref_slice %arg3[%add3A_554] : memref<322560xi32, #tpu.memory_space<hbm>> -> memref<80xi32, #tpu.memory_space<hbm>>
      %dma_wait3A_556 = tpu.memref_slice %arg3[%add3A_554] : memref<322560xi32, #tpu.memory_space<hbm>> -> memref<80xi32, #tpu.memory_space<hbm>>
      tpu.wait_dma2 semaphore(%arg26 : memref<!tpu.dma_semaphore, #tpu.memory_space<semaphore_mem>>) src(%dma_wait3A_556 : memref<80xi32, #tpu.memory_space<hbm>>) dst(%arg9 : memref<80xi32, #tpu.memory_space<vmem>>)
      %dma_wait3A_557 = arith.constant 0 : i32
      %dma_wait3A_558 = arith.constant 0 : i32
      %dma_wait3A_559 = tpu.memref_slice %arg22[%dma_wait3A_557, %dma_wait3A_558] : memref<10240x128xf32, #tpu.memory_space<vmem_shared>> -> memref<10240x128xf32, #tpu.memory_space<vmem_shared>>
      tpu.wait_indirect_dma semaphore(%arg42 : memref<!tpu.dma_semaphore, #tpu.memory_space<semaphore_mem>>) src(%arg21 : memref<80x128xf32, #tpu.memory_space<vmem>>) dst(%dma_wait3A_559 : memref<10240x128xf32, #tpu.memory_space<vmem_shared>>)
      %dma_start3A_560 = arith.constant 0 : i32
      %dma_start3A_561 = arith.constant 0 : i32
      %dma_start3A_562 = tpu.memref_slice %arg2[%dma_start3A_560, %dma_start3A_561] : memref<10000x128xf32, #tpu.memory_space<hbm>> -> memref<10000x128xf32, #tpu.memory_space<hbm>>
      tpu.enqueue_indirect_dma source(%dma_start3A_562 : memref<10000x128xf32, #tpu.memory_space<hbm>>) target(%arg21 : memref<80x128xf32, #tpu.memory_space<vmem>>) offsets(%arg9 : memref<80xi32, #tpu.memory_space<vmem>>) semaphore(%arg38 : memref<!tpu.dma_semaphore, #tpu.memory_space<semaphore_mem>>)
      %dma_wait3A_563 = arith.constant 0 : i32
      %dma_wait3A_564 = arith.constant 0 : i32
      %dma_wait3A_565 = tpu.memref_slice %arg2[%dma_wait3A_563, %dma_wait3A_564] : memref<10000x128xf32, #tpu.memory_space<hbm>> -> memref<10000x128xf32, #tpu.memory_space<hbm>>
      tpu.wait_indirect_dma semaphore(%arg35 : memref<!tpu.dma_semaphore, #tpu.memory_space<semaphore_mem>>) src(%dma_wait3A_565 : memref<10000x128xf32, #tpu.memory_space<hbm>>) dst(%arg18 : memref<80x128xf32, #tpu.memory_space<vmem>>)
      %add3A_566 = arith.constant 4 : i32
      %add3A_567 = arith.addi %add3A_549, %add3A_566 : i32
      %mul3A_568 = arith.constant 80 : i32
      %mul3A_569 = arith.muli %add3A_567, %mul3A_568 : i32
      %add3A_570 = arith.addi %mul3A_2, %mul3A_569 : i32
      %dma_start3A_571 = tpu.memref_slice %arg3[%add3A_570] : memref<322560xi32, #tpu.memory_space<hbm>> -> memref<80xi32, #tpu.memory_space<hbm>>
      %dma_start3A_572 = tpu.memref_slice %arg3[%add3A_570] : memref<322560xi32, #tpu.memory_space<hbm>> -> memref<80xi32, #tpu.memory_space<hbm>>
      tpu.enqueue_dma source(%dma_start3A_572 : memref<80xi32, #tpu.memory_space<hbm>>) target(%arg6 : memref<80xi32, #tpu.memory_space<vmem>>) target_semaphore(%arg23 : memref<!tpu.dma_semaphore, #tpu.memory_space<semaphore_mem>>)
      %mul3A_573 = arith.constant 80 : i32
      %mul3A_574 = arith.muli %add3A_549, %mul3A_573 : i32
      %add3A_575 = arith.addi %mul3A_2, %mul3A_574 : i32
      %dma_wait3A_576 = tpu.memref_slice %arg4[%add3A_575] : memref<322560xi32, #tpu.memory_space<hbm>> -> memref<80xi32, #tpu.memory_space<hbm>>
      %dma_wait3A_577 = tpu.memref_slice %arg4[%add3A_575] : memref<322560xi32, #tpu.memory_space<hbm>> -> memref<80xi32, #tpu.memory_space<hbm>>
      tpu.wait_dma2 semaphore(%arg31 : memref<!tpu.dma_semaphore, #tpu.memory_space<semaphore_mem>>) src(%dma_wait3A_577 : memref<80xi32, #tpu.memory_space<hbm>>) dst(%arg14 : memref<80xi32, #tpu.memory_space<vmem>>)
      %dma_start3A_578 = arith.constant 0 : i32
      %dma_start3A_579 = arith.constant 0 : i32
      %dma_start3A_580 = tpu.memref_slice %arg22[%dma_start3A_578, %dma_start3A_579] : memref<10240x128xf32, #tpu.memory_space<vmem_shared>> -> memref<10240x128xf32, #tpu.memory_space<vmem_shared>>
      tpu.enqueue_indirect_dma source(%arg18 : memref<80x128xf32, #tpu.memory_space<vmem>>) target(%dma_start3A_580 : memref<10240x128xf32, #tpu.memory_space<vmem_shared>>) offsets(%arg14 : memref<80xi32, #tpu.memory_space<vmem>>) semaphore(%arg39 : memref<!tpu.dma_semaphore, #tpu.memory_space<semaphore_mem>>) {add = true}
      %add3A_581 = arith.constant 7 : i32
      %add3A_582 = arith.addi %add3A_549, %add3A_581 : i32
      %mul3A_583 = arith.constant 80 : i32
      %mul3A_584 = arith.muli %add3A_582, %mul3A_583 : i32
      %add3A_585 = arith.addi %mul3A_2, %mul3A_584 : i32
      %dma_start3A_586 = tpu.memref_slice %arg4[%add3A_585] : memref<322560xi32, #tpu.memory_space<hbm>> -> memref<80xi32, #tpu.memory_space<hbm>>
      %dma_start3A_587 = tpu.memref_slice %arg4[%add3A_585] : memref<322560xi32, #tpu.memory_space<hbm>> -> memref<80xi32, #tpu.memory_space<hbm>>
      tpu.enqueue_dma source(%dma_start3A_587 : memref<80xi32, #tpu.memory_space<hbm>>) target(%arg13 : memref<80xi32, #tpu.memory_space<vmem>>) target_semaphore(%arg30 : memref<!tpu.dma_semaphore, #tpu.memory_space<semaphore_mem>>)
      %add3A_588 = arith.constant 4 : i32
      %add3A_589 = arith.addi %add3A_427, %add3A_588 : i32
      %add3A_590 = arith.constant 3 : i32
      %add3A_591 = arith.addi %add3A_589, %add3A_590 : i32
      %mul3A_592 = arith.constant 80 : i32
      %mul3A_593 = arith.muli %add3A_591, %mul3A_592 : i32
      %add3A_594 = arith.addi %mul3A_2, %mul3A_593 : i32
      %dma_wait3A_595 = tpu.memref_slice %arg3[%add3A_594] : memref<322560xi32, #tpu.memory_space<hbm>> -> memref<80xi32, #tpu.memory_space<hbm>>
      %dma_wait3A_596 = tpu.memref_slice %arg3[%add3A_594] : memref<322560xi32, #tpu.memory_space<hbm>> -> memref<80xi32, #tpu.memory_space<hbm>>
      tpu.wait_dma2 semaphore(%arg23 : memref<!tpu.dma_semaphore, #tpu.memory_space<semaphore_mem>>) src(%dma_wait3A_596 : memref<80xi32, #tpu.memory_space<hbm>>) dst(%arg6 : memref<80xi32, #tpu.memory_space<vmem>>)
      %dma_wait3A_597 = arith.constant 0 : i32
      %dma_wait3A_598 = arith.constant 0 : i32
      %dma_wait3A_599 = tpu.memref_slice %arg22[%dma_wait3A_597, %dma_wait3A_598] : memref<10240x128xf32, #tpu.memory_space<vmem_shared>> -> memref<10240x128xf32, #tpu.memory_space<vmem_shared>>
      tpu.wait_indirect_dma semaphore(%arg39 : memref<!tpu.dma_semaphore, #tpu.memory_space<semaphore_mem>>) src(%arg18 : memref<80x128xf32, #tpu.memory_space<vmem>>) dst(%dma_wait3A_599 : memref<10240x128xf32, #tpu.memory_space<vmem_shared>>)
      %dma_start3A_600 = arith.constant 0 : i32
      %dma_start3A_601 = arith.constant 0 : i32
      %dma_start3A_602 = tpu.memref_slice %arg2[%dma_start3A_600, %dma_start3A_601] : memref<10000x128xf32, #tpu.memory_space<hbm>> -> memref<10000x128xf32, #tpu.memory_space<hbm>>
      tpu.enqueue_indirect_dma source(%dma_start3A_602 : memref<10000x128xf32, #tpu.memory_space<hbm>>) target(%arg18 : memref<80x128xf32, #tpu.memory_space<vmem>>) offsets(%arg6 : memref<80xi32, #tpu.memory_space<vmem>>) semaphore(%arg35 : memref<!tpu.dma_semaphore, #tpu.memory_space<semaphore_mem>>)
      %dma_wait3A_603 = arith.constant 0 : i32
      %dma_wait3A_604 = arith.constant 0 : i32
      %dma_wait3A_605 = tpu.memref_slice %arg2[%dma_wait3A_603, %dma_wait3A_604] : memref<10000x128xf32, #tpu.memory_space<hbm>> -> memref<10000x128xf32, #tpu.memory_space<hbm>>
      tpu.wait_indirect_dma semaphore(%arg36 : memref<!tpu.dma_semaphore, #tpu.memory_space<semaphore_mem>>) src(%dma_wait3A_605 : memref<10000x128xf32, #tpu.memory_space<hbm>>) dst(%arg19 : memref<80x128xf32, #tpu.memory_space<vmem>>)
      %add3A_606 = arith.constant 4 : i32
      %add3A_607 = arith.addi %add3A_589, %add3A_606 : i32
      %mul3A_608 = arith.constant 80 : i32
      %mul3A_609 = arith.muli %add3A_607, %mul3A_608 : i32
      %add3A_610 = arith.addi %mul3A_2, %mul3A_609 : i32
      %dma_start3A_611 = tpu.memref_slice %arg3[%add3A_610] : memref<322560xi32, #tpu.memory_space<hbm>> -> memref<80xi32, #tpu.memory_space<hbm>>
      %dma_start3A_612 = tpu.memref_slice %arg3[%add3A_610] : memref<322560xi32, #tpu.memory_space<hbm>> -> memref<80xi32, #tpu.memory_space<hbm>>
      tpu.enqueue_dma source(%dma_start3A_612 : memref<80xi32, #tpu.memory_space<hbm>>) target(%arg7 : memref<80xi32, #tpu.memory_space<vmem>>) target_semaphore(%arg24 : memref<!tpu.dma_semaphore, #tpu.memory_space<semaphore_mem>>)
      %mul3A_613 = arith.constant 80 : i32
      %mul3A_614 = arith.muli %add3A_589, %mul3A_613 : i32
      %add3A_615 = arith.addi %mul3A_2, %mul3A_614 : i32
      %dma_wait3A_616 = tpu.memref_slice %arg4[%add3A_615] : memref<322560xi32, #tpu.memory_space<hbm>> -> memref<80xi32, #tpu.memory_space<hbm>>
      %dma_wait3A_617 = tpu.memref_slice %arg4[%add3A_615] : memref<322560xi32, #tpu.memory_space<hbm>> -> memref<80xi32, #tpu.memory_space<hbm>>
      tpu.wait_dma2 semaphore(%arg32 : memref<!tpu.dma_semaphore, #tpu.memory_space<semaphore_mem>>) src(%dma_wait3A_617 : memref<80xi32, #tpu.memory_space<hbm>>) dst(%arg15 : memref<80xi32, #tpu.memory_space<vmem>>)
      %dma_start3A_618 = arith.constant 0 : i32
      %dma_start3A_619 = arith.constant 0 : i32
      %dma_start3A_620 = tpu.memref_slice %arg22[%dma_start3A_618, %dma_start3A_619] : memref<10240x128xf32, #tpu.memory_space<vmem_shared>> -> memref<10240x128xf32, #tpu.memory_space<vmem_shared>>
      tpu.enqueue_indirect_dma source(%arg19 : memref<80x128xf32, #tpu.memory_space<vmem>>) target(%dma_start3A_620 : memref<10240x128xf32, #tpu.memory_space<vmem_shared>>) offsets(%arg15 : memref<80xi32, #tpu.memory_space<vmem>>) semaphore(%arg40 : memref<!tpu.dma_semaphore, #tpu.memory_space<semaphore_mem>>) {add = true}
      %add3A_621 = arith.constant 7 : i32
      %add3A_622 = arith.addi %add3A_589, %add3A_621 : i32
      %mul3A_623 = arith.constant 80 : i32
      %mul3A_624 = arith.muli %add3A_622, %mul3A_623 : i32
      %add3A_625 = arith.addi %mul3A_2, %mul3A_624 : i32
      %dma_start3A_626 = tpu.memref_slice %arg4[%add3A_625] : memref<322560xi32, #tpu.memory_space<hbm>> -> memref<80xi32, #tpu.memory_space<hbm>>
      %dma_start3A_627 = tpu.memref_slice %arg4[%add3A_625] : memref<322560xi32, #tpu.memory_space<hbm>> -> memref<80xi32, #tpu.memory_space<hbm>>
      tpu.enqueue_dma source(%dma_start3A_627 : memref<80xi32, #tpu.memory_space<hbm>>) target(%arg14 : memref<80xi32, #tpu.memory_space<vmem>>) target_semaphore(%arg31 : memref<!tpu.dma_semaphore, #tpu.memory_space<semaphore_mem>>)
      %add3A_628 = arith.constant 5 : i32
      %add3A_629 = arith.addi %add3A_427, %add3A_628 : i32
      %add3A_630 = arith.constant 3 : i32
      %add3A_631 = arith.addi %add3A_629, %add3A_630 : i32
      %mul3A_632 = arith.constant 80 : i32
      %mul3A_633 = arith.muli %add3A_631, %mul3A_632 : i32
      %add3A_634 = arith.addi %mul3A_2, %mul3A_633 : i32
      %dma_wait3A_635 = tpu.memref_slice %arg3[%add3A_634] : memref<322560xi32, #tpu.memory_space<hbm>> -> memref<80xi32, #tpu.memory_space<hbm>>
      %dma_wait3A_636 = tpu.memref_slice %arg3[%add3A_634] : memref<322560xi32, #tpu.memory_space<hbm>> -> memref<80xi32, #tpu.memory_space<hbm>>
      tpu.wait_dma2 semaphore(%arg24 : memref<!tpu.dma_semaphore, #tpu.memory_space<semaphore_mem>>) src(%dma_wait3A_636 : memref<80xi32, #tpu.memory_space<hbm>>) dst(%arg7 : memref<80xi32, #tpu.memory_space<vmem>>)
      %dma_wait3A_637 = arith.constant 0 : i32
      %dma_wait3A_638 = arith.constant 0 : i32
      %dma_wait3A_639 = tpu.memref_slice %arg22[%dma_wait3A_637, %dma_wait3A_638] : memref<10240x128xf32, #tpu.memory_space<vmem_shared>> -> memref<10240x128xf32, #tpu.memory_space<vmem_shared>>
      tpu.wait_indirect_dma semaphore(%arg40 : memref<!tpu.dma_semaphore, #tpu.memory_space<semaphore_mem>>) src(%arg19 : memref<80x128xf32, #tpu.memory_space<vmem>>) dst(%dma_wait3A_639 : memref<10240x128xf32, #tpu.memory_space<vmem_shared>>)
      %dma_start3A_640 = arith.constant 0 : i32
      %dma_start3A_641 = arith.constant 0 : i32
      %dma_start3A_642 = tpu.memref_slice %arg2[%dma_start3A_640, %dma_start3A_641] : memref<10000x128xf32, #tpu.memory_space<hbm>> -> memref<10000x128xf32, #tpu.memory_space<hbm>>
      tpu.enqueue_indirect_dma source(%dma_start3A_642 : memref<10000x128xf32, #tpu.memory_space<hbm>>) target(%arg19 : memref<80x128xf32, #tpu.memory_space<vmem>>) offsets(%arg7 : memref<80xi32, #tpu.memory_space<vmem>>) semaphore(%arg36 : memref<!tpu.dma_semaphore, #tpu.memory_space<semaphore_mem>>)
      %dma_wait3A_643 = arith.constant 0 : i32
      %dma_wait3A_644 = arith.constant 0 : i32
      %dma_wait3A_645 = tpu.memref_slice %arg2[%dma_wait3A_643, %dma_wait3A_644] : memref<10000x128xf32, #tpu.memory_space<hbm>> -> memref<10000x128xf32, #tpu.memory_space<hbm>>
      tpu.wait_indirect_dma semaphore(%arg37 : memref<!tpu.dma_semaphore, #tpu.memory_space<semaphore_mem>>) src(%dma_wait3A_645 : memref<10000x128xf32, #tpu.memory_space<hbm>>) dst(%arg20 : memref<80x128xf32, #tpu.memory_space<vmem>>)
      %add3A_646 = arith.constant 4 : i32
      %add3A_647 = arith.addi %add3A_629, %add3A_646 : i32
      %mul3A_648 = arith.constant 80 : i32
      %mul3A_649 = arith.muli %add3A_647, %mul3A_648 : i32
      %add3A_650 = arith.addi %mul3A_2, %mul3A_649 : i32
      %dma_start3A_651 = tpu.memref_slice %arg3[%add3A_650] : memref<322560xi32, #tpu.memory_space<hbm>> -> memref<80xi32, #tpu.memory_space<hbm>>
      %dma_start3A_652 = tpu.memref_slice %arg3[%add3A_650] : memref<322560xi32, #tpu.memory_space<hbm>> -> memref<80xi32, #tpu.memory_space<hbm>>
      tpu.enqueue_dma source(%dma_start3A_652 : memref<80xi32, #tpu.memory_space<hbm>>) target(%arg8 : memref<80xi32, #tpu.memory_space<vmem>>) target_semaphore(%arg25 : memref<!tpu.dma_semaphore, #tpu.memory_space<semaphore_mem>>)
      %mul3A_653 = arith.constant 80 : i32
      %mul3A_654 = arith.muli %add3A_629, %mul3A_653 : i32
      %add3A_655 = arith.addi %mul3A_2, %mul3A_654 : i32
      %dma_wait3A_656 = tpu.memref_slice %arg4[%add3A_655] : memref<322560xi32, #tpu.memory_space<hbm>> -> memref<80xi32, #tpu.memory_space<hbm>>
      %dma_wait3A_657 = tpu.memref_slice %arg4[%add3A_655] : memref<322560xi32, #tpu.memory_space<hbm>> -> memref<80xi32, #tpu.memory_space<hbm>>
      tpu.wait_dma2 semaphore(%arg33 : memref<!tpu.dma_semaphore, #tpu.memory_space<semaphore_mem>>) src(%dma_wait3A_657 : memref<80xi32, #tpu.memory_space<hbm>>) dst(%arg16 : memref<80xi32, #tpu.memory_space<vmem>>)
      %dma_start3A_658 = arith.constant 0 : i32
      %dma_start3A_659 = arith.constant 0 : i32
      %dma_start3A_660 = tpu.memref_slice %arg22[%dma_start3A_658, %dma_start3A_659] : memref<10240x128xf32, #tpu.memory_space<vmem_shared>> -> memref<10240x128xf32, #tpu.memory_space<vmem_shared>>
      tpu.enqueue_indirect_dma source(%arg20 : memref<80x128xf32, #tpu.memory_space<vmem>>) target(%dma_start3A_660 : memref<10240x128xf32, #tpu.memory_space<vmem_shared>>) offsets(%arg16 : memref<80xi32, #tpu.memory_space<vmem>>) semaphore(%arg41 : memref<!tpu.dma_semaphore, #tpu.memory_space<semaphore_mem>>) {add = true}
      %add3A_661 = arith.constant 7 : i32
      %add3A_662 = arith.addi %add3A_629, %add3A_661 : i32
      %mul3A_663 = arith.constant 80 : i32
      %mul3A_664 = arith.muli %add3A_662, %mul3A_663 : i32
      %add3A_665 = arith.addi %mul3A_2, %mul3A_664 : i32
      %dma_start3A_666 = tpu.memref_slice %arg4[%add3A_665] : memref<322560xi32, #tpu.memory_space<hbm>> -> memref<80xi32, #tpu.memory_space<hbm>>
      %dma_start3A_667 = tpu.memref_slice %arg4[%add3A_665] : memref<322560xi32, #tpu.memory_space<hbm>> -> memref<80xi32, #tpu.memory_space<hbm>>
      tpu.enqueue_dma source(%dma_start3A_667 : memref<80xi32, #tpu.memory_space<hbm>>) target(%arg15 : memref<80xi32, #tpu.memory_space<vmem>>) target_semaphore(%arg32 : memref<!tpu.dma_semaphore, #tpu.memory_space<semaphore_mem>>)
      %add3A_668 = arith.constant 6 : i32
      %add3A_669 = arith.addi %add3A_427, %add3A_668 : i32
      %add3A_670 = arith.constant 3 : i32
      %add3A_671 = arith.addi %add3A_669, %add3A_670 : i32
      %mul3A_672 = arith.constant 80 : i32
      %mul3A_673 = arith.muli %add3A_671, %mul3A_672 : i32
      %add3A_674 = arith.addi %mul3A_2, %mul3A_673 : i32
      %dma_wait3A_675 = tpu.memref_slice %arg3[%add3A_674] : memref<322560xi32, #tpu.memory_space<hbm>> -> memref<80xi32, #tpu.memory_space<hbm>>
      %dma_wait3A_676 = tpu.memref_slice %arg3[%add3A_674] : memref<322560xi32, #tpu.memory_space<hbm>> -> memref<80xi32, #tpu.memory_space<hbm>>
      tpu.wait_dma2 semaphore(%arg25 : memref<!tpu.dma_semaphore, #tpu.memory_space<semaphore_mem>>) src(%dma_wait3A_676 : memref<80xi32, #tpu.memory_space<hbm>>) dst(%arg8 : memref<80xi32, #tpu.memory_space<vmem>>)
      %dma_wait3A_677 = arith.constant 0 : i32
      %dma_wait3A_678 = arith.constant 0 : i32
      %dma_wait3A_679 = tpu.memref_slice %arg22[%dma_wait3A_677, %dma_wait3A_678] : memref<10240x128xf32, #tpu.memory_space<vmem_shared>> -> memref<10240x128xf32, #tpu.memory_space<vmem_shared>>
      tpu.wait_indirect_dma semaphore(%arg41 : memref<!tpu.dma_semaphore, #tpu.memory_space<semaphore_mem>>) src(%arg20 : memref<80x128xf32, #tpu.memory_space<vmem>>) dst(%dma_wait3A_679 : memref<10240x128xf32, #tpu.memory_space<vmem_shared>>)
      %dma_start3A_680 = arith.constant 0 : i32
      %dma_start3A_681 = arith.constant 0 : i32
      %dma_start3A_682 = tpu.memref_slice %arg2[%dma_start3A_680, %dma_start3A_681] : memref<10000x128xf32, #tpu.memory_space<hbm>> -> memref<10000x128xf32, #tpu.memory_space<hbm>>
      tpu.enqueue_indirect_dma source(%dma_start3A_682 : memref<10000x128xf32, #tpu.memory_space<hbm>>) target(%arg20 : memref<80x128xf32, #tpu.memory_space<vmem>>) offsets(%arg8 : memref<80xi32, #tpu.memory_space<vmem>>) semaphore(%arg37 : memref<!tpu.dma_semaphore, #tpu.memory_space<semaphore_mem>>)
      %dma_wait3A_683 = arith.constant 0 : i32
      %dma_wait3A_684 = arith.constant 0 : i32
      %dma_wait3A_685 = tpu.memref_slice %arg2[%dma_wait3A_683, %dma_wait3A_684] : memref<10000x128xf32, #tpu.memory_space<hbm>> -> memref<10000x128xf32, #tpu.memory_space<hbm>>
      tpu.wait_indirect_dma semaphore(%arg38 : memref<!tpu.dma_semaphore, #tpu.memory_space<semaphore_mem>>) src(%dma_wait3A_685 : memref<10000x128xf32, #tpu.memory_space<hbm>>) dst(%arg21 : memref<80x128xf32, #tpu.memory_space<vmem>>)
      %add3A_686 = arith.constant 4 : i32
      %add3A_687 = arith.addi %add3A_669, %add3A_686 : i32
      %mul3A_688 = arith.constant 80 : i32
      %mul3A_689 = arith.muli %add3A_687, %mul3A_688 : i32
      %add3A_690 = arith.addi %mul3A_2, %mul3A_689 : i32
      %dma_start3A_691 = tpu.memref_slice %arg3[%add3A_690] : memref<322560xi32, #tpu.memory_space<hbm>> -> memref<80xi32, #tpu.memory_space<hbm>>
      %dma_start3A_692 = tpu.memref_slice %arg3[%add3A_690] : memref<322560xi32, #tpu.memory_space<hbm>> -> memref<80xi32, #tpu.memory_space<hbm>>
      tpu.enqueue_dma source(%dma_start3A_692 : memref<80xi32, #tpu.memory_space<hbm>>) target(%arg9 : memref<80xi32, #tpu.memory_space<vmem>>) target_semaphore(%arg26 : memref<!tpu.dma_semaphore, #tpu.memory_space<semaphore_mem>>)
      %mul3A_693 = arith.constant 80 : i32
      %mul3A_694 = arith.muli %add3A_669, %mul3A_693 : i32
      %add3A_695 = arith.addi %mul3A_2, %mul3A_694 : i32
      %dma_wait3A_696 = tpu.memref_slice %arg4[%add3A_695] : memref<322560xi32, #tpu.memory_space<hbm>> -> memref<80xi32, #tpu.memory_space<hbm>>
      %dma_wait3A_697 = tpu.memref_slice %arg4[%add3A_695] : memref<322560xi32, #tpu.memory_space<hbm>> -> memref<80xi32, #tpu.memory_space<hbm>>
      tpu.wait_dma2 semaphore(%arg34 : memref<!tpu.dma_semaphore, #tpu.memory_space<semaphore_mem>>) src(%dma_wait3A_697 : memref<80xi32, #tpu.memory_space<hbm>>) dst(%arg17 : memref<80xi32, #tpu.memory_space<vmem>>)
      %dma_start3A_698 = arith.constant 0 : i32
      %dma_start3A_699 = arith.constant 0 : i32
      %dma_start3A_700 = tpu.memref_slice %arg22[%dma_start3A_698, %dma_start3A_699] : memref<10240x128xf32, #tpu.memory_space<vmem_shared>> -> memref<10240x128xf32, #tpu.memory_space<vmem_shared>>
      tpu.enqueue_indirect_dma source(%arg21 : memref<80x128xf32, #tpu.memory_space<vmem>>) target(%dma_start3A_700 : memref<10240x128xf32, #tpu.memory_space<vmem_shared>>) offsets(%arg17 : memref<80xi32, #tpu.memory_space<vmem>>) semaphore(%arg42 : memref<!tpu.dma_semaphore, #tpu.memory_space<semaphore_mem>>) {add = true}
      %add3A_701 = arith.constant 7 : i32
      %add3A_702 = arith.addi %add3A_669, %add3A_701 : i32
      %mul3A_703 = arith.constant 80 : i32
      %mul3A_704 = arith.muli %add3A_702, %mul3A_703 : i32
      %add3A_705 = arith.addi %mul3A_2, %mul3A_704 : i32
      %dma_start3A_706 = tpu.memref_slice %arg4[%add3A_705] : memref<322560xi32, #tpu.memory_space<hbm>> -> memref<80xi32, #tpu.memory_space<hbm>>
      %dma_start3A_707 = tpu.memref_slice %arg4[%add3A_705] : memref<322560xi32, #tpu.memory_space<hbm>> -> memref<80xi32, #tpu.memory_space<hbm>>
      tpu.enqueue_dma source(%dma_start3A_707 : memref<80xi32, #tpu.memory_space<hbm>>) target(%arg16 : memref<80xi32, #tpu.memory_space<vmem>>) target_semaphore(%arg33 : memref<!tpu.dma_semaphore, #tpu.memory_space<semaphore_mem>>)
      %add3A_708 = arith.constant 7 : i32
      %add3A_709 = arith.addi %add3A_427, %add3A_708 : i32
      %add3A_710 = arith.constant 3 : i32
      %add3A_711 = arith.addi %add3A_709, %add3A_710 : i32
      %mul3A_712 = arith.constant 80 : i32
      %mul3A_713 = arith.muli %add3A_711, %mul3A_712 : i32
      %add3A_714 = arith.addi %mul3A_2, %mul3A_713 : i32
      %dma_wait3A_715 = tpu.memref_slice %arg3[%add3A_714] : memref<322560xi32, #tpu.memory_space<hbm>> -> memref<80xi32, #tpu.memory_space<hbm>>
      %dma_wait3A_716 = tpu.memref_slice %arg3[%add3A_714] : memref<322560xi32, #tpu.memory_space<hbm>> -> memref<80xi32, #tpu.memory_space<hbm>>
      tpu.wait_dma2 semaphore(%arg26 : memref<!tpu.dma_semaphore, #tpu.memory_space<semaphore_mem>>) src(%dma_wait3A_716 : memref<80xi32, #tpu.memory_space<hbm>>) dst(%arg9 : memref<80xi32, #tpu.memory_space<vmem>>)
      %dma_wait3A_717 = arith.constant 0 : i32
      %dma_wait3A_718 = arith.constant 0 : i32
      %dma_wait3A_719 = tpu.memref_slice %arg22[%dma_wait3A_717, %dma_wait3A_718] : memref<10240x128xf32, #tpu.memory_space<vmem_shared>> -> memref<10240x128xf32, #tpu.memory_space<vmem_shared>>
      tpu.wait_indirect_dma semaphore(%arg42 : memref<!tpu.dma_semaphore, #tpu.memory_space<semaphore_mem>>) src(%arg21 : memref<80x128xf32, #tpu.memory_space<vmem>>) dst(%dma_wait3A_719 : memref<10240x128xf32, #tpu.memory_space<vmem_shared>>)
      %dma_start3A_720 = arith.constant 0 : i32
      %dma_start3A_721 = arith.constant 0 : i32
      %dma_start3A_722 = tpu.memref_slice %arg2[%dma_start3A_720, %dma_start3A_721] : memref<10000x128xf32, #tpu.memory_space<hbm>> -> memref<10000x128xf32, #tpu.memory_space<hbm>>
      tpu.enqueue_indirect_dma source(%dma_start3A_722 : memref<10000x128xf32, #tpu.memory_space<hbm>>) target(%arg21 : memref<80x128xf32, #tpu.memory_space<vmem>>) offsets(%arg9 : memref<80xi32, #tpu.memory_space<vmem>>) semaphore(%arg38 : memref<!tpu.dma_semaphore, #tpu.memory_space<semaphore_mem>>)
      %dma_wait3A_723 = arith.constant 0 : i32
      %dma_wait3A_724 = arith.constant 0 : i32
      %dma_wait3A_725 = tpu.memref_slice %arg2[%dma_wait3A_723, %dma_wait3A_724] : memref<10000x128xf32, #tpu.memory_space<hbm>> -> memref<10000x128xf32, #tpu.memory_space<hbm>>
      tpu.wait_indirect_dma semaphore(%arg35 : memref<!tpu.dma_semaphore, #tpu.memory_space<semaphore_mem>>) src(%dma_wait3A_725 : memref<10000x128xf32, #tpu.memory_space<hbm>>) dst(%arg18 : memref<80x128xf32, #tpu.memory_space<vmem>>)
      %add3A_726 = arith.constant 4 : i32
      %add3A_727 = arith.addi %add3A_709, %add3A_726 : i32
      %mul3A_728 = arith.constant 80 : i32
      %mul3A_729 = arith.muli %add3A_727, %mul3A_728 : i32
      %add3A_730 = arith.addi %mul3A_2, %mul3A_729 : i32
      %dma_start3A_731 = tpu.memref_slice %arg3[%add3A_730] : memref<322560xi32, #tpu.memory_space<hbm>> -> memref<80xi32, #tpu.memory_space<hbm>>
      %dma_start3A_732 = tpu.memref_slice %arg3[%add3A_730] : memref<322560xi32, #tpu.memory_space<hbm>> -> memref<80xi32, #tpu.memory_space<hbm>>
      tpu.enqueue_dma source(%dma_start3A_732 : memref<80xi32, #tpu.memory_space<hbm>>) target(%arg6 : memref<80xi32, #tpu.memory_space<vmem>>) target_semaphore(%arg23 : memref<!tpu.dma_semaphore, #tpu.memory_space<semaphore_mem>>)
      %mul3A_733 = arith.constant 80 : i32
      %mul3A_734 = arith.muli %add3A_709, %mul3A_733 : i32
      %add3A_735 = arith.addi %mul3A_2, %mul3A_734 : i32
      %dma_wait3A_736 = tpu.memref_slice %arg4[%add3A_735] : memref<322560xi32, #tpu.memory_space<hbm>> -> memref<80xi32, #tpu.memory_space<hbm>>
      %dma_wait3A_737 = tpu.memref_slice %arg4[%add3A_735] : memref<322560xi32, #tpu.memory_space<hbm>> -> memref<80xi32, #tpu.memory_space<hbm>>
      tpu.wait_dma2 semaphore(%arg27 : memref<!tpu.dma_semaphore, #tpu.memory_space<semaphore_mem>>) src(%dma_wait3A_737 : memref<80xi32, #tpu.memory_space<hbm>>) dst(%arg10 : memref<80xi32, #tpu.memory_space<vmem>>)
      %dma_start3A_738 = arith.constant 0 : i32
      %dma_start3A_739 = arith.constant 0 : i32
      %dma_start3A_740 = tpu.memref_slice %arg22[%dma_start3A_738, %dma_start3A_739] : memref<10240x128xf32, #tpu.memory_space<vmem_shared>> -> memref<10240x128xf32, #tpu.memory_space<vmem_shared>>
      tpu.enqueue_indirect_dma source(%arg18 : memref<80x128xf32, #tpu.memory_space<vmem>>) target(%dma_start3A_740 : memref<10240x128xf32, #tpu.memory_space<vmem_shared>>) offsets(%arg10 : memref<80xi32, #tpu.memory_space<vmem>>) semaphore(%arg39 : memref<!tpu.dma_semaphore, #tpu.memory_space<semaphore_mem>>) {add = true}
      %add3A_741 = arith.constant 7 : i32
      %add3A_742 = arith.addi %add3A_709, %add3A_741 : i32
      %mul3A_743 = arith.constant 80 : i32
      %mul3A_744 = arith.muli %add3A_742, %mul3A_743 : i32
      %add3A_745 = arith.addi %mul3A_2, %mul3A_744 : i32
      %dma_start3A_746 = tpu.memref_slice %arg4[%add3A_745] : memref<322560xi32, #tpu.memory_space<hbm>> -> memref<80xi32, #tpu.memory_space<hbm>>
      %dma_start3A_747 = tpu.memref_slice %arg4[%add3A_745] : memref<322560xi32, #tpu.memory_space<hbm>> -> memref<80xi32, #tpu.memory_space<hbm>>
      tpu.enqueue_dma source(%dma_start3A_747 : memref<80xi32, #tpu.memory_space<hbm>>) target(%arg17 : memref<80xi32, #tpu.memory_space<vmem>>) target_semaphore(%arg34 : memref<!tpu.dma_semaphore, #tpu.memory_space<semaphore_mem>>)
    }
    %scan3A_119 = arith.constant 14 : i32
    %add3A_120 = arith.constant 9280 : i32
    %add3A_121 = arith.addi %mul3A_2, %add3A_120 : i32
    %dma_wait3A_122 = tpu.memref_slice %arg3[%add3A_121] : memref<322560xi32, #tpu.memory_space<hbm>> -> memref<80xi32, #tpu.memory_space<hbm>>
    %dma_wait3A_123 = tpu.memref_slice %arg3[%add3A_121] : memref<322560xi32, #tpu.memory_space<hbm>> -> memref<80xi32, #tpu.memory_space<hbm>>
    tpu.wait_dma2 semaphore(%arg23 : memref<!tpu.dma_semaphore, #tpu.memory_space<semaphore_mem>>) src(%dma_wait3A_123 : memref<80xi32, #tpu.memory_space<hbm>>) dst(%arg6 : memref<80xi32, #tpu.memory_space<vmem>>)
    %dma_wait3A_124 = arith.constant 0 : i32
    %dma_wait3A_125 = arith.constant 0 : i32
    %dma_wait3A_126 = tpu.memref_slice %arg22[%dma_wait3A_124, %dma_wait3A_125] : memref<10240x128xf32, #tpu.memory_space<vmem_shared>> -> memref<10240x128xf32, #tpu.memory_space<vmem_shared>>
    tpu.wait_indirect_dma semaphore(%arg39 : memref<!tpu.dma_semaphore, #tpu.memory_space<semaphore_mem>>) src(%arg18 : memref<80x128xf32, #tpu.memory_space<vmem>>) dst(%dma_wait3A_126 : memref<10240x128xf32, #tpu.memory_space<vmem_shared>>)
    %dma_start3A_127 = arith.constant 0 : i32
    %dma_start3A_128 = arith.constant 0 : i32
    %dma_start3A_129 = tpu.memref_slice %arg2[%dma_start3A_127, %dma_start3A_128] : memref<10000x128xf32, #tpu.memory_space<hbm>> -> memref<10000x128xf32, #tpu.memory_space<hbm>>
    tpu.enqueue_indirect_dma source(%dma_start3A_129 : memref<10000x128xf32, #tpu.memory_space<hbm>>) target(%arg18 : memref<80x128xf32, #tpu.memory_space<vmem>>) offsets(%arg6 : memref<80xi32, #tpu.memory_space<vmem>>) semaphore(%arg35 : memref<!tpu.dma_semaphore, #tpu.memory_space<semaphore_mem>>)
    %dma_wait3A_130 = arith.constant 0 : i32
    %dma_wait3A_131 = arith.constant 0 : i32
    %dma_wait3A_132 = tpu.memref_slice %arg2[%dma_wait3A_130, %dma_wait3A_131] : memref<10000x128xf32, #tpu.memory_space<hbm>> -> memref<10000x128xf32, #tpu.memory_space<hbm>>
    tpu.wait_indirect_dma semaphore(%arg36 : memref<!tpu.dma_semaphore, #tpu.memory_space<semaphore_mem>>) src(%dma_wait3A_132 : memref<10000x128xf32, #tpu.memory_space<hbm>>) dst(%arg19 : memref<80x128xf32, #tpu.memory_space<vmem>>)
    %add3A_133 = arith.constant 9360 : i32
    %add3A_134 = arith.addi %mul3A_2, %add3A_133 : i32
    %dma_start3A_135 = tpu.memref_slice %arg3[%add3A_134] : memref<322560xi32, #tpu.memory_space<hbm>> -> memref<80xi32, #tpu.memory_space<hbm>>
    %dma_start3A_136 = tpu.memref_slice %arg3[%add3A_134] : memref<322560xi32, #tpu.memory_space<hbm>> -> memref<80xi32, #tpu.memory_space<hbm>>
    tpu.enqueue_dma source(%dma_start3A_136 : memref<80xi32, #tpu.memory_space<hbm>>) target(%arg7 : memref<80xi32, #tpu.memory_space<vmem>>) target_semaphore(%arg24 : memref<!tpu.dma_semaphore, #tpu.memory_space<semaphore_mem>>)
    %add3A_137 = arith.constant 9040 : i32
    %add3A_138 = arith.addi %mul3A_2, %add3A_137 : i32
    %dma_wait3A_139 = tpu.memref_slice %arg4[%add3A_138] : memref<322560xi32, #tpu.memory_space<hbm>> -> memref<80xi32, #tpu.memory_space<hbm>>
    %dma_wait3A_140 = tpu.memref_slice %arg4[%add3A_138] : memref<322560xi32, #tpu.memory_space<hbm>> -> memref<80xi32, #tpu.memory_space<hbm>>
    tpu.wait_dma2 semaphore(%arg28 : memref<!tpu.dma_semaphore, #tpu.memory_space<semaphore_mem>>) src(%dma_wait3A_140 : memref<80xi32, #tpu.memory_space<hbm>>) dst(%arg11 : memref<80xi32, #tpu.memory_space<vmem>>)
    %dma_start3A_141 = arith.constant 0 : i32
    %dma_start3A_142 = arith.constant 0 : i32
    %dma_start3A_143 = tpu.memref_slice %arg22[%dma_start3A_141, %dma_start3A_142] : memref<10240x128xf32, #tpu.memory_space<vmem_shared>> -> memref<10240x128xf32, #tpu.memory_space<vmem_shared>>
    tpu.enqueue_indirect_dma source(%arg19 : memref<80x128xf32, #tpu.memory_space<vmem>>) target(%dma_start3A_143 : memref<10240x128xf32, #tpu.memory_space<vmem_shared>>) offsets(%arg11 : memref<80xi32, #tpu.memory_space<vmem>>) semaphore(%arg40 : memref<!tpu.dma_semaphore, #tpu.memory_space<semaphore_mem>>) {add = true}
    %add3A_144 = arith.constant 9600 : i32
    %add3A_145 = arith.addi %mul3A_2, %add3A_144 : i32
    %dma_start3A_146 = tpu.memref_slice %arg4[%add3A_145] : memref<322560xi32, #tpu.memory_space<hbm>> -> memref<80xi32, #tpu.memory_space<hbm>>
    %dma_start3A_147 = tpu.memref_slice %arg4[%add3A_145] : memref<322560xi32, #tpu.memory_space<hbm>> -> memref<80xi32, #tpu.memory_space<hbm>>
    tpu.enqueue_dma source(%dma_start3A_147 : memref<80xi32, #tpu.memory_space<hbm>>) target(%arg10 : memref<80xi32, #tpu.memory_space<vmem>>) target_semaphore(%arg27 : memref<!tpu.dma_semaphore, #tpu.memory_space<semaphore_mem>>)
    %add3A_148 = arith.constant 9360 : i32
    %add3A_149 = arith.addi %mul3A_2, %add3A_148 : i32
    %dma_wait3A_150 = tpu.memref_slice %arg3[%add3A_149] : memref<322560xi32, #tpu.memory_space<hbm>> -> memref<80xi32, #tpu.memory_space<hbm>>
    %dma_wait3A_151 = tpu.memref_slice %arg3[%add3A_149] : memref<322560xi32, #tpu.memory_space<hbm>> -> memref<80xi32, #tpu.memory_space<hbm>>
    tpu.wait_dma2 semaphore(%arg24 : memref<!tpu.dma_semaphore, #tpu.memory_space<semaphore_mem>>) src(%dma_wait3A_151 : memref<80xi32, #tpu.memory_space<hbm>>) dst(%arg7 : memref<80xi32, #tpu.memory_space<vmem>>)
    %dma_wait3A_152 = arith.constant 0 : i32
    %dma_wait3A_153 = arith.constant 0 : i32
    %dma_wait3A_154 = tpu.memref_slice %arg22[%dma_wait3A_152, %dma_wait3A_153] : memref<10240x128xf32, #tpu.memory_space<vmem_shared>> -> memref<10240x128xf32, #tpu.memory_space<vmem_shared>>
    tpu.wait_indirect_dma semaphore(%arg40 : memref<!tpu.dma_semaphore, #tpu.memory_space<semaphore_mem>>) src(%arg19 : memref<80x128xf32, #tpu.memory_space<vmem>>) dst(%dma_wait3A_154 : memref<10240x128xf32, #tpu.memory_space<vmem_shared>>)
    %dma_start3A_155 = arith.constant 0 : i32
    %dma_start3A_156 = arith.constant 0 : i32
    %dma_start3A_157 = tpu.memref_slice %arg2[%dma_start3A_155, %dma_start3A_156] : memref<10000x128xf32, #tpu.memory_space<hbm>> -> memref<10000x128xf32, #tpu.memory_space<hbm>>
    tpu.enqueue_indirect_dma source(%dma_start3A_157 : memref<10000x128xf32, #tpu.memory_space<hbm>>) target(%arg19 : memref<80x128xf32, #tpu.memory_space<vmem>>) offsets(%arg7 : memref<80xi32, #tpu.memory_space<vmem>>) semaphore(%arg36 : memref<!tpu.dma_semaphore, #tpu.memory_space<semaphore_mem>>)
    %dma_wait3A_158 = arith.constant 0 : i32
    %dma_wait3A_159 = arith.constant 0 : i32
    %dma_wait3A_160 = tpu.memref_slice %arg2[%dma_wait3A_158, %dma_wait3A_159] : memref<10000x128xf32, #tpu.memory_space<hbm>> -> memref<10000x128xf32, #tpu.memory_space<hbm>>
    tpu.wait_indirect_dma semaphore(%arg37 : memref<!tpu.dma_semaphore, #tpu.memory_space<semaphore_mem>>) src(%dma_wait3A_160 : memref<10000x128xf32, #tpu.memory_space<hbm>>) dst(%arg20 : memref<80x128xf32, #tpu.memory_space<vmem>>)
    %add3A_161 = arith.constant 9440 : i32
    %add3A_162 = arith.addi %mul3A_2, %add3A_161 : i32
    %dma_start3A_163 = tpu.memref_slice %arg3[%add3A_162] : memref<322560xi32, #tpu.memory_space<hbm>> -> memref<80xi32, #tpu.memory_space<hbm>>
    %dma_start3A_164 = tpu.memref_slice %arg3[%add3A_162] : memref<322560xi32, #tpu.memory_space<hbm>> -> memref<80xi32, #tpu.memory_space<hbm>>
    tpu.enqueue_dma source(%dma_start3A_164 : memref<80xi32, #tpu.memory_space<hbm>>) target(%arg8 : memref<80xi32, #tpu.memory_space<vmem>>) target_semaphore(%arg25 : memref<!tpu.dma_semaphore, #tpu.memory_space<semaphore_mem>>)
    %add3A_165 = arith.constant 9120 : i32
    %add3A_166 = arith.addi %mul3A_2, %add3A_165 : i32
    %dma_wait3A_167 = tpu.memref_slice %arg4[%add3A_166] : memref<322560xi32, #tpu.memory_space<hbm>> -> memref<80xi32, #tpu.memory_space<hbm>>
    %dma_wait3A_168 = tpu.memref_slice %arg4[%add3A_166] : memref<322560xi32, #tpu.memory_space<hbm>> -> memref<80xi32, #tpu.memory_space<hbm>>
    tpu.wait_dma2 semaphore(%arg29 : memref<!tpu.dma_semaphore, #tpu.memory_space<semaphore_mem>>) src(%dma_wait3A_168 : memref<80xi32, #tpu.memory_space<hbm>>) dst(%arg12 : memref<80xi32, #tpu.memory_space<vmem>>)
    %dma_start3A_169 = arith.constant 0 : i32
    %dma_start3A_170 = arith.constant 0 : i32
    %dma_start3A_171 = tpu.memref_slice %arg22[%dma_start3A_169, %dma_start3A_170] : memref<10240x128xf32, #tpu.memory_space<vmem_shared>> -> memref<10240x128xf32, #tpu.memory_space<vmem_shared>>
    tpu.enqueue_indirect_dma source(%arg20 : memref<80x128xf32, #tpu.memory_space<vmem>>) target(%dma_start3A_171 : memref<10240x128xf32, #tpu.memory_space<vmem_shared>>) offsets(%arg12 : memref<80xi32, #tpu.memory_space<vmem>>) semaphore(%arg41 : memref<!tpu.dma_semaphore, #tpu.memory_space<semaphore_mem>>) {add = true}
    %add3A_172 = arith.constant 9680 : i32
    %add3A_173 = arith.addi %mul3A_2, %add3A_172 : i32
    %dma_start3A_174 = tpu.memref_slice %arg4[%add3A_173] : memref<322560xi32, #tpu.memory_space<hbm>> -> memref<80xi32, #tpu.memory_space<hbm>>
    %dma_start3A_175 = tpu.memref_slice %arg4[%add3A_173] : memref<322560xi32, #tpu.memory_space<hbm>> -> memref<80xi32, #tpu.memory_space<hbm>>
    tpu.enqueue_dma source(%dma_start3A_175 : memref<80xi32, #tpu.memory_space<hbm>>) target(%arg11 : memref<80xi32, #tpu.memory_space<vmem>>) target_semaphore(%arg28 : memref<!tpu.dma_semaphore, #tpu.memory_space<semaphore_mem>>)
    %add3A_176 = arith.constant 9440 : i32
    %add3A_177 = arith.addi %mul3A_2, %add3A_176 : i32
    %dma_wait3A_178 = tpu.memref_slice %arg3[%add3A_177] : memref<322560xi32, #tpu.memory_space<hbm>> -> memref<80xi32, #tpu.memory_space<hbm>>
    %dma_wait3A_179 = tpu.memref_slice %arg3[%add3A_177] : memref<322560xi32, #tpu.memory_space<hbm>> -> memref<80xi32, #tpu.memory_space<hbm>>
    tpu.wait_dma2 semaphore(%arg25 : memref<!tpu.dma_semaphore, #tpu.memory_space<semaphore_mem>>) src(%dma_wait3A_179 : memref<80xi32, #tpu.memory_space<hbm>>) dst(%arg8 : memref<80xi32, #tpu.memory_space<vmem>>)
    %dma_wait3A_180 = arith.constant 0 : i32
    %dma_wait3A_181 = arith.constant 0 : i32
    %dma_wait3A_182 = tpu.memref_slice %arg22[%dma_wait3A_180, %dma_wait3A_181] : memref<10240x128xf32, #tpu.memory_space<vmem_shared>> -> memref<10240x128xf32, #tpu.memory_space<vmem_shared>>
    tpu.wait_indirect_dma semaphore(%arg41 : memref<!tpu.dma_semaphore, #tpu.memory_space<semaphore_mem>>) src(%arg20 : memref<80x128xf32, #tpu.memory_space<vmem>>) dst(%dma_wait3A_182 : memref<10240x128xf32, #tpu.memory_space<vmem_shared>>)
    %dma_start3A_183 = arith.constant 0 : i32
    %dma_start3A_184 = arith.constant 0 : i32
    %dma_start3A_185 = tpu.memref_slice %arg2[%dma_start3A_183, %dma_start3A_184] : memref<10000x128xf32, #tpu.memory_space<hbm>> -> memref<10000x128xf32, #tpu.memory_space<hbm>>
    tpu.enqueue_indirect_dma source(%dma_start3A_185 : memref<10000x128xf32, #tpu.memory_space<hbm>>) target(%arg20 : memref<80x128xf32, #tpu.memory_space<vmem>>) offsets(%arg8 : memref<80xi32, #tpu.memory_space<vmem>>) semaphore(%arg37 : memref<!tpu.dma_semaphore, #tpu.memory_space<semaphore_mem>>)
    %dma_wait3A_186 = arith.constant 0 : i32
    %dma_wait3A_187 = arith.constant 0 : i32
    %dma_wait3A_188 = tpu.memref_slice %arg2[%dma_wait3A_186, %dma_wait3A_187] : memref<10000x128xf32, #tpu.memory_space<hbm>> -> memref<10000x128xf32, #tpu.memory_space<hbm>>
    tpu.wait_indirect_dma semaphore(%arg38 : memref<!tpu.dma_semaphore, #tpu.memory_space<semaphore_mem>>) src(%dma_wait3A_188 : memref<10000x128xf32, #tpu.memory_space<hbm>>) dst(%arg21 : memref<80x128xf32, #tpu.memory_space<vmem>>)
    %add3A_189 = arith.constant 9520 : i32
    %add3A_190 = arith.addi %mul3A_2, %add3A_189 : i32
    %dma_start3A_191 = tpu.memref_slice %arg3[%add3A_190] : memref<322560xi32, #tpu.memory_space<hbm>> -> memref<80xi32, #tpu.memory_space<hbm>>
    %dma_start3A_192 = tpu.memref_slice %arg3[%add3A_190] : memref<322560xi32, #tpu.memory_space<hbm>> -> memref<80xi32, #tpu.memory_space<hbm>>
    tpu.enqueue_dma source(%dma_start3A_192 : memref<80xi32, #tpu.memory_space<hbm>>) target(%arg9 : memref<80xi32, #tpu.memory_space<vmem>>) target_semaphore(%arg26 : memref<!tpu.dma_semaphore, #tpu.memory_space<semaphore_mem>>)
    %add3A_193 = arith.constant 9200 : i32
    %add3A_194 = arith.addi %mul3A_2, %add3A_193 : i32
    %dma_wait3A_195 = tpu.memref_slice %arg4[%add3A_194] : memref<322560xi32, #tpu.memory_space<hbm>> -> memref<80xi32, #tpu.memory_space<hbm>>
    %dma_wait3A_196 = tpu.memref_slice %arg4[%add3A_194] : memref<322560xi32, #tpu.memory_space<hbm>> -> memref<80xi32, #tpu.memory_space<hbm>>
    tpu.wait_dma2 semaphore(%arg30 : memref<!tpu.dma_semaphore, #tpu.memory_space<semaphore_mem>>) src(%dma_wait3A_196 : memref<80xi32, #tpu.memory_space<hbm>>) dst(%arg13 : memref<80xi32, #tpu.memory_space<vmem>>)
    %dma_start3A_197 = arith.constant 0 : i32
    %dma_start3A_198 = arith.constant 0 : i32
    %dma_start3A_199 = tpu.memref_slice %arg22[%dma_start3A_197, %dma_start3A_198] : memref<10240x128xf32, #tpu.memory_space<vmem_shared>> -> memref<10240x128xf32, #tpu.memory_space<vmem_shared>>
    tpu.enqueue_indirect_dma source(%arg21 : memref<80x128xf32, #tpu.memory_space<vmem>>) target(%dma_start3A_199 : memref<10240x128xf32, #tpu.memory_space<vmem_shared>>) offsets(%arg13 : memref<80xi32, #tpu.memory_space<vmem>>) semaphore(%arg42 : memref<!tpu.dma_semaphore, #tpu.memory_space<semaphore_mem>>) {add = true}
    %add3A_200 = arith.constant 9760 : i32
    %add3A_201 = arith.addi %mul3A_2, %add3A_200 : i32
    %dma_start3A_202 = tpu.memref_slice %arg4[%add3A_201] : memref<322560xi32, #tpu.memory_space<hbm>> -> memref<80xi32, #tpu.memory_space<hbm>>
    %dma_start3A_203 = tpu.memref_slice %arg4[%add3A_201] : memref<322560xi32, #tpu.memory_space<hbm>> -> memref<80xi32, #tpu.memory_space<hbm>>
    tpu.enqueue_dma source(%dma_start3A_203 : memref<80xi32, #tpu.memory_space<hbm>>) target(%arg12 : memref<80xi32, #tpu.memory_space<vmem>>) target_semaphore(%arg29 : memref<!tpu.dma_semaphore, #tpu.memory_space<semaphore_mem>>)
    %add3A_204 = arith.constant 9520 : i32
    %add3A_205 = arith.addi %mul3A_2, %add3A_204 : i32
    %dma_wait3A_206 = tpu.memref_slice %arg3[%add3A_205] : memref<322560xi32, #tpu.memory_space<hbm>> -> memref<80xi32, #tpu.memory_space<hbm>>
    %dma_wait3A_207 = tpu.memref_slice %arg3[%add3A_205] : memref<322560xi32, #tpu.memory_space<hbm>> -> memref<80xi32, #tpu.memory_space<hbm>>
    tpu.wait_dma2 semaphore(%arg26 : memref<!tpu.dma_semaphore, #tpu.memory_space<semaphore_mem>>) src(%dma_wait3A_207 : memref<80xi32, #tpu.memory_space<hbm>>) dst(%arg9 : memref<80xi32, #tpu.memory_space<vmem>>)
    %dma_wait3A_208 = arith.constant 0 : i32
    %dma_wait3A_209 = arith.constant 0 : i32
    %dma_wait3A_210 = tpu.memref_slice %arg22[%dma_wait3A_208, %dma_wait3A_209] : memref<10240x128xf32, #tpu.memory_space<vmem_shared>> -> memref<10240x128xf32, #tpu.memory_space<vmem_shared>>
    tpu.wait_indirect_dma semaphore(%arg42 : memref<!tpu.dma_semaphore, #tpu.memory_space<semaphore_mem>>) src(%arg21 : memref<80x128xf32, #tpu.memory_space<vmem>>) dst(%dma_wait3A_210 : memref<10240x128xf32, #tpu.memory_space<vmem_shared>>)
    %dma_start3A_211 = arith.constant 0 : i32
    %dma_start3A_212 = arith.constant 0 : i32
    %dma_start3A_213 = tpu.memref_slice %arg2[%dma_start3A_211, %dma_start3A_212] : memref<10000x128xf32, #tpu.memory_space<hbm>> -> memref<10000x128xf32, #tpu.memory_space<hbm>>
    tpu.enqueue_indirect_dma source(%dma_start3A_213 : memref<10000x128xf32, #tpu.memory_space<hbm>>) target(%arg21 : memref<80x128xf32, #tpu.memory_space<vmem>>) offsets(%arg9 : memref<80xi32, #tpu.memory_space<vmem>>) semaphore(%arg38 : memref<!tpu.dma_semaphore, #tpu.memory_space<semaphore_mem>>)
    %dma_wait3A_214 = arith.constant 0 : i32
    %dma_wait3A_215 = arith.constant 0 : i32
    %dma_wait3A_216 = tpu.memref_slice %arg2[%dma_wait3A_214, %dma_wait3A_215] : memref<10000x128xf32, #tpu.memory_space<hbm>> -> memref<10000x128xf32, #tpu.memory_space<hbm>>
    tpu.wait_indirect_dma semaphore(%arg35 : memref<!tpu.dma_semaphore, #tpu.memory_space<semaphore_mem>>) src(%dma_wait3A_216 : memref<10000x128xf32, #tpu.memory_space<hbm>>) dst(%arg18 : memref<80x128xf32, #tpu.memory_space<vmem>>)
    %add3A_217 = arith.constant 9600 : i32
    %add3A_218 = arith.addi %mul3A_2, %add3A_217 : i32
    %dma_start3A_219 = tpu.memref_slice %arg3[%add3A_218] : memref<322560xi32, #tpu.memory_space<hbm>> -> memref<80xi32, #tpu.memory_space<hbm>>
    %dma_start3A_220 = tpu.memref_slice %arg3[%add3A_218] : memref<322560xi32, #tpu.memory_space<hbm>> -> memref<80xi32, #tpu.memory_space<hbm>>
    tpu.enqueue_dma source(%dma_start3A_220 : memref<80xi32, #tpu.memory_space<hbm>>) target(%arg6 : memref<80xi32, #tpu.memory_space<vmem>>) target_semaphore(%arg23 : memref<!tpu.dma_semaphore, #tpu.memory_space<semaphore_mem>>)
    %add3A_221 = arith.constant 9280 : i32
    %add3A_222 = arith.addi %mul3A_2, %add3A_221 : i32
    %dma_wait3A_223 = tpu.memref_slice %arg4[%add3A_222] : memref<322560xi32, #tpu.memory_space<hbm>> -> memref<80xi32, #tpu.memory_space<hbm>>
    %dma_wait3A_224 = tpu.memref_slice %arg4[%add3A_222] : memref<322560xi32, #tpu.memory_space<hbm>> -> memref<80xi32, #tpu.memory_space<hbm>>
    tpu.wait_dma2 semaphore(%arg31 : memref<!tpu.dma_semaphore, #tpu.memory_space<semaphore_mem>>) src(%dma_wait3A_224 : memref<80xi32, #tpu.memory_space<hbm>>) dst(%arg14 : memref<80xi32, #tpu.memory_space<vmem>>)
    %dma_start3A_225 = arith.constant 0 : i32
    %dma_start3A_226 = arith.constant 0 : i32
    %dma_start3A_227 = tpu.memref_slice %arg22[%dma_start3A_225, %dma_start3A_226] : memref<10240x128xf32, #tpu.memory_space<vmem_shared>> -> memref<10240x128xf32, #tpu.memory_space<vmem_shared>>
    tpu.enqueue_indirect_dma source(%arg18 : memref<80x128xf32, #tpu.memory_space<vmem>>) target(%dma_start3A_227 : memref<10240x128xf32, #tpu.memory_space<vmem_shared>>) offsets(%arg14 : memref<80xi32, #tpu.memory_space<vmem>>) semaphore(%arg39 : memref<!tpu.dma_semaphore, #tpu.memory_space<semaphore_mem>>) {add = true}
    %add3A_228 = arith.constant 9840 : i32
    %add3A_229 = arith.addi %mul3A_2, %add3A_228 : i32
    %dma_start3A_230 = tpu.memref_slice %arg4[%add3A_229] : memref<322560xi32, #tpu.memory_space<hbm>> -> memref<80xi32, #tpu.memory_space<hbm>>
    %dma_start3A_231 = tpu.memref_slice %arg4[%add3A_229] : memref<322560xi32, #tpu.memory_space<hbm>> -> memref<80xi32, #tpu.memory_space<hbm>>
    tpu.enqueue_dma source(%dma_start3A_231 : memref<80xi32, #tpu.memory_space<hbm>>) target(%arg13 : memref<80xi32, #tpu.memory_space<vmem>>) target_semaphore(%arg30 : memref<!tpu.dma_semaphore, #tpu.memory_space<semaphore_mem>>)
    %add3A_232 = arith.constant 9600 : i32
    %add3A_233 = arith.addi %mul3A_2, %add3A_232 : i32
    %dma_wait3A_234 = tpu.memref_slice %arg3[%add3A_233] : memref<322560xi32, #tpu.memory_space<hbm>> -> memref<80xi32, #tpu.memory_space<hbm>>
    %dma_wait3A_235 = tpu.memref_slice %arg3[%add3A_233] : memref<322560xi32, #tpu.memory_space<hbm>> -> memref<80xi32, #tpu.memory_space<hbm>>
    tpu.wait_dma2 semaphore(%arg23 : memref<!tpu.dma_semaphore, #tpu.memory_space<semaphore_mem>>) src(%dma_wait3A_235 : memref<80xi32, #tpu.memory_space<hbm>>) dst(%arg6 : memref<80xi32, #tpu.memory_space<vmem>>)
    %dma_wait3A_236 = arith.constant 0 : i32
    %dma_wait3A_237 = arith.constant 0 : i32
    %dma_wait3A_238 = tpu.memref_slice %arg22[%dma_wait3A_236, %dma_wait3A_237] : memref<10240x128xf32, #tpu.memory_space<vmem_shared>> -> memref<10240x128xf32, #tpu.memory_space<vmem_shared>>
    tpu.wait_indirect_dma semaphore(%arg39 : memref<!tpu.dma_semaphore, #tpu.memory_space<semaphore_mem>>) src(%arg18 : memref<80x128xf32, #tpu.memory_space<vmem>>) dst(%dma_wait3A_238 : memref<10240x128xf32, #tpu.memory_space<vmem_shared>>)
    %dma_start3A_239 = arith.constant 0 : i32
    %dma_start3A_240 = arith.constant 0 : i32
    %dma_start3A_241 = tpu.memref_slice %arg2[%dma_start3A_239, %dma_start3A_240] : memref<10000x128xf32, #tpu.memory_space<hbm>> -> memref<10000x128xf32, #tpu.memory_space<hbm>>
    tpu.enqueue_indirect_dma source(%dma_start3A_241 : memref<10000x128xf32, #tpu.memory_space<hbm>>) target(%arg18 : memref<80x128xf32, #tpu.memory_space<vmem>>) offsets(%arg6 : memref<80xi32, #tpu.memory_space<vmem>>) semaphore(%arg35 : memref<!tpu.dma_semaphore, #tpu.memory_space<semaphore_mem>>)
    %dma_wait3A_242 = arith.constant 0 : i32
    %dma_wait3A_243 = arith.constant 0 : i32
    %dma_wait3A_244 = tpu.memref_slice %arg2[%dma_wait3A_242, %dma_wait3A_243] : memref<10000x128xf32, #tpu.memory_space<hbm>> -> memref<10000x128xf32, #tpu.memory_space<hbm>>
    tpu.wait_indirect_dma semaphore(%arg36 : memref<!tpu.dma_semaphore, #tpu.memory_space<semaphore_mem>>) src(%dma_wait3A_244 : memref<10000x128xf32, #tpu.memory_space<hbm>>) dst(%arg19 : memref<80x128xf32, #tpu.memory_space<vmem>>)
    %add3A_245 = arith.constant 9680 : i32
    %add3A_246 = arith.addi %mul3A_2, %add3A_245 : i32
    %dma_start3A_247 = tpu.memref_slice %arg3[%add3A_246] : memref<322560xi32, #tpu.memory_space<hbm>> -> memref<80xi32, #tpu.memory_space<hbm>>
    %dma_start3A_248 = tpu.memref_slice %arg3[%add3A_246] : memref<322560xi32, #tpu.memory_space<hbm>> -> memref<80xi32, #tpu.memory_space<hbm>>
    tpu.enqueue_dma source(%dma_start3A_248 : memref<80xi32, #tpu.memory_space<hbm>>) target(%arg7 : memref<80xi32, #tpu.memory_space<vmem>>) target_semaphore(%arg24 : memref<!tpu.dma_semaphore, #tpu.memory_space<semaphore_mem>>)
    %add3A_249 = arith.constant 9360 : i32
    %add3A_250 = arith.addi %mul3A_2, %add3A_249 : i32
    %dma_wait3A_251 = tpu.memref_slice %arg4[%add3A_250] : memref<322560xi32, #tpu.memory_space<hbm>> -> memref<80xi32, #tpu.memory_space<hbm>>
    %dma_wait3A_252 = tpu.memref_slice %arg4[%add3A_250] : memref<322560xi32, #tpu.memory_space<hbm>> -> memref<80xi32, #tpu.memory_space<hbm>>
    tpu.wait_dma2 semaphore(%arg32 : memref<!tpu.dma_semaphore, #tpu.memory_space<semaphore_mem>>) src(%dma_wait3A_252 : memref<80xi32, #tpu.memory_space<hbm>>) dst(%arg15 : memref<80xi32, #tpu.memory_space<vmem>>)
    %dma_start3A_253 = arith.constant 0 : i32
    %dma_start3A_254 = arith.constant 0 : i32
    %dma_start3A_255 = tpu.memref_slice %arg22[%dma_start3A_253, %dma_start3A_254] : memref<10240x128xf32, #tpu.memory_space<vmem_shared>> -> memref<10240x128xf32, #tpu.memory_space<vmem_shared>>
    tpu.enqueue_indirect_dma source(%arg19 : memref<80x128xf32, #tpu.memory_space<vmem>>) target(%dma_start3A_255 : memref<10240x128xf32, #tpu.memory_space<vmem_shared>>) offsets(%arg15 : memref<80xi32, #tpu.memory_space<vmem>>) semaphore(%arg40 : memref<!tpu.dma_semaphore, #tpu.memory_space<semaphore_mem>>) {add = true}
    %add3A_256 = arith.constant 9920 : i32
    %add3A_257 = arith.addi %mul3A_2, %add3A_256 : i32
    %dma_start3A_258 = tpu.memref_slice %arg4[%add3A_257] : memref<322560xi32, #tpu.memory_space<hbm>> -> memref<80xi32, #tpu.memory_space<hbm>>
    %dma_start3A_259 = tpu.memref_slice %arg4[%add3A_257] : memref<322560xi32, #tpu.memory_space<hbm>> -> memref<80xi32, #tpu.memory_space<hbm>>
    tpu.enqueue_dma source(%dma_start3A_259 : memref<80xi32, #tpu.memory_space<hbm>>) target(%arg14 : memref<80xi32, #tpu.memory_space<vmem>>) target_semaphore(%arg31 : memref<!tpu.dma_semaphore, #tpu.memory_space<semaphore_mem>>)
    %add3A_260 = arith.constant 9680 : i32
    %add3A_261 = arith.addi %mul3A_2, %add3A_260 : i32
    %dma_wait3A_262 = tpu.memref_slice %arg3[%add3A_261] : memref<322560xi32, #tpu.memory_space<hbm>> -> memref<80xi32, #tpu.memory_space<hbm>>
    %dma_wait3A_263 = tpu.memref_slice %arg3[%add3A_261] : memref<322560xi32, #tpu.memory_space<hbm>> -> memref<80xi32, #tpu.memory_space<hbm>>
    tpu.wait_dma2 semaphore(%arg24 : memref<!tpu.dma_semaphore, #tpu.memory_space<semaphore_mem>>) src(%dma_wait3A_263 : memref<80xi32, #tpu.memory_space<hbm>>) dst(%arg7 : memref<80xi32, #tpu.memory_space<vmem>>)
    %dma_wait3A_264 = arith.constant 0 : i32
    %dma_wait3A_265 = arith.constant 0 : i32
    %dma_wait3A_266 = tpu.memref_slice %arg22[%dma_wait3A_264, %dma_wait3A_265] : memref<10240x128xf32, #tpu.memory_space<vmem_shared>> -> memref<10240x128xf32, #tpu.memory_space<vmem_shared>>
    tpu.wait_indirect_dma semaphore(%arg40 : memref<!tpu.dma_semaphore, #tpu.memory_space<semaphore_mem>>) src(%arg19 : memref<80x128xf32, #tpu.memory_space<vmem>>) dst(%dma_wait3A_266 : memref<10240x128xf32, #tpu.memory_space<vmem_shared>>)
    %dma_start3A_267 = arith.constant 0 : i32
    %dma_start3A_268 = arith.constant 0 : i32
    %dma_start3A_269 = tpu.memref_slice %arg2[%dma_start3A_267, %dma_start3A_268] : memref<10000x128xf32, #tpu.memory_space<hbm>> -> memref<10000x128xf32, #tpu.memory_space<hbm>>
    tpu.enqueue_indirect_dma source(%dma_start3A_269 : memref<10000x128xf32, #tpu.memory_space<hbm>>) target(%arg19 : memref<80x128xf32, #tpu.memory_space<vmem>>) offsets(%arg7 : memref<80xi32, #tpu.memory_space<vmem>>) semaphore(%arg36 : memref<!tpu.dma_semaphore, #tpu.memory_space<semaphore_mem>>)
    %dma_wait3A_270 = arith.constant 0 : i32
    %dma_wait3A_271 = arith.constant 0 : i32
    %dma_wait3A_272 = tpu.memref_slice %arg2[%dma_wait3A_270, %dma_wait3A_271] : memref<10000x128xf32, #tpu.memory_space<hbm>> -> memref<10000x128xf32, #tpu.memory_space<hbm>>
    tpu.wait_indirect_dma semaphore(%arg37 : memref<!tpu.dma_semaphore, #tpu.memory_space<semaphore_mem>>) src(%dma_wait3A_272 : memref<10000x128xf32, #tpu.memory_space<hbm>>) dst(%arg20 : memref<80x128xf32, #tpu.memory_space<vmem>>)
    %add3A_273 = arith.constant 9760 : i32
    %add3A_274 = arith.addi %mul3A_2, %add3A_273 : i32
    %dma_start3A_275 = tpu.memref_slice %arg3[%add3A_274] : memref<322560xi32, #tpu.memory_space<hbm>> -> memref<80xi32, #tpu.memory_space<hbm>>
    %dma_start3A_276 = tpu.memref_slice %arg3[%add3A_274] : memref<322560xi32, #tpu.memory_space<hbm>> -> memref<80xi32, #tpu.memory_space<hbm>>
    tpu.enqueue_dma source(%dma_start3A_276 : memref<80xi32, #tpu.memory_space<hbm>>) target(%arg8 : memref<80xi32, #tpu.memory_space<vmem>>) target_semaphore(%arg25 : memref<!tpu.dma_semaphore, #tpu.memory_space<semaphore_mem>>)
    %add3A_277 = arith.constant 9440 : i32
    %add3A_278 = arith.addi %mul3A_2, %add3A_277 : i32
    %dma_wait3A_279 = tpu.memref_slice %arg4[%add3A_278] : memref<322560xi32, #tpu.memory_space<hbm>> -> memref<80xi32, #tpu.memory_space<hbm>>
    %dma_wait3A_280 = tpu.memref_slice %arg4[%add3A_278] : memref<322560xi32, #tpu.memory_space<hbm>> -> memref<80xi32, #tpu.memory_space<hbm>>
    tpu.wait_dma2 semaphore(%arg33 : memref<!tpu.dma_semaphore, #tpu.memory_space<semaphore_mem>>) src(%dma_wait3A_280 : memref<80xi32, #tpu.memory_space<hbm>>) dst(%arg16 : memref<80xi32, #tpu.memory_space<vmem>>)
    %dma_start3A_281 = arith.constant 0 : i32
    %dma_start3A_282 = arith.constant 0 : i32
    %dma_start3A_283 = tpu.memref_slice %arg22[%dma_start3A_281, %dma_start3A_282] : memref<10240x128xf32, #tpu.memory_space<vmem_shared>> -> memref<10240x128xf32, #tpu.memory_space<vmem_shared>>
    tpu.enqueue_indirect_dma source(%arg20 : memref<80x128xf32, #tpu.memory_space<vmem>>) target(%dma_start3A_283 : memref<10240x128xf32, #tpu.memory_space<vmem_shared>>) offsets(%arg16 : memref<80xi32, #tpu.memory_space<vmem>>) semaphore(%arg41 : memref<!tpu.dma_semaphore, #tpu.memory_space<semaphore_mem>>) {add = true}
    %add3A_284 = arith.constant 10000 : i32
    %add3A_285 = arith.addi %mul3A_2, %add3A_284 : i32
    %dma_start3A_286 = tpu.memref_slice %arg4[%add3A_285] : memref<322560xi32, #tpu.memory_space<hbm>> -> memref<80xi32, #tpu.memory_space<hbm>>
    %dma_start3A_287 = tpu.memref_slice %arg4[%add3A_285] : memref<322560xi32, #tpu.memory_space<hbm>> -> memref<80xi32, #tpu.memory_space<hbm>>
    tpu.enqueue_dma source(%dma_start3A_287 : memref<80xi32, #tpu.memory_space<hbm>>) target(%arg15 : memref<80xi32, #tpu.memory_space<vmem>>) target_semaphore(%arg32 : memref<!tpu.dma_semaphore, #tpu.memory_space<semaphore_mem>>)
    %add3A_288 = arith.constant 9760 : i32
    %add3A_289 = arith.addi %mul3A_2, %add3A_288 : i32
    %dma_wait3A_290 = tpu.memref_slice %arg3[%add3A_289] : memref<322560xi32, #tpu.memory_space<hbm>> -> memref<80xi32, #tpu.memory_space<hbm>>
    %dma_wait3A_291 = tpu.memref_slice %arg3[%add3A_289] : memref<322560xi32, #tpu.memory_space<hbm>> -> memref<80xi32, #tpu.memory_space<hbm>>
    tpu.wait_dma2 semaphore(%arg25 : memref<!tpu.dma_semaphore, #tpu.memory_space<semaphore_mem>>) src(%dma_wait3A_291 : memref<80xi32, #tpu.memory_space<hbm>>) dst(%arg8 : memref<80xi32, #tpu.memory_space<vmem>>)
    %dma_wait3A_292 = arith.constant 0 : i32
    %dma_wait3A_293 = arith.constant 0 : i32
    %dma_wait3A_294 = tpu.memref_slice %arg22[%dma_wait3A_292, %dma_wait3A_293] : memref<10240x128xf32, #tpu.memory_space<vmem_shared>> -> memref<10240x128xf32, #tpu.memory_space<vmem_shared>>
    tpu.wait_indirect_dma semaphore(%arg41 : memref<!tpu.dma_semaphore, #tpu.memory_space<semaphore_mem>>) src(%arg20 : memref<80x128xf32, #tpu.memory_space<vmem>>) dst(%dma_wait3A_294 : memref<10240x128xf32, #tpu.memory_space<vmem_shared>>)
    %dma_start3A_295 = arith.constant 0 : i32
    %dma_start3A_296 = arith.constant 0 : i32
    %dma_start3A_297 = tpu.memref_slice %arg2[%dma_start3A_295, %dma_start3A_296] : memref<10000x128xf32, #tpu.memory_space<hbm>> -> memref<10000x128xf32, #tpu.memory_space<hbm>>
    tpu.enqueue_indirect_dma source(%dma_start3A_297 : memref<10000x128xf32, #tpu.memory_space<hbm>>) target(%arg20 : memref<80x128xf32, #tpu.memory_space<vmem>>) offsets(%arg8 : memref<80xi32, #tpu.memory_space<vmem>>) semaphore(%arg37 : memref<!tpu.dma_semaphore, #tpu.memory_space<semaphore_mem>>)
    %dma_wait3A_298 = arith.constant 0 : i32
    %dma_wait3A_299 = arith.constant 0 : i32
    %dma_wait3A_300 = tpu.memref_slice %arg2[%dma_wait3A_298, %dma_wait3A_299] : memref<10000x128xf32, #tpu.memory_space<hbm>> -> memref<10000x128xf32, #tpu.memory_space<hbm>>
    tpu.wait_indirect_dma semaphore(%arg38 : memref<!tpu.dma_semaphore, #tpu.memory_space<semaphore_mem>>) src(%dma_wait3A_300 : memref<10000x128xf32, #tpu.memory_space<hbm>>) dst(%arg21 : memref<80x128xf32, #tpu.memory_space<vmem>>)
    %add3A_301 = arith.constant 9840 : i32
    %add3A_302 = arith.addi %mul3A_2, %add3A_301 : i32
    %dma_start3A_303 = tpu.memref_slice %arg3[%add3A_302] : memref<322560xi32, #tpu.memory_space<hbm>> -> memref<80xi32, #tpu.memory_space<hbm>>
    %dma_start3A_304 = tpu.memref_slice %arg3[%add3A_302] : memref<322560xi32, #tpu.memory_space<hbm>> -> memref<80xi32, #tpu.memory_space<hbm>>
    tpu.enqueue_dma source(%dma_start3A_304 : memref<80xi32, #tpu.memory_space<hbm>>) target(%arg9 : memref<80xi32, #tpu.memory_space<vmem>>) target_semaphore(%arg26 : memref<!tpu.dma_semaphore, #tpu.memory_space<semaphore_mem>>)
    %add3A_305 = arith.constant 9520 : i32
    %add3A_306 = arith.addi %mul3A_2, %add3A_305 : i32
    %dma_wait3A_307 = tpu.memref_slice %arg4[%add3A_306] : memref<322560xi32, #tpu.memory_space<hbm>> -> memref<80xi32, #tpu.memory_space<hbm>>
    %dma_wait3A_308 = tpu.memref_slice %arg4[%add3A_306] : memref<322560xi32, #tpu.memory_space<hbm>> -> memref<80xi32, #tpu.memory_space<hbm>>
    tpu.wait_dma2 semaphore(%arg34 : memref<!tpu.dma_semaphore, #tpu.memory_space<semaphore_mem>>) src(%dma_wait3A_308 : memref<80xi32, #tpu.memory_space<hbm>>) dst(%arg17 : memref<80xi32, #tpu.memory_space<vmem>>)
    %dma_start3A_309 = arith.constant 0 : i32
    %dma_start3A_310 = arith.constant 0 : i32
    %dma_start3A_311 = tpu.memref_slice %arg22[%dma_start3A_309, %dma_start3A_310] : memref<10240x128xf32, #tpu.memory_space<vmem_shared>> -> memref<10240x128xf32, #tpu.memory_space<vmem_shared>>
    tpu.enqueue_indirect_dma source(%arg21 : memref<80x128xf32, #tpu.memory_space<vmem>>) target(%dma_start3A_311 : memref<10240x128xf32, #tpu.memory_space<vmem_shared>>) offsets(%arg17 : memref<80xi32, #tpu.memory_space<vmem>>) semaphore(%arg42 : memref<!tpu.dma_semaphore, #tpu.memory_space<semaphore_mem>>) {add = true}
    %add3A_312 = arith.constant 9840 : i32
    %add3A_313 = arith.addi %mul3A_2, %add3A_312 : i32
    %dma_wait3A_314 = tpu.memref_slice %arg3[%add3A_313] : memref<322560xi32, #tpu.memory_space<hbm>> -> memref<80xi32, #tpu.memory_space<hbm>>
    %dma_wait3A_315 = tpu.memref_slice %arg3[%add3A_313] : memref<322560xi32, #tpu.memory_space<hbm>> -> memref<80xi32, #tpu.memory_space<hbm>>
    tpu.wait_dma2 semaphore(%arg26 : memref<!tpu.dma_semaphore, #tpu.memory_space<semaphore_mem>>) src(%dma_wait3A_315 : memref<80xi32, #tpu.memory_space<hbm>>) dst(%arg9 : memref<80xi32, #tpu.memory_space<vmem>>)
    %dma_wait3A_316 = arith.constant 0 : i32
    %dma_wait3A_317 = arith.constant 0 : i32
    %dma_wait3A_318 = tpu.memref_slice %arg22[%dma_wait3A_316, %dma_wait3A_317] : memref<10240x128xf32, #tpu.memory_space<vmem_shared>> -> memref<10240x128xf32, #tpu.memory_space<vmem_shared>>
    tpu.wait_indirect_dma semaphore(%arg42 : memref<!tpu.dma_semaphore, #tpu.memory_space<semaphore_mem>>) src(%arg21 : memref<80x128xf32, #tpu.memory_space<vmem>>) dst(%dma_wait3A_318 : memref<10240x128xf32, #tpu.memory_space<vmem_shared>>)
    %dma_start3A_319 = arith.constant 0 : i32
    %dma_start3A_320 = arith.constant 0 : i32
    %dma_start3A_321 = tpu.memref_slice %arg2[%dma_start3A_319, %dma_start3A_320] : memref<10000x128xf32, #tpu.memory_space<hbm>> -> memref<10000x128xf32, #tpu.memory_space<hbm>>
    tpu.enqueue_indirect_dma source(%dma_start3A_321 : memref<10000x128xf32, #tpu.memory_space<hbm>>) target(%arg21 : memref<80x128xf32, #tpu.memory_space<vmem>>) offsets(%arg9 : memref<80xi32, #tpu.memory_space<vmem>>) semaphore(%arg38 : memref<!tpu.dma_semaphore, #tpu.memory_space<semaphore_mem>>)
    %dma_wait3A_322 = arith.constant 0 : i32
    %dma_wait3A_323 = arith.constant 0 : i32
    %dma_wait3A_324 = tpu.memref_slice %arg2[%dma_wait3A_322, %dma_wait3A_323] : memref<10000x128xf32, #tpu.memory_space<hbm>> -> memref<10000x128xf32, #tpu.memory_space<hbm>>
    tpu.wait_indirect_dma semaphore(%arg35 : memref<!tpu.dma_semaphore, #tpu.memory_space<semaphore_mem>>) src(%dma_wait3A_324 : memref<10000x128xf32, #tpu.memory_space<hbm>>) dst(%arg18 : memref<80x128xf32, #tpu.memory_space<vmem>>)
    %add3A_325 = arith.constant 9920 : i32
    %add3A_326 = arith.addi %mul3A_2, %add3A_325 : i32
    %dma_start3A_327 = tpu.memref_slice %arg3[%add3A_326] : memref<322560xi32, #tpu.memory_space<hbm>> -> memref<80xi32, #tpu.memory_space<hbm>>
    %dma_start3A_328 = tpu.memref_slice %arg3[%add3A_326] : memref<322560xi32, #tpu.memory_space<hbm>> -> memref<80xi32, #tpu.memory_space<hbm>>
    tpu.enqueue_dma source(%dma_start3A_328 : memref<80xi32, #tpu.memory_space<hbm>>) target(%arg6 : memref<80xi32, #tpu.memory_space<vmem>>) target_semaphore(%arg23 : memref<!tpu.dma_semaphore, #tpu.memory_space<semaphore_mem>>)
    %add3A_329 = arith.constant 9600 : i32
    %add3A_330 = arith.addi %mul3A_2, %add3A_329 : i32
    %dma_wait3A_331 = tpu.memref_slice %arg4[%add3A_330] : memref<322560xi32, #tpu.memory_space<hbm>> -> memref<80xi32, #tpu.memory_space<hbm>>
    %dma_wait3A_332 = tpu.memref_slice %arg4[%add3A_330] : memref<322560xi32, #tpu.memory_space<hbm>> -> memref<80xi32, #tpu.memory_space<hbm>>
    tpu.wait_dma2 semaphore(%arg27 : memref<!tpu.dma_semaphore, #tpu.memory_space<semaphore_mem>>) src(%dma_wait3A_332 : memref<80xi32, #tpu.memory_space<hbm>>) dst(%arg10 : memref<80xi32, #tpu.memory_space<vmem>>)
    %dma_start3A_333 = arith.constant 0 : i32
    %dma_start3A_334 = arith.constant 0 : i32
    %dma_start3A_335 = tpu.memref_slice %arg22[%dma_start3A_333, %dma_start3A_334] : memref<10240x128xf32, #tpu.memory_space<vmem_shared>> -> memref<10240x128xf32, #tpu.memory_space<vmem_shared>>
    tpu.enqueue_indirect_dma source(%arg18 : memref<80x128xf32, #tpu.memory_space<vmem>>) target(%dma_start3A_335 : memref<10240x128xf32, #tpu.memory_space<vmem_shared>>) offsets(%arg10 : memref<80xi32, #tpu.memory_space<vmem>>) semaphore(%arg39 : memref<!tpu.dma_semaphore, #tpu.memory_space<semaphore_mem>>) {add = true}
    %add3A_336 = arith.constant 9920 : i32
    %add3A_337 = arith.addi %mul3A_2, %add3A_336 : i32
    %dma_wait3A_338 = tpu.memref_slice %arg3[%add3A_337] : memref<322560xi32, #tpu.memory_space<hbm>> -> memref<80xi32, #tpu.memory_space<hbm>>
    %dma_wait3A_339 = tpu.memref_slice %arg3[%add3A_337] : memref<322560xi32, #tpu.memory_space<hbm>> -> memref<80xi32, #tpu.memory_space<hbm>>
    tpu.wait_dma2 semaphore(%arg23 : memref<!tpu.dma_semaphore, #tpu.memory_space<semaphore_mem>>) src(%dma_wait3A_339 : memref<80xi32, #tpu.memory_space<hbm>>) dst(%arg6 : memref<80xi32, #tpu.memory_space<vmem>>)
    %dma_wait3A_340 = arith.constant 0 : i32
    %dma_wait3A_341 = arith.constant 0 : i32
    %dma_wait3A_342 = tpu.memref_slice %arg22[%dma_wait3A_340, %dma_wait3A_341] : memref<10240x128xf32, #tpu.memory_space<vmem_shared>> -> memref<10240x128xf32, #tpu.memory_space<vmem_shared>>
    tpu.wait_indirect_dma semaphore(%arg39 : memref<!tpu.dma_semaphore, #tpu.memory_space<semaphore_mem>>) src(%arg18 : memref<80x128xf32, #tpu.memory_space<vmem>>) dst(%dma_wait3A_342 : memref<10240x128xf32, #tpu.memory_space<vmem_shared>>)
    %dma_start3A_343 = arith.constant 0 : i32
    %dma_start3A_344 = arith.constant 0 : i32
    %dma_start3A_345 = tpu.memref_slice %arg2[%dma_start3A_343, %dma_start3A_344] : memref<10000x128xf32, #tpu.memory_space<hbm>> -> memref<10000x128xf32, #tpu.memory_space<hbm>>
    tpu.enqueue_indirect_dma source(%dma_start3A_345 : memref<10000x128xf32, #tpu.memory_space<hbm>>) target(%arg18 : memref<80x128xf32, #tpu.memory_space<vmem>>) offsets(%arg6 : memref<80xi32, #tpu.memory_space<vmem>>) semaphore(%arg35 : memref<!tpu.dma_semaphore, #tpu.memory_space<semaphore_mem>>)
    %dma_wait3A_346 = arith.constant 0 : i32
    %dma_wait3A_347 = arith.constant 0 : i32
    %dma_wait3A_348 = tpu.memref_slice %arg2[%dma_wait3A_346, %dma_wait3A_347] : memref<10000x128xf32, #tpu.memory_space<hbm>> -> memref<10000x128xf32, #tpu.memory_space<hbm>>
    tpu.wait_indirect_dma semaphore(%arg36 : memref<!tpu.dma_semaphore, #tpu.memory_space<semaphore_mem>>) src(%dma_wait3A_348 : memref<10000x128xf32, #tpu.memory_space<hbm>>) dst(%arg19 : memref<80x128xf32, #tpu.memory_space<vmem>>)
    %add3A_349 = arith.constant 10000 : i32
    %add3A_350 = arith.addi %mul3A_2, %add3A_349 : i32
    %dma_start3A_351 = tpu.memref_slice %arg3[%add3A_350] : memref<322560xi32, #tpu.memory_space<hbm>> -> memref<80xi32, #tpu.memory_space<hbm>>
    %dma_start3A_352 = tpu.memref_slice %arg3[%add3A_350] : memref<322560xi32, #tpu.memory_space<hbm>> -> memref<80xi32, #tpu.memory_space<hbm>>
    tpu.enqueue_dma source(%dma_start3A_352 : memref<80xi32, #tpu.memory_space<hbm>>) target(%arg7 : memref<80xi32, #tpu.memory_space<vmem>>) target_semaphore(%arg24 : memref<!tpu.dma_semaphore, #tpu.memory_space<semaphore_mem>>)
    %add3A_353 = arith.constant 9680 : i32
    %add3A_354 = arith.addi %mul3A_2, %add3A_353 : i32
    %dma_wait3A_355 = tpu.memref_slice %arg4[%add3A_354] : memref<322560xi32, #tpu.memory_space<hbm>> -> memref<80xi32, #tpu.memory_space<hbm>>
    %dma_wait3A_356 = tpu.memref_slice %arg4[%add3A_354] : memref<322560xi32, #tpu.memory_space<hbm>> -> memref<80xi32, #tpu.memory_space<hbm>>
    tpu.wait_dma2 semaphore(%arg28 : memref<!tpu.dma_semaphore, #tpu.memory_space<semaphore_mem>>) src(%dma_wait3A_356 : memref<80xi32, #tpu.memory_space<hbm>>) dst(%arg11 : memref<80xi32, #tpu.memory_space<vmem>>)
    %dma_start3A_357 = arith.constant 0 : i32
    %dma_start3A_358 = arith.constant 0 : i32
    %dma_start3A_359 = tpu.memref_slice %arg22[%dma_start3A_357, %dma_start3A_358] : memref<10240x128xf32, #tpu.memory_space<vmem_shared>> -> memref<10240x128xf32, #tpu.memory_space<vmem_shared>>
    tpu.enqueue_indirect_dma source(%arg19 : memref<80x128xf32, #tpu.memory_space<vmem>>) target(%dma_start3A_359 : memref<10240x128xf32, #tpu.memory_space<vmem_shared>>) offsets(%arg11 : memref<80xi32, #tpu.memory_space<vmem>>) semaphore(%arg40 : memref<!tpu.dma_semaphore, #tpu.memory_space<semaphore_mem>>) {add = true}
    %add3A_360 = arith.constant 10000 : i32
    %add3A_361 = arith.addi %mul3A_2, %add3A_360 : i32
    %dma_wait3A_362 = tpu.memref_slice %arg3[%add3A_361] : memref<322560xi32, #tpu.memory_space<hbm>> -> memref<80xi32, #tpu.memory_space<hbm>>
    %dma_wait3A_363 = tpu.memref_slice %arg3[%add3A_361] : memref<322560xi32, #tpu.memory_space<hbm>> -> memref<80xi32, #tpu.memory_space<hbm>>
    tpu.wait_dma2 semaphore(%arg24 : memref<!tpu.dma_semaphore, #tpu.memory_space<semaphore_mem>>) src(%dma_wait3A_363 : memref<80xi32, #tpu.memory_space<hbm>>) dst(%arg7 : memref<80xi32, #tpu.memory_space<vmem>>)
    %dma_wait3A_364 = arith.constant 0 : i32
    %dma_wait3A_365 = arith.constant 0 : i32
    %dma_wait3A_366 = tpu.memref_slice %arg22[%dma_wait3A_364, %dma_wait3A_365] : memref<10240x128xf32, #tpu.memory_space<vmem_shared>> -> memref<10240x128xf32, #tpu.memory_space<vmem_shared>>
    tpu.wait_indirect_dma semaphore(%arg40 : memref<!tpu.dma_semaphore, #tpu.memory_space<semaphore_mem>>) src(%arg19 : memref<80x128xf32, #tpu.memory_space<vmem>>) dst(%dma_wait3A_366 : memref<10240x128xf32, #tpu.memory_space<vmem_shared>>)
    %dma_start3A_367 = arith.constant 0 : i32
    %dma_start3A_368 = arith.constant 0 : i32
    %dma_start3A_369 = tpu.memref_slice %arg2[%dma_start3A_367, %dma_start3A_368] : memref<10000x128xf32, #tpu.memory_space<hbm>> -> memref<10000x128xf32, #tpu.memory_space<hbm>>
    tpu.enqueue_indirect_dma source(%dma_start3A_369 : memref<10000x128xf32, #tpu.memory_space<hbm>>) target(%arg19 : memref<80x128xf32, #tpu.memory_space<vmem>>) offsets(%arg7 : memref<80xi32, #tpu.memory_space<vmem>>) semaphore(%arg36 : memref<!tpu.dma_semaphore, #tpu.memory_space<semaphore_mem>>)
    %dma_wait3A_370 = arith.constant 0 : i32
    %dma_wait3A_371 = arith.constant 0 : i32
    %dma_wait3A_372 = tpu.memref_slice %arg2[%dma_wait3A_370, %dma_wait3A_371] : memref<10000x128xf32, #tpu.memory_space<hbm>> -> memref<10000x128xf32, #tpu.memory_space<hbm>>
    tpu.wait_indirect_dma semaphore(%arg37 : memref<!tpu.dma_semaphore, #tpu.memory_space<semaphore_mem>>) src(%dma_wait3A_372 : memref<10000x128xf32, #tpu.memory_space<hbm>>) dst(%arg20 : memref<80x128xf32, #tpu.memory_space<vmem>>)
    %add3A_373 = arith.constant 9760 : i32
    %add3A_374 = arith.addi %mul3A_2, %add3A_373 : i32
    %dma_wait3A_375 = tpu.memref_slice %arg4[%add3A_374] : memref<322560xi32, #tpu.memory_space<hbm>> -> memref<80xi32, #tpu.memory_space<hbm>>
    %dma_wait3A_376 = tpu.memref_slice %arg4[%add3A_374] : memref<322560xi32, #tpu.memory_space<hbm>> -> memref<80xi32, #tpu.memory_space<hbm>>
    tpu.wait_dma2 semaphore(%arg29 : memref<!tpu.dma_semaphore, #tpu.memory_space<semaphore_mem>>) src(%dma_wait3A_376 : memref<80xi32, #tpu.memory_space<hbm>>) dst(%arg12 : memref<80xi32, #tpu.memory_space<vmem>>)
    %dma_start3A_377 = arith.constant 0 : i32
    %dma_start3A_378 = arith.constant 0 : i32
    %dma_start3A_379 = tpu.memref_slice %arg22[%dma_start3A_377, %dma_start3A_378] : memref<10240x128xf32, #tpu.memory_space<vmem_shared>> -> memref<10240x128xf32, #tpu.memory_space<vmem_shared>>
    tpu.enqueue_indirect_dma source(%arg20 : memref<80x128xf32, #tpu.memory_space<vmem>>) target(%dma_start3A_379 : memref<10240x128xf32, #tpu.memory_space<vmem_shared>>) offsets(%arg12 : memref<80xi32, #tpu.memory_space<vmem>>) semaphore(%arg41 : memref<!tpu.dma_semaphore, #tpu.memory_space<semaphore_mem>>) {add = true}
    %dma_wait3A_380 = arith.constant 0 : i32
    %dma_wait3A_381 = arith.constant 0 : i32
    %dma_wait3A_382 = tpu.memref_slice %arg2[%dma_wait3A_380, %dma_wait3A_381] : memref<10000x128xf32, #tpu.memory_space<hbm>> -> memref<10000x128xf32, #tpu.memory_space<hbm>>
    tpu.wait_indirect_dma semaphore(%arg38 : memref<!tpu.dma_semaphore, #tpu.memory_space<semaphore_mem>>) src(%dma_wait3A_382 : memref<10000x128xf32, #tpu.memory_space<hbm>>) dst(%arg21 : memref<80x128xf32, #tpu.memory_space<vmem>>)
    %add3A_383 = arith.constant 9840 : i32
    %add3A_384 = arith.addi %mul3A_2, %add3A_383 : i32
    %dma_wait3A_385 = tpu.memref_slice %arg4[%add3A_384] : memref<322560xi32, #tpu.memory_space<hbm>> -> memref<80xi32, #tpu.memory_space<hbm>>
    %dma_wait3A_386 = tpu.memref_slice %arg4[%add3A_384] : memref<322560xi32, #tpu.memory_space<hbm>> -> memref<80xi32, #tpu.memory_space<hbm>>
    tpu.wait_dma2 semaphore(%arg30 : memref<!tpu.dma_semaphore, #tpu.memory_space<semaphore_mem>>) src(%dma_wait3A_386 : memref<80xi32, #tpu.memory_space<hbm>>) dst(%arg13 : memref<80xi32, #tpu.memory_space<vmem>>)
    %dma_start3A_387 = arith.constant 0 : i32
    %dma_start3A_388 = arith.constant 0 : i32
    %dma_start3A_389 = tpu.memref_slice %arg22[%dma_start3A_387, %dma_start3A_388] : memref<10240x128xf32, #tpu.memory_space<vmem_shared>> -> memref<10240x128xf32, #tpu.memory_space<vmem_shared>>
    tpu.enqueue_indirect_dma source(%arg21 : memref<80x128xf32, #tpu.memory_space<vmem>>) target(%dma_start3A_389 : memref<10240x128xf32, #tpu.memory_space<vmem_shared>>) offsets(%arg13 : memref<80xi32, #tpu.memory_space<vmem>>) semaphore(%arg42 : memref<!tpu.dma_semaphore, #tpu.memory_space<semaphore_mem>>) {add = true}
    %dma_wait3A_390 = arith.constant 0 : i32
    %dma_wait3A_391 = arith.constant 0 : i32
    %dma_wait3A_392 = tpu.memref_slice %arg2[%dma_wait3A_390, %dma_wait3A_391] : memref<10000x128xf32, #tpu.memory_space<hbm>> -> memref<10000x128xf32, #tpu.memory_space<hbm>>
    tpu.wait_indirect_dma semaphore(%arg35 : memref<!tpu.dma_semaphore, #tpu.memory_space<semaphore_mem>>) src(%dma_wait3A_392 : memref<10000x128xf32, #tpu.memory_space<hbm>>) dst(%arg18 : memref<80x128xf32, #tpu.memory_space<vmem>>)
    %add3A_393 = arith.constant 9920 : i32
    %add3A_394 = arith.addi %mul3A_2, %add3A_393 : i32
    %dma_wait3A_395 = tpu.memref_slice %arg4[%add3A_394] : memref<322560xi32, #tpu.memory_space<hbm>> -> memref<80xi32, #tpu.memory_space<hbm>>
    %dma_wait3A_396 = tpu.memref_slice %arg4[%add3A_394] : memref<322560xi32, #tpu.memory_space<hbm>> -> memref<80xi32, #tpu.memory_space<hbm>>
    tpu.wait_dma2 semaphore(%arg31 : memref<!tpu.dma_semaphore, #tpu.memory_space<semaphore_mem>>) src(%dma_wait3A_396 : memref<80xi32, #tpu.memory_space<hbm>>) dst(%arg14 : memref<80xi32, #tpu.memory_space<vmem>>)
    %dma_start3A_397 = arith.constant 0 : i32
    %dma_start3A_398 = arith.constant 0 : i32
    %dma_start3A_399 = tpu.memref_slice %arg22[%dma_start3A_397, %dma_start3A_398] : memref<10240x128xf32, #tpu.memory_space<vmem_shared>> -> memref<10240x128xf32, #tpu.memory_space<vmem_shared>>
    tpu.enqueue_indirect_dma source(%arg18 : memref<80x128xf32, #tpu.memory_space<vmem>>) target(%dma_start3A_399 : memref<10240x128xf32, #tpu.memory_space<vmem_shared>>) offsets(%arg14 : memref<80xi32, #tpu.memory_space<vmem>>) semaphore(%arg39 : memref<!tpu.dma_semaphore, #tpu.memory_space<semaphore_mem>>) {add = true}
    %dma_wait3A_400 = arith.constant 0 : i32
    %dma_wait3A_401 = arith.constant 0 : i32
    %dma_wait3A_402 = tpu.memref_slice %arg2[%dma_wait3A_400, %dma_wait3A_401] : memref<10000x128xf32, #tpu.memory_space<hbm>> -> memref<10000x128xf32, #tpu.memory_space<hbm>>
    tpu.wait_indirect_dma semaphore(%arg36 : memref<!tpu.dma_semaphore, #tpu.memory_space<semaphore_mem>>) src(%dma_wait3A_402 : memref<10000x128xf32, #tpu.memory_space<hbm>>) dst(%arg19 : memref<80x128xf32, #tpu.memory_space<vmem>>)
    %add3A_403 = arith.constant 10000 : i32
    %add3A_404 = arith.addi %mul3A_2, %add3A_403 : i32
    %dma_wait3A_405 = tpu.memref_slice %arg4[%add3A_404] : memref<322560xi32, #tpu.memory_space<hbm>> -> memref<80xi32, #tpu.memory_space<hbm>>
    %dma_wait3A_406 = tpu.memref_slice %arg4[%add3A_404] : memref<322560xi32, #tpu.memory_space<hbm>> -> memref<80xi32, #tpu.memory_space<hbm>>
    tpu.wait_dma2 semaphore(%arg32 : memref<!tpu.dma_semaphore, #tpu.memory_space<semaphore_mem>>) src(%dma_wait3A_406 : memref<80xi32, #tpu.memory_space<hbm>>) dst(%arg15 : memref<80xi32, #tpu.memory_space<vmem>>)
    %dma_start3A_407 = arith.constant 0 : i32
    %dma_start3A_408 = arith.constant 0 : i32
    %dma_start3A_409 = tpu.memref_slice %arg22[%dma_start3A_407, %dma_start3A_408] : memref<10240x128xf32, #tpu.memory_space<vmem_shared>> -> memref<10240x128xf32, #tpu.memory_space<vmem_shared>>
    tpu.enqueue_indirect_dma source(%arg19 : memref<80x128xf32, #tpu.memory_space<vmem>>) target(%dma_start3A_409 : memref<10240x128xf32, #tpu.memory_space<vmem_shared>>) offsets(%arg15 : memref<80xi32, #tpu.memory_space<vmem>>) semaphore(%arg40 : memref<!tpu.dma_semaphore, #tpu.memory_space<semaphore_mem>>) {add = true}
    %dma_wait3A_410 = arith.constant 0 : i32
    %dma_wait3A_411 = arith.constant 0 : i32
    %dma_wait3A_412 = tpu.memref_slice %arg22[%dma_wait3A_410, %dma_wait3A_411] : memref<10240x128xf32, #tpu.memory_space<vmem_shared>> -> memref<10240x128xf32, #tpu.memory_space<vmem_shared>>
    tpu.wait_indirect_dma semaphore(%arg41 : memref<!tpu.dma_semaphore, #tpu.memory_space<semaphore_mem>>) src(%arg20 : memref<80x128xf32, #tpu.memory_space<vmem>>) dst(%dma_wait3A_412 : memref<10240x128xf32, #tpu.memory_space<vmem_shared>>)
    %dma_wait3A_413 = arith.constant 0 : i32
    %dma_wait3A_414 = arith.constant 0 : i32
    %dma_wait3A_415 = tpu.memref_slice %arg22[%dma_wait3A_413, %dma_wait3A_414] : memref<10240x128xf32, #tpu.memory_space<vmem_shared>> -> memref<10240x128xf32, #tpu.memory_space<vmem_shared>>
    tpu.wait_indirect_dma semaphore(%arg42 : memref<!tpu.dma_semaphore, #tpu.memory_space<semaphore_mem>>) src(%arg21 : memref<80x128xf32, #tpu.memory_space<vmem>>) dst(%dma_wait3A_415 : memref<10240x128xf32, #tpu.memory_space<vmem_shared>>)
    %dma_wait3A_416 = arith.constant 0 : i32
    %dma_wait3A_417 = arith.constant 0 : i32
    %dma_wait3A_418 = tpu.memref_slice %arg22[%dma_wait3A_416, %dma_wait3A_417] : memref<10240x128xf32, #tpu.memory_space<vmem_shared>> -> memref<10240x128xf32, #tpu.memory_space<vmem_shared>>
    tpu.wait_indirect_dma semaphore(%arg39 : memref<!tpu.dma_semaphore, #tpu.memory_space<semaphore_mem>>) src(%arg18 : memref<80x128xf32, #tpu.memory_space<vmem>>) dst(%dma_wait3A_418 : memref<10240x128xf32, #tpu.memory_space<vmem_shared>>)
    %dma_wait3A_419 = arith.constant 0 : i32
    %dma_wait3A_420 = arith.constant 0 : i32
    %dma_wait3A_421 = tpu.memref_slice %arg22[%dma_wait3A_419, %dma_wait3A_420] : memref<10240x128xf32, #tpu.memory_space<vmem_shared>> -> memref<10240x128xf32, #tpu.memory_space<vmem_shared>>
    tpu.wait_indirect_dma semaphore(%arg40 : memref<!tpu.dma_semaphore, #tpu.memory_space<semaphore_mem>>) src(%arg19 : memref<80x128xf32, #tpu.memory_space<vmem>>) dst(%dma_wait3A_421 : memref<10240x128xf32, #tpu.memory_space<vmem_shared>>)
    %barrier3A_422 = arith.constant 0 : index
    tpu.barrier barrier_id(%barrier3A_422)
    "tpu.region"() ({
      %run_scoped3A = tpu.sem_alloc : memref<!tpu.dma_semaphore, #tpu.memory_space<semaphore_mem>>
      %dma_start3A_423 = arith.constant 0 : i32
      %dma_start3A_424 = tpu.memref_slice %arg5[%arg0, %mul3A_56, %dma_start3A_423] : memref<2x10240x128xf32, #tpu.memory_space<hbm>> -> memref<1x640x128xf32, #tpu.memory_space<hbm>>
      %dma_start3A_425 = tpu.memref_squeeze %dma_start3A_424 : memref<1x640x128xf32, #tpu.memory_space<hbm>> -> memref<640x128xf32, #tpu.memory_space<hbm>>
      %dma_start3A_426 = arith.constant 0 : i32
      %dma_start3A_427 = tpu.memref_slice %arg22[%mul3A_56, %dma_start3A_426] : memref<10240x128xf32, #tpu.memory_space<vmem_shared>> -> memref<640x128xf32, #tpu.memory_space<vmem_shared>>
      tpu.enqueue_dma source(%dma_start3A_427 : memref<640x128xf32, #tpu.memory_space<vmem_shared>>) target(%dma_start3A_425 : memref<640x128xf32, #tpu.memory_space<hbm>>) target_semaphore(%run_scoped3A : memref<!tpu.dma_semaphore, #tpu.memory_space<semaphore_mem>>)
      %dma_wait3A_428 = arith.constant 0 : i32
      %dma_wait3A_429 = tpu.memref_slice %arg5[%arg0, %mul3A_56, %dma_wait3A_428] : memref<2x10240x128xf32, #tpu.memory_space<hbm>> -> memref<1x640x128xf32, #tpu.memory_space<hbm>>
      %dma_wait3A_430 = tpu.memref_squeeze %dma_wait3A_429 : memref<1x640x128xf32, #tpu.memory_space<hbm>> -> memref<640x128xf32, #tpu.memory_space<hbm>>
      %dma_wait3A_431 = arith.constant 0 : i32
      %dma_wait3A_432 = tpu.memref_slice %arg22[%mul3A_56, %dma_wait3A_431] : memref<10240x128xf32, #tpu.memory_space<vmem_shared>> -> memref<640x128xf32, #tpu.memory_space<vmem_shared>>
      tpu.wait_dma2 semaphore(%run_scoped3A : memref<!tpu.dma_semaphore, #tpu.memory_space<semaphore_mem>>) src(%dma_wait3A_432 : memref<640x128xf32, #tpu.memory_space<vmem_shared>>) dst(%dma_wait3A_430 : memref<640x128xf32, #tpu.memory_space<hbm>>)
      tpu.yield
    }) : () -> ()
    return
  }
}

module attributes {stable_mosaic.version = 14 : i64} {
  func.func @_mlp_body(%arg0: i32, %arg1: memref<1000x128xf32, #tpu.memory_space<vmem>>, %arg2: memref<1000x128xf32, #tpu.memory_space<vmem>>, %arg3: memref<1000x128xf32, #tpu.memory_space<vmem>>, %arg4: memref<256x128xf32, #tpu.memory_space<vmem>>, %arg5: memref<1x256xf32, #tpu.memory_space<vmem>>, %arg6: memref<128x256xf32, #tpu.memory_space<vmem>>, %arg7: memref<1x128xf32, #tpu.memory_space<vmem>>, %arg8: memref<1000x128xf32, #tpu.memory_space<vmem>>) attributes {dimension_semantics = [#tpu.dimension_semantics<arbitrary>], iteration_bounds = array<i64: 10>, scalar_prefetch = 0 : i64, scratch_operands = 0 : i64, tpu.core_type = #tpu.core_type<tc>, window_params = [{transform_indices = @transform_0, window_bounds = array<i64: 1000, 128>}, {transform_indices = @transform_1, window_bounds = array<i64: 1000, 128>}, {transform_indices = @transform_2, window_bounds = array<i64: 1000, 128>}, {pipeline_mode = #tpu.pipeline_mode<synchronous>, transform_indices = @transform_3, window_bounds = array<i64: 256, 128>}, {pipeline_mode = #tpu.pipeline_mode<synchronous>, transform_indices = @transform_4, window_bounds = array<i64: 1, 256>}, {pipeline_mode = #tpu.pipeline_mode<synchronous>, transform_indices = @transform_5, window_bounds = array<i64: 128, 256>}, {pipeline_mode = #tpu.pipeline_mode<synchronous>, transform_indices = @transform_6, window_bounds = array<i64: 1, 128>}, {transform_indices = @transform_7, window_bounds = array<i64: 1000, 128>}]} {
    %get3A = arith.constant 0 : index
    %get3A_0 = arith.constant 0 : index
    %get3A_1 = vector.load %arg1[%get3A, %get3A_0] : memref<1000x128xf32, #tpu.memory_space<vmem>>, vector<1000x128xf32>
    %get3A_2 = arith.constant 0 : index
    %get3A_3 = arith.constant 0 : index
    %get3A_4 = vector.load %arg2[%get3A_2, %get3A_3] : memref<1000x128xf32, #tpu.memory_space<vmem>>, vector<1000x128xf32>
    %add3A = arith.addf %get3A_1, %get3A_4 : vector<1000x128xf32>
    %get3A_5 = arith.constant 0 : index
    %get3A_6 = arith.constant 0 : index
    %get3A_7 = vector.load %arg3[%get3A_5, %get3A_6] : memref<1000x128xf32, #tpu.memory_space<vmem>>, vector<1000x128xf32>
    %add3A_8 = arith.addf %add3A, %get3A_7 : vector<1000x128xf32>
    %get3A_9 = arith.constant 0 : index
    %get3A_10 = arith.constant 0 : index
    %get3A_11 = vector.load %arg4[%get3A_9, %get3A_10] : memref<256x128xf32, #tpu.memory_space<vmem>>, vector<256x128xf32>
    %dot_general3A = arith.constant dense<0.000000e+00> : vector<1000x256xf32>
    %dot_general3A_12 = tpu.matmul %add3A_8, %get3A_11, %dot_general3A {dimension_numbers = #tpu.dot_dimension_numbers<[1], [1], [0], [0], [0, 0, 1, 0], [], []>, transpose_lhs_hint = false} : vector<1000x128xf32>, vector<256x128xf32>, vector<1000x256xf32> -> vector<1000x256xf32>
    %get3A_13 = arith.constant 0 : index
    %get3A_14 = arith.constant 0 : index
    %get3A_15 = vector.load %arg5[%get3A_13, %get3A_14] : memref<1x256xf32, #tpu.memory_space<vmem>>, vector<1x256xf32>
    %add3A_16 = vector.broadcast %get3A_15 : vector<1x256xf32> to vector<1000x256xf32>
    %add3A_17 = arith.addf %dot_general3A_12, %add3A_16 : vector<1000x256xf32>
    %max3A = arith.constant 0.000000e+00 : f32
    %max3A_18 = vector.broadcast %max3A : f32 to vector<1000x256xf32>
    %max3A_19 = arith.maximumf %add3A_17, %max3A_18 : vector<1000x256xf32>
    %get3A_20 = arith.constant 0 : index
    %get3A_21 = arith.constant 0 : index
    %get3A_22 = vector.load %arg6[%get3A_20, %get3A_21] : memref<128x256xf32, #tpu.memory_space<vmem>>, vector<128x256xf32>
    %dot_general3A_23 = arith.constant dense<0.000000e+00> : vector<1000x128xf32>
    %dot_general3A_24 = tpu.matmul %max3A_19, %get3A_22, %dot_general3A_23 {dimension_numbers = #tpu.dot_dimension_numbers<[1], [1], [0], [0], [0, 0, 1, 0], [], []>, transpose_lhs_hint = false} : vector<1000x256xf32>, vector<128x256xf32>, vector<1000x128xf32> -> vector<1000x128xf32>
    %get3A_25 = arith.constant 0 : index
    %get3A_26 = arith.constant 0 : index
    %get3A_27 = vector.load %arg7[%get3A_25, %get3A_26] : memref<1x128xf32, #tpu.memory_space<vmem>>, vector<1x128xf32>
    %add3A_28 = vector.broadcast %get3A_27 : vector<1x128xf32> to vector<1000x128xf32>
    %add3A_29 = arith.addf %dot_general3A_24, %add3A_28 : vector<1000x128xf32>
    %swap3A = arith.constant 0 : index
    %swap3A_30 = arith.constant 0 : index
    %swap3A_31 = vector.load %arg8[%swap3A, %swap3A_30] : memref<1000x128xf32, #tpu.memory_space<vmem>>, vector<1000x128xf32>
    tpu.vector_store %arg8[%swap3A, %swap3A_30], %add3A_29 {strides = array<i32>} : memref<1000x128xf32, #tpu.memory_space<vmem>>, vector<1000x128xf32>,
    return
  }
  func.func @transform_0(%arg0: i32) -> (i32, i32) {
    %c0_i32 = arith.constant 0 : i32
    %c0_i32_0 = arith.constant 0 : i32
    return %arg0, %c0_i32 : i32, i32
  }
  func.func @transform_1(%arg0: i32) -> (i32, i32) {
    %c0_i32 = arith.constant 0 : i32
    %c0_i32_0 = arith.constant 0 : i32
    return %arg0, %c0_i32 : i32, i32
  }
  func.func @transform_2(%arg0: i32) -> (i32, i32) {
    %c0_i32 = arith.constant 0 : i32
    %c0_i32_0 = arith.constant 0 : i32
    return %arg0, %c0_i32 : i32, i32
  }
  func.func @transform_3(%arg0: i32) -> (i32, i32) {
    %c0_i32 = arith.constant 0 : i32
    %c0_i32_0 = arith.constant 0 : i32
    %c0_i32_1 = arith.constant 0 : i32
    return %c0_i32, %c0_i32_0 : i32, i32
  }
  func.func @transform_4(%arg0: i32) -> (i32, i32) {
    %c0_i32 = arith.constant 0 : i32
    %c0_i32_0 = arith.constant 0 : i32
    %c0_i32_1 = arith.constant 0 : i32
    return %c0_i32, %c0_i32_0 : i32, i32
  }
  func.func @transform_5(%arg0: i32) -> (i32, i32) {
    %c0_i32 = arith.constant 0 : i32
    %c0_i32_0 = arith.constant 0 : i32
    %c0_i32_1 = arith.constant 0 : i32
    return %c0_i32, %c0_i32_0 : i32, i32
  }
  func.func @transform_6(%arg0: i32) -> (i32, i32) {
    %c0_i32 = arith.constant 0 : i32
    %c0_i32_0 = arith.constant 0 : i32
    %c0_i32_1 = arith.constant 0 : i32
    return %c0_i32, %c0_i32_0 : i32, i32
  }
  func.func @transform_7(%arg0: i32) -> (i32, i32) {
    %c0_i32 = arith.constant 0 : i32
    %c0_i32_0 = arith.constant 0 : i32
    return %arg0, %c0_i32 : i32, i32
  }
}

</mosaic_0001>

<sc_bundles>
// kernel: kernel.4.cloned.1.call-start
scs
__scs_entry_jumppad:
0x0: {  	(pc) =	sbr.rel $0x88, $3  }
0x1: {  	(tag) =	ssettag $0x0;
	lr =	simm.s32 $0x1  }
0x2: {  	[smem:$0x3F9B] =	sst lr;
	_ =	strace $0xD0000000  }
0x3: {  	_ = 	snop  }
0x4: {  	_ = 	snop  }
0x5: {  	_ = 	snop  }
0x6: {  	_ = 	snop  }
0x7: {  	_ = 	snop  }
__scs_overlays_trampoline_lowered:
0x8: {  	[smem:$0x3FAA] =	sst s0  }
0x9: {  	[smem:$0x3FAB] =	sst s1  }
0xa: {  	[smem:$0x3FAC] =	sst s2  }
0xb: {  	[smem:$0x3FAD] =	sst s3  }
0xc: {  	[smem:$0x3FAE] =	sst s4  }
0xd: {  	[smem:$0x3FAF] =	sst s5  }
0xe: {  	[smem:$0x3FB0] =	sst s6  }
0xf: {  	[smem:$0x3FB1] =	sst s7  }
0x10: {  	[smem:$0x3FB2] =	sst s8  }
0x11: {  	[smem:$0x3FB3] =	sst s9;
	s0 =	simm.s32 @!p0 $0x0  }
0x12: {  	s1 =	sld [smem:$0x3F99];
	s0 =	simm.s32 @p0 $0x1  }
0x13: {  	[smem:$0x3FB4] =	sst s0;
	s0 =	simm.s32 @!p1 $0x0  }
0x14: {  	s2 =	sld [smem:$0x3F98];
	s0 =	simm.s32 @p1 $0x1  }
0x15: {  	[smem:$0x3FB5] =	sst s0;
	s0 =	simm.s32 @!p2 $0x0  }
0x16: {  	s3 =	sld [smem:$0x3FDB];
	s0 =	simm.s32 @p2 $0x1  }
0x17: {  	s4 =	simm.s32 $0x1BF5;
	[smem:$0x3FB7] =	sst s0  }
0x18: {  	s0 =	sld [smem:$0x3F9A];
	_ =	swait.ge [sflag:s4], $0x0  }
0x19: {  	s7 =	sld [smem:$0x3F9B]  }
0x1a: {  	s8 =	sadd.s32 $0xFFFFE003, lr  }
0x1b: {  	s9 =	sadd.s32 $0xFFFFFEF7, lr;
	s5 =	simm.s32 $0xFFFFFFFF;
	p2 =	slt.u32 s8, $0xFFFFF086  }
0x1c: {  	p1 =	slt.u32 s9, $0xF7A;
	s5 =	simm.s32 @!p2 $0x0  }
0x1d: {  	s5 =	simm.s32 @p1 $0x1;
	p0 =	seq.s32 s7, s2  }
0x1e: {  	s7 =	smul.u32 @!p0 $0xF7A, s2;
	p2 =	seq.s32 @!p0 s5, $0x0  }
0x1f: {  	s9 =	smul.u32 $0xF7A, s1;
	s8 =	simm.s32 @!p0 $0x1BF5;
	p2 =	por !p2, p0  }
0x20: {  	[sflag:s8] =	ssyncset.s32 @!p0 $0xFFFFF086;
	s6 =	sadd.s32 @!p0 s3, s7;
	s7 =	simm.s32 @!p0 $0x108  }
0x21: {  	s3 =	sadd.s32 s3, s9;
	s6 =	sadd.s32 @!p0 $0x88, s6;
	s7 =	simm.s32 @p2 $0x1082  }
0x22: {  	[simem:s7], [sflag:s8] =	dma.local @!p0 [hbm:s6], $0xF7A  }
0x23: {  	s9 =	sor.u32 $0xD0000000, s2;
	s6 =	simm.s32 $0x108;
	_ =	swait.ge @!p0 [sflag:s8], $0x0  }
0x24: {  	s3 =	sadd.s32 $0x88, s3;
	s6 =	simm.s32 @!p1 $0x1082;
	[sflag:s4] =	ssyncset.s32 $0xFFFFF086  }
0x25: {  	[simem:s6], [sflag:s4] =	dma.local [hbm:s3], $0xF7A  }
0x26: {  	[smem:$0x3F9B] =	sst s1;
	(tag) =	ssettag s2;
	_ =	strace s9  }
0x27: {  	s1 =	sld [smem:$0x3FAB]  }
0x28: {  	s2 =	sld [smem:$0x3FAC]  }
0x29: {  	s4 =	sld [smem:$0x3FAE]  }
0x2a: {  	p0 =	seq.s32 s5, $0x0;
	s5 =	sld [smem:$0x3FAF]  }
0x2b: {  	s6 =	sld [smem:$0x3FB0]  }
0x2c: {  	s7 =	sld [smem:$0x3FB1]  }
0x2d: {  	s3 =	simm.s32 $0x108;
	s8 =	sld [smem:$0x3FB2]  }
0x2e: {  	s3 =	simm.s32 @!p0 $0x1082;
	s9 =	sld [smem:$0x3FB3]  }
0x2f: {  	lr =	sadd.s32 s0, s3;
	s0 =	sld [smem:$0x3FAA]  }
0x30: {  	s3 =	sld [smem:$0x3FAD]  }
0x31: {  	[smem:$0x3FB6] =	sst s10  }
0x32: {  	s10 =	sld [smem:$0x3FB4];
	_ =	sdelay $0x3  }
0x33: {  	p0 =	seq.s32 s10, $0x1;
	s10 =	sld [smem:$0x3FB6];
	_ =	sdelay $0x3  }
0x34: {  	[smem:$0x3FB6] =	sst s10  }
0x35: {  	s10 =	sld [smem:$0x3FB5];
	_ =	sdelay $0x3  }
0x36: {  	p1 =	seq.s32 s10, $0x1;
	s10 =	sld [smem:$0x3FB6];
	_ =	sdelay $0x3  }
0x37: {  	[smem:$0x3FB6] =	sst s10  }
0x38: {  	s10 =	sld [smem:$0x3FB7]  }
0x39: {  	_ = 	snop;
	(pc) =	sbr.ind lr, $3  }
0x3a: {  	_ = 	snop  }
0x3b: {  	_ = 	snop  }
0x3c: {  	p2 =	seq.s32 s10, $0x1;
	s10 =	sld [smem:$0x3FB6]  }
0x3d: {  	_ =	shalt  }
0x3e: {  	_ =	shalt  }
0x3f: {  	_ =	shalt  }
0x40: {  	_ =	shalt  }
0x41: {  	_ =	shalt  }
0x42: {  	_ =	shalt  }
0x43: {  	_ =	shalt  }
0x44: {  	_ =	shalt  }
0x45: {  	_ =	shalt  }
0x46: {  	_ =	shalt  }
0x47: {  	_ =	shalt  }
0x48: {  	_ =	shalt  }
0x49: {  	_ =	shalt  }
0x4a: {  	_ =	shalt  }
0x4b: {  	_ =	shalt  }
0x4c: {  	_ =	shalt  }
0x4d: {  	_ =	shalt  }
0x4e: {  	_ =	shalt  }
0x4f: {  	_ =	shalt  }
0x50: {  	_ =	shalt  }
0x51: {  	_ =	shalt  }
0x52: {  	_ =	shalt  }
0x53: {  	_ =	shalt  }
0x54: {  	_ =	shalt  }
0x55: {  	_ =	shalt  }
0x56: {  	_ =	shalt  }
0x57: {  	_ =	shalt  }
0x58: {  	_ =	shalt  }
0x59: {  	_ =	shalt  }
0x5a: {  	_ =	shalt  }
0x5b: {  	_ =	shalt  }
0x5c: {  	_ =	shalt  }
0x5d: {  	_ =	shalt  }
0x5e: {  	_ =	shalt  }
0x5f: {  	_ =	shalt  }
0x60: {  	_ =	shalt  }
0x61: {  	_ =	shalt  }
0x62: {  	_ =	shalt  }
0x63: {  	_ =	shalt  }
0x64: {  	_ =	shalt  }
0x65: {  	_ =	shalt  }
0x66: {  	_ =	shalt  }
0x67: {  	_ =	shalt  }
0x68: {  	_ =	shalt  }
0x69: {  	_ =	shalt  }
0x6a: {  	_ =	shalt  }
0x6b: {  	_ =	shalt  }
0x6c: {  	_ =	shalt  }
0x6d: {  	_ =	shalt  }
0x6e: {  	_ =	shalt  }
0x6f: {  	_ =	shalt  }
0x70: {  	_ =	shalt  }
0x71: {  	_ =	shalt  }
0x72: {  	_ =	shalt  }
0x73: {  	_ =	shalt  }
0x74: {  	_ =	shalt  }
0x75: {  	_ =	shalt  }
0x76: {  	_ =	shalt  }
0x77: {  	_ =	shalt  }
0x78: {  	_ =	shalt  }
0x79: {  	_ =	shalt  }
0x7a: {  	_ =	shalt  }
0x7b: {  	_ =	shalt  }
0x7c: {  	_ =	shalt  }
0x7d: {  	_ =	shalt  }
0x7e: {  	_ =	shalt  }
0x7f: {  	_ =	shalt  }
0x80: {  	_ =	shalt  }
0x81: {  	_ =	shalt  }
0x82: {  	_ =	shalt  }
0x83: {  	_ =	shalt  }
0x84: {  	_ =	shalt  }
0x85: {  	_ =	shalt  }
0x86: {  	_ =	shalt  }
0x87: {  	_ =	shalt  }
.Lfunc_end0:
.L_simem_size_0:
called_computation_lowered:
.L_overlay_start_0:
0x88: {  	s2 =	sld [smem:$0x3FD9]  }
0x89: {  	s3 =	sld [smem:$0x3FFE];
	_ =	sdelay $0x1  }
0x8a: {  	s1 =	srdreg.scid  }
0x8b: {  	s0 =	sand.u32 $0x1, s1  }
0x8c: {  	s17 =	sshll.u32 s0, $0xA;
	s2 =	sadd.s32 s3, s2  }
0x8d: {  	s2 =	sadd.s32 s2, s17  }
0x8e: {  	[smem:$0x3FC2] =	sst s2  }
0x8f: {  	_ = 	snop  }
0x90: {  	s2 =	sld [smem:$0x3FC9]  }
0x91: {  	s18 =	sld [smem:$0x3FD0];
	(tm) =	ssettm $0x1  }
0x92: {  	s4 =	sld [smem:$0x3FFB];
	_ =	sdelay $0x3  }
0x93: {  	_ =	strace s4  }
0x94: {  	s4 =	sld [smem:$0x3FFC];
	_ =	sdelay $0x3  }
0x95: {  	_ =	strace s4  }
0x96: {  	s4 =	sld [smem:$0x3FFD];
	_ =	sdelay $0x3  }
0x97: {  	_ =	strace s4  }
0x98: {  	_ =	strace $0x8FFFFFFF  }
0x99: {  	s19 =	sld [smem:$0x3FDB];
	_ =	sdelay $0x1  }
0x9a: {  	s5 =	simm.s32 $_scs_section_size  }
0x9b: {  	s6 =	simm.s32 $_size__tile_overlayer_lowered;
	s7 =	simm.s32 $_tile_overlayer_lowered  }
0x9c: {  	s22 =	simm.s32 $0x1BFF;
	s21 =	sshll.u32 s7, $0x1;
	s4 =	sadd.s32 s5, s19  }
0x9d: {  	s8 =	simm.s32 $0x0;
	s20 =	sshll.u32 s6, $0x1;
	s6 =	sadd.s32 s21, s4  }
0x9e: {  	[timem:s8], [sflag:s22] =	dma.local [hbm:s6], s20  }
0x9f: {  	_ =	swait.ge [sflag:s22], s20  }
0xa0: {  	s5 =	ssub.s32 $0x0, s20;
	[sflag:s22] =	ssyncset.done $0x0  }
0xa1: {  	[sflag:s22] =	ssyncadd.s32 s5;
	_ =	sdelay $0x1  }
0xa2: {  	s23 =	simm.s32 $0x1B8B  }
0xa3: {  	_ =	swait.ge [sflag:s23], $0x1  }
0xa4: {  	[sflag:s23] =	ssyncset.done $0x0  }
0xa5: {  	s25 =	simm.s32 $0x1B8E;
	s24 =	sld [smem:$0x3FFE];
	[sflag:s23] =	ssyncadd.s32 $0xFFFFFFFF  }
0xa6: {  	s26 =	simm.s32 $execute0_lowered;
	[smem:$0x3FD2] =	sst s25  }
0xa7: {  	s6 =	sshll.u32 s26, $0x1;
	_ =	strace $0x80000046;
	[dreg:$0x1] =	wrdreg $0xFFFFFFFF  }
0xa8: {  	s28 =	simm.s32 $_size_execute0_lowered;
	s4 =	sadd.s32 s4, s6;
	[dreg:$0x0] =	wrdreg $0x0  }
0xa9: {  	s6 =	sshll.u32 s28, $0x1;
	[dreg:$0x2] =	wrdreg s4  }
0xaa: {  	[dreg:$0x3] =	wrdreg s6  }
0xab: {  	[dreg:$0x4] =	wrdreg $0xC0  }
0xac: {  	_ =	task [dreg:s8], $0x5FFFF  }
0xad: {  	[dreg:$0x1] =	wrdreg $0xFFFFFFFF  }
0xae: {  	[dreg:$0x0] =	wrdreg $0x60  }
0xaf: {  	[dreg:$0x2] =	wrdreg s2  }
0xb0: {  	[dreg:$0x3] =	wrdreg s18  }
0xb1: {  	[dreg:$0x4] =	wrdreg s24  }
0xb2: {  	[dreg:$0x5] =	wrdreg $0xA6000  }
0xb3: {  	[dreg:$0x6] =	wrdreg $0x9  }
0xb4: {  	_ =	task.clear_ibuf [dreg:s8], $0x7FFFF;
	_ =	strace $0x90000046  }
0xb5: {  	s29 =	simm.s32 $0x9;
	_ =	strace $0x80000048  }
0xb6: {  	_ =	swait.ge [sflag:s29], $0x1  }
0xb7: {  	[sflag:s29] =	ssyncadd.s32 $0xFFFFFFFF  }
0xb8: {  	_ =	strace $0x90000048  }
0xb9: {  	_ =	sfence  }
0xba: {  	s30 =	sld [smem:$0x0];
	_ =	sdelay $0x2  }
0xbb: {  	s31 =	sshll.u32 s1, $0xD;
	s1 =	sshrl.u32 s1, $0x2  }
0xbc: {  	s3 =	sand.u32 $0x4000, s31;
	s1 =	sadd.s32 s1, s30  }
0xbd: {  	s0 =	sor.u32 s3, s0;
	s1 =	sshll.u32 s1, $0x11  }
0xbe: {  	s0 =	sor.u32 s1, s0  }
0xbf: {  	s0 =	sadd.s32 $0x8F2B, s0  }
0xc0: {  	[sflag:s0] =	ssyncadd.remote.s32 $0x1  }
0xc1: {  	_ =	sfence.sel $0xFFFF  }
0xc2: {  	[dreg:$0x0] =	wrdreg $0xFFFFFFFF;
	(pc) =	sbr.abs _section_cstart, $3  }
0xc3: {  	[dreg:$0x1] =	wrdreg $0xFFFFFFFF  }
0xc4: {  	_ =	task.clear_ibuf [dreg:s8], $0x2FFFF;
	_ =	strace $0x9FFFFFFF  }
0xc5: {  	(tm) =	ssettm $0x7FFFFFFF  }
tec
execute0_lowered:
.L_overlay_start_1:
0x0: {  	(tag) =	ssettag $0x1  }
0x1: {  	s4 =	rddreg [dreg:$0x0]  }
0x2: {  	s31 =	rddreg [dreg:$0x1]  }
0x3: {  	s0 =	rddreg [dreg:$0x2]  }
0x4: {  	s20 =	rddreg [dreg:$0x3];
	s11 =	stileid.u32  }
0x5: {  	s2 =	srdreg.scid;
	s3 =	smul.u32 $0x14000, s11  }
0x6: {  	s5 =	simm.s32 $0x0;
	s6 =	sand.u32 $0x1, s2;
	s8 =	smul.u32 $0x4EC0, s11  }
0x7: {  	s7 =	sshll.u32 s11, $0x1;
	[smem:$0x7FF] =	sst s5;
	s19 =	smul.u32 $0x50000, s11  }
0x8: {  	s18 =	sadd.s32 $0xE00, s0;
	s2 =	smul.u32 $0x140000, s6;
	s7 =	sor.u32 s6, s7  }
0x9: {  	_ =	strace $0x80000047;
	s12 =	ssub.s32 $0x2, s6;
	s6 =	smul.u32 $0x2760, s6  }
0xa: {  	[dreg:$0x13] =	wrdreg s18;
	s10 =	smul.u32 $0x2760, s7;
	s13 =	sshrl.u32 s12, $0x1  }
0xb: {  	s2 =	sadd.s32 s3, s2;
	s6 =	sadd.s32 s6, s8;
	s8 =	sshrl.u32 s19, $0x2  }
0xc: {  	s2 =	sshrl.u32 s2, $0x3;
	s3 =	sshrl.u32 s10, $0x3;
	s29 =	sadd.s32 s8, s20  }
0xd: {  	s0 =	sadd.s32 s2, s0;
	s2 =	ssub.s32 s12, s13;
	s14 =	sadd.s32 $0xA, s3  }
0xe: {  	s9 =	sadd.s32 $0x14, s3;
	[dreg:$0x1b] =	wrdreg s29;
	s12 =	sadd.s32 s31, s14  }
0xf: {  	s10 =	sadd.s32 $0x1E, s3;
	s15 =	sadd.s32 s31, s9;
	[dreg:$0x14] =	wrdreg s12  }
0x10: {  	s21 =	sadd.s32 $0x4B0, s6;
	s16 =	sadd.s32 s31, s10;
	[dreg:$0x15] =	wrdreg s15  }
0x11: {  	s23 =	sadd.s32 $0x460, s6;
	s7 =	sadd.s32 s18, s14;
	[dreg:$0x16] =	wrdreg s16  }
0x12: {  	s26 =	sadd.s32 $0x3C0, s6;
	s17 =	sadd.s32 s18, s9;
	[dreg:$0x17] =	wrdreg s7  }
0x13: {  	s1 =	sshrl.u32 s26, $0x3;
	s10 =	sadd.s32 s18, s10;
	[dreg:$0x18] =	wrdreg s17  }
0x14: {  	s25 =	sadd.s32 $0x410, s6;
	s11 =	sadd.s32 s1, s31;
	[dreg:$0x19] =	wrdreg s10  }
0x15: {  	s26 =	sadd.s32 $0x4B0, s3;
	s13 =	sadd.s32 s1, s18;
	[dreg:$0x8] =	wrdreg s11  }
0x16: {  	s24 =	sshrl.u32 s23, $0x3;
	s1 =	sadd.s32 s18, s26;
	[dreg:$0x9] =	wrdreg s13  }
0x17: {  	s9 =	sshrl.u32 s21, $0x3;
	s0 =	sadd.s32 $0xAC00, s0;
	[dreg:$0x1d] =	wrdreg s1  }
0x18: {  	s7 =	sadd.s32 $0x28, s3;
	s9 =	sadd.s32 s9, s18;
	[smem:$0x7EC] =	sst s0  }
0x19: {  	s10 =	sshrl.u32 s25, $0x3;
	s22 =	sadd.s32 s18, s7;
	[dreg:$0x5] =	wrdreg s9  }
0x1a: {  	s12 =	sadd.s32 $0x370, s6;
	s9 =	sadd.s32 s24, s18;
	[dreg:$0x1a] =	wrdreg s22  }
0x1b: {  	s11 =	sadd.s32 $0x190, s6;
	s28 =	sadd.s32 s10, s18;
	[dreg:$0x6] =	wrdreg s9  }
0x1c: {  	s14 =	sshrl.u32 s12, $0x3;
	s7 =	sadd.s32 s31, s7;
	[dreg:$0x7] =	wrdreg s28  }
0x1d: {  	s12 =	sshrl.u32 s11, $0x3;
	s11 =	smax.u32 s2, $0x1;
	[dreg:$0x1c] =	wrdreg s7  }
0x1e: {  	s16 =	sadd.s32 $0x320, s6;
	s15 =	sadd.s32 s14, s31;
	[smem:$0x7ED] =	sst s11  }
0x1f: {  	s19 =	sshrl.u32 s16, $0x3;
	s17 =	sadd.s32 s14, s18;
	[dreg:$0xa] =	wrdreg s15  }
0x20: {  	s21 =	sadd.s32 s19, s31;
	[dreg:$0xb] =	wrdreg s17  }
0x21: {  	s23 =	sadd.s32 s19, s18;
	[dreg:$0xc] =	wrdreg s21  }
0x22: {  	s14 =	sadd.s32 s12, s31;
	[dreg:$0xd] =	wrdreg s23  }
0x23: {  	s19 =	sadd.s32 s31, s26;
	[dreg:$0x12] =	wrdreg s14  }
0x24: {  	s24 =	sadd.s32 $0x2D0, s6;
	s12 =	sadd.s32 $0x280, s6;
	[smem:$0x7E3] =	sst s19  }
0x25: {  	s25 =	sshrl.u32 s24, $0x3;
	s9 =	sadd.s32 s31, s3;
	[smem:$0x7EE] =	sst s12  }
0x26: {  	s28 =	sadd.s32 s25, s31;
	[smem:$0x7FC] =	sst s9  }
0x27: {  	s13 =	sadd.s32 $0x4BA, s3;
	s8 =	sadd.s32 s25, s18;
	[dreg:$0xf] =	wrdreg s28  }
0x28: {  	s16 =	sadd.s32 $0x4C4, s3;
	s15 =	sadd.s32 s18, s13;
	[dreg:$0x10] =	wrdreg s8  }
0x29: {  	s22 =	sadd.s32 $0x230, s6;
	s17 =	sadd.s32 s18, s16;
	[dreg:$0x1e] =	wrdreg s15  }
0x2a: {  	s24 =	sadd.s32 $0x4CE, s3;
	s21 =	sadd.s32 s31, s13;
	[dreg:$0x1f] =	wrdreg s17  }
0x2b: {  	s7 =	sshrl.u32 s22, $0x3;
	s22 =	sadd.s32 s31, s16;
	[smem:$0x7E4] =	sst s21  }
0x2c: {  	s26 =	sadd.s32 s18, s24;
	[smem:$0x7E5] =	sst s22  }
0x2d: {  	s23 =	sadd.s32 s18, s3;
	[smem:$0x7E6] =	sst s26  }
0x2e: {  	s16 =	sadd.s32 $0x2800, s29;
	[smem:$0x7F1] =	sst s23  }
0x2f: {  	s19 =	sadd.s32 $0x7800, s29;
	[smem:$0x7F3] =	sst s16  }
0x30: {  	s25 =	sadd.s32 $0x4D8, s3;
	s7 =	sadd.s32 s7, s31;
	[smem:$0x7F5] =	sst s19  }
0x31: {  	s28 =	sadd.s32 s18, s25;
	[dreg:$0xe] =	wrdreg s7  }
0x32: {  	s3 =	sadd.s32 $0x4E2, s3;
	s1 =	sadd.s32 s31, s25;
	[smem:$0x7E8] =	sst s28  }
0x33: {  	s8 =	sadd.s32 s18, s3;
	[smem:$0x7E9] =	sst s1  }
0x34: {  	s3 =	sadd.s32 s31, s3;
	[smem:$0x7EA] =	sst s8  }
0x35: {  	s30 =	simm.s32 $0x580;
	s13 =	sadd.s32 $0x32, s23;
	[smem:$0x7EB] =	sst s3  }
0x36: {  	s10 =	sadd.s32 $0x1E0, s6;
	s14 =	sadd.s32 $0x3C, s23;
	[smem:$0x7EF] =	sst s13  }
0x37: {  	s2 =	simm.s32 $0x12;
	s15 =	sadd.s32 $0x46, s23;
	[smem:$0x7F0] =	sst s14  }
0x38: {  	s11 =	simm.s32 $0x200;
	s17 =	sadd.s32 $0x5000, s29;
	[smem:$0x7F2] =	sst s15  }
0x39: {  	s6 =	simm.s32 $0x300;
	s21 =	sadd.s32 $0xA000, s29;
	[smem:$0x7F4] =	sst s17  }
0x3a: {  	s12 =	simm.s32 $0x50;
	s22 =	sadd.s32 $0xC800, s29;
	[smem:$0x7F6] =	sst s21  }
0x3b: {  	s23 =	sadd.s32 $0xF000, s29;
	s25 =	sadd.s32 $0x492, s9;
	[smem:$0x7F7] =	sst s22  }
0x3c: {  	s26 =	sadd.s32 $0x49C, s9;
	s19 =	simm.s32 $0x400;
	[smem:$0x7F8] =	sst s23  }
0x3d: {  	s16 =	simm.s32 $0xD;
	s7 =	sshrl.u32 s10, $0x3;
	[smem:$0x7FA] =	sst s25  }
0x3e: {  	[smem:$0x7FB] =	sst s26;
	s28 =	sadd.s32 $0x4A6, s9;
	s22 =	simm.s32 $0x80  }
0x3f: {  	s9 =	simm.s32 $0x180;
	s8 =	simm.s32 $0x280;
	s14 =	simm.s32 $0x380  }
0x40: {  	s21 =	simm.s32 $0x500;
	s15 =	simm.s32 $0x15;
	s25 =	simm.s32 $0x1  }
0x41: {  	s13 =	simm.s32 $0x2;
	s3 =	simm.s32 $0x11;
	s10 =	simm.s32 $0xE  }
0x42: {  	s23 =	simm.s32 $0x13;
	s7 =	sadd.s32 s7, s31;
	[smem:$0x7FD] =	sst s28  }
0x43: {  	s1 =	simm.s32 $0x14;
	[dreg:$0x11] =	wrdreg s7;
	s7 =	sadd.s32 s31, s24  }
0x44: {  	s17 =	simm.s32 $0x0;
	s24 =	sadd.s32 $0x11800, s29;
	[smem:$0x7E7] =	sst s7  }
0x45: {  	v0 =	vimm.f32 $0.0e+00;
	[smem:$0x7F9] =	sst s24;
	s24 =	simm.s32 $0x100;
	s7 =	simm.s32 $0x480  }
.LBB2_1:
0x46: {  	s0 =	sld [smem:$0x7FC]  }
0x47: {  	[smem:$0x7E2] =	sst s17  }
0x48: {  	s28 =	rddreg [dreg:$0x14]  }
0x49: {  	[tilespmem:s5], [sflag:$0x1] =	stream.linear.gather [hbm4b:s0+s5], $0x50, $0x38;
	[tilespmem:$0x1E600] =	vst v63  }
0x4a: {  	s17 =	rddreg [dreg:$0x15]  }
0x4b: {  	[tilespmem:s22], [sflag:$0x2] =	stream.linear.gather [hbm4b:s28+s5], $0x50, $0x38;
	[tilespmem:$0x1E600] =	vst v63  }
0x4c: {  	s26 =	sld [smem:$0x7F1]  }
0x4d: {  	[tilespmem:s24], [sflag:$0x3] =	stream.linear.gather [hbm4b:s17+s5], $0x50, $0x38;
	[tilespmem:$0x1E600] =	vst v63  }
0x4e: {  	s22 =	rddreg [dreg:$0x16]  }
0x4f: {  	[tilespmem:s9], [sflag:$0x4] =	stream.linear.gather [hbm4b:s22+s5], $0x50, $0x38;
	[tilespmem:$0x1E600] =	vst v63  }
0x50: {  	s28 =	rddreg [dreg:$0x17]  }
0x51: {  	[tilespmem:s11], [sflag:$0x5] =	stream.linear.gather [hbm4b:s26+s5], $0x50, $0x38;
	[tilespmem:$0x1E600] =	vst v63  }
0x52: {  	s17 =	rddreg [dreg:$0x1a]  }
0x53: {  	[tilespmem:s8], [sflag:$0x6] =	stream.linear.gather [hbm4b:s28+s5], $0x50, $0x38;
	[tilespmem:$0x1E600] =	vst v63  }
0x54: {  	s8 =	rddreg [dreg:$0x18]  }
0x55: {  	[tilespmem:s6], [sflag:$0x7] =	stream.linear.gather [hbm4b:s8+s5], $0x50, $0x38;
	[tilespmem:$0x1E600] =	vst v63  }
0x56: {  	s9 =	rddreg [dreg:$0x19]  }
0x57: {  	[tilespmem:s14], [sflag:$0x8] =	stream.linear.gather [hbm4b:s9+s5], $0x50, $0x38;
	[tilespmem:$0x1E600] =	vst v63  }
0x58: {  	s22 =	sld [smem:$0x7EF]  }
0x59: {  	[tilespmem:s19], [sflag:$0x9] =	stream.linear.gather [hbm4b:s17+s5], $0x50, $0x38;
	[tilespmem:$0x1E600] =	vst v63  }
0x5a: {  	s26 =	sld [smem:$0x7F0]  }
0x5b: {  	[tilespmem:s7], [sflag:$0xA] =	stream.linear.gather [hbm4b:s22+s5], $0x50, $0x38;
	[tilespmem:$0x1E600] =	vst v63  }
0x5c: {  	s28 =	sld [smem:$0x7F2]  }
0x5d: {  	[tilespmem:s21], [sflag:$0xB] =	stream.linear.gather [hbm4b:s26+s5], $0x50, $0x38;
	[tilespmem:$0x1E600] =	vst v63  }
0x5e: {  	s6 =	simm.s32 $0x0;
	s14 =	simm.s32 $0x200;
	s22 =	simm.s32 $0x580  }
0x5f: {  	[tilespmem:s30], [sflag:$0xC] =	stream.linear.gather [hbm4b:s28+s5], $0x50, $0x38;
	[tilespmem:$0x1E600] =	vst v63  }
.LBB2_2:
0x60: {  	p0 =	sne.s32 s14, $0x9E00;
	[tilespmem:s6+$0x670] =	vst v0  }
0x61: {  	[tilespmem:s6+$0x600] =	vst v0  }
0x62: {  	[tilespmem:s6+$0x610] =	vst v0  }
.Ltmp0:
0x63: {  	[tilespmem:s6+$0x620] =	vst v0;
	(pc) =	sbr.rel @p0 .LBB2_2-.Ltmp0, $4  }
0x64: {  	[tilespmem:s6+$0x630] =	vst v0  }
0x65: {  	[tilespmem:s6+$0x640] =	vst v0  }
0x66: {  	[tilespmem:s6+$0x650] =	vst v0  }
0x67: {  	[tilespmem:s6+$0x660] =	vst v0;
	s6 =	sshra.s32 s14, $0x2;
	s14 =	sadd.s32 $0x200, s14  }
0x68: {  	[tilespmem:s6+$0x670] =	vst v0  }
0x69: {  	[tilespmem:s6+$0x600] =	vst v0  }
0x6a: {  	[tilespmem:s6+$0x610] =	vst v0  }
0x6b: {  	[tilespmem:s6+$0x620] =	vst v0  }
0x6c: {  	[tilespmem:s6+$0x630] =	vst v0  }
0x6d: {  	[tilespmem:s6+$0x640] =	vst v0  }
0x6e: {  	[tilespmem:s6+$0x650] =	vst v0  }
0x6f: {  	[tilespmem:s6+$0x660] =	vst v0;
	s0 =	simm.s32 $0x600  }
0x70: {  	[spmem:s29] =	stream.linear.scatter [tilespmem:s0], [sflag:$0x15], $0x2800, $0x38;
	[tilespmem:$0x1E600] =	vst v63  }
0x71: {  	_ =	swait.ge [sflag:s15], $0x2800  }
0x72: {  	s14 =	sld [smem:$0x7F3]  }
0x73: {  	[sflag:s15] =	ssyncset.done $0x0  }
0x74: {  	s29 =	simm.s32 $0x600;
	[sflag:s15] =	ssyncadd.s32 $0xFFFFD800  }
0x75: {  	[spmem:s14] =	stream.linear.scatter [tilespmem:s29], [sflag:$0x15], $0x2800, $0x38;
	[tilespmem:$0x1E600] =	vst v63  }
0x76: {  	_ =	swait.ge [sflag:s15], $0x2800  }
0x77: {  	s17 =	sld [smem:$0x7F4]  }
0x78: {  	[sflag:s15] =	ssyncset.done $0x0  }
0x79: {  	[sflag:s15] =	ssyncadd.s32 $0xFFFFD800  }
0x7a: {  	[spmem:s17] =	stream.linear.scatter [tilespmem:s29], [sflag:$0x15], $0x2800, $0x38;
	[tilespmem:$0x1E600] =	vst v63  }
0x7b: {  	_ =	swait.ge [sflag:s15], $0x2800  }
0x7c: {  	s19 =	sld [smem:$0x7F5]  }
0x7d: {  	[sflag:s15] =	ssyncset.done $0x0  }
0x7e: {  	[sflag:s15] =	ssyncadd.s32 $0xFFFFD800  }
0x7f: {  	[spmem:s19] =	stream.linear.scatter [tilespmem:s29], [sflag:$0x15], $0x2800, $0x38;
	[tilespmem:$0x1E600] =	vst v63  }
0x80: {  	_ =	swait.ge [sflag:s15], $0x2800  }
0x81: {  	s21 =	sld [smem:$0x7F6]  }
0x82: {  	[sflag:s15] =	ssyncset.done $0x0  }
0x83: {  	[sflag:s15] =	ssyncadd.s32 $0xFFFFD800  }
0x84: {  	[spmem:s21] =	stream.linear.scatter [tilespmem:s29], [sflag:$0x15], $0x2800, $0x38;
	[tilespmem:$0x1E600] =	vst v63  }
0x85: {  	_ =	swait.ge [sflag:s15], $0x2800  }
0x86: {  	s26 =	sld [smem:$0x7F7]  }
0x87: {  	[sflag:s15] =	ssyncset.done $0x0  }
0x88: {  	[sflag:s15] =	ssyncadd.s32 $0xFFFFD800  }
0x89: {  	[spmem:s26] =	stream.linear.scatter [tilespmem:s29], [sflag:$0x15], $0x2800, $0x38;
	[tilespmem:$0x1E600] =	vst v63  }
0x8a: {  	_ =	swait.ge [sflag:s15], $0x2800  }
0x8b: {  	s28 =	sld [smem:$0x7F8]  }
0x8c: {  	[sflag:s15] =	ssyncset.done $0x0  }
0x8d: {  	[sflag:s15] =	ssyncadd.s32 $0xFFFFD800  }
0x8e: {  	[spmem:s28] =	stream.linear.scatter [tilespmem:s29], [sflag:$0x15], $0x2800, $0x38;
	[tilespmem:$0x1E600] =	vst v63  }
0x8f: {  	_ =	swait.ge [sflag:s15], $0x2800  }
0x90: {  	s30 =	sld [smem:$0x7F9]  }
0x91: {  	[sflag:s15] =	ssyncset.done $0x0  }
0x92: {  	[sflag:s15] =	ssyncadd.s32 $0xFFFFD800  }
0x93: {  	[spmem:s30] =	stream.linear.scatter [tilespmem:s29], [sflag:$0x15], $0x2800, $0x38;
	[tilespmem:$0x1E600] =	vst v63  }
0x94: {  	_ =	swait.ge [sflag:s15], $0x2800  }
0x95: {  	[sflag:s15] =	ssyncset.done $0x0  }
0x96: {  	[sflag:s15] =	ssyncadd.s32 $0xFFFFD800  }
0x97: {  	_ =	swait.ge [sflag:s25], $0x50  }
0x98: {  	[sflag:s25] =	ssyncset.done $0x0  }
0x99: {  	s0 =	simm.s32 $0x0;
	[sflag:s25] =	ssyncadd.s32 $0xFFFFFFB0  }
0x9a: {  	[tilespmem:s29], [sflag:$0xD] =	stream.indirect.gather [hbm4b:s4+s12], $0x80, s0, s12, $0xb8;
	[tilespmem:$0x1E600] =	vst v63  }
0x9b: {  	_ =	swait.ge [sflag:s13], $0x50  }
0x9c: {  	s7 =	simm.s32 $0x2E00;
	[sflag:s13] =	ssyncset.done $0x0  }
0x9d: {  	s21 =	simm.s32 $0x80;
	s26 =	simm.s32 $0x3;
	[sflag:s13] =	ssyncadd.s32 $0xFFFFFFB0  }
0x9e: {  	[tilespmem:s7], [sflag:$0xE] =	stream.indirect.gather [hbm4b:s4+s12], $0x80, s21, s12, $0xb8;
	[tilespmem:$0x1E600] =	vst v63  }
0x9f: {  	_ =	swait.ge [sflag:s26], $0x50  }
0xa0: {  	[sflag:s26] =	ssyncset.done $0x0  }
0xa1: {  	s15 =	simm.s32 $0x5600;
	[sflag:s26] =	ssyncadd.s32 $0xFFFFFFB0  }
0xa2: {  	[tilespmem:s15], [sflag:$0xF] =	stream.indirect.gather [hbm4b:s4+s12], $0x80, s24, s12, $0xb8;
	[tilespmem:$0x1E600] =	vst v63  }
0xa3: {  	s28 =	simm.s32 $0x4;
	[bflag:$0x0] =	sbarrier.arrive $0xFFFF  }
0xa4: {  	_ =	swait.ge [sflag:s28], $0x50  }
0xa5: {  	[sflag:s28] =	ssyncset.done $0x0  }
0xa6: {  	s9 =	simm.s32 $0x180;
	s8 =	simm.s32 $0x7E00;
	[sflag:s28] =	ssyncadd.s32 $0xFFFFFFB0  }
0xa7: {  	[tilespmem:s8], [sflag:$0x10] =	stream.indirect.gather [hbm4b:s4+s12], $0x80, s9, s12, $0xb8;
	[tilespmem:$0x1E600] =	vst v63  }
0xa8: {  	_ =	swait.ge [sflag:s16], $0x2800  }
0xa9: {  	[sflag:s16] =	ssyncset.done $0x0  }
0xaa: {  	s19 =	simm.s32 $0x5;
	s14 =	rddreg [dreg:$0x1c];
	[sflag:s16] =	ssyncadd.s32 $0xFFFFD800  }
0xab: {  	[tilespmem:s0], [sflag:$0x1] =	stream.linear.gather [hbm4b:s14+s0], $0x50, $0x38;
	[tilespmem:$0x1E600] =	vst v63  }
0xac: {  	_ =	swait.ge [sflag:s19], $0x50  }
0xad: {  	[sflag:s19] =	ssyncset.done $0x0  }
0xae: {  	[sflag:s19] =	ssyncadd.s32 $0xFFFFFFB0  }
0xaf: {  	[spmem:s20] =	stream.indirect.scatter.add.f32 [tilespmem:s29], [sflag:$0x11], $0x80, s11, s12, $0xb8;
	[tilespmem:$0x1E600] =	vst v63  }
0xb0: {  	_ =	swait.ge [sflag:s25], $0x50  }
0xb1: {  	[sflag:s25] =	ssyncset.done $0x0  }
0xb2: {  	[sflag:s25] =	ssyncadd.s32 $0xFFFFFFB0  }
0xb3: {  	_ =	swait.ge [sflag:s3], $0x2800  }
0xb4: {  	[sflag:s3] =	ssyncset.done $0x0  }
0xb5: {  	[sflag:s3] =	ssyncadd.s32 $0xFFFFD800  }
0xb6: {  	[tilespmem:s29], [sflag:$0xD] =	stream.indirect.gather [hbm4b:s4+s12], $0x80, s5, s12, $0xb8;
	[tilespmem:$0x1E600] =	vst v63  }
0xb7: {  	_ =	swait.ge [sflag:s10], $0x2800  }
0xb8: {  	s17 =	rddreg [dreg:$0x12];
	[sflag:s10] =	ssyncset.done $0x0  }
0xb9: {  	s25 =	simm.s32 $0x6;
	[sflag:s10] =	ssyncadd.s32 $0xFFFFD800;
	s6 =	sadd.s32 $0x0, s17  }
0xba: {  	[tilespmem:s21], [sflag:$0x2] =	stream.linear.gather [hbm4b:s6+s5], $0x50, $0x38;
	[tilespmem:$0x1E600] =	vst v63  }
0xbb: {  	_ =	swait.ge [sflag:s25], $0x50  }
0xbc: {  	[sflag:s25] =	ssyncset.done $0x0;
	s0 =	sld [smem:$0x7EE]  }
0xbd: {  	s30 =	simm.s32 $0x280;
	[sflag:s25] =	ssyncadd.s32 $0xFFFFFFB0  }
0xbe: {  	[spmem:s20] =	stream.indirect.scatter.add.f32 [tilespmem:s7], [sflag:$0x12], $0x80, s30, s12, $0xb8;
	[tilespmem:$0x1E600] =	vst v63  }
0xbf: {  	s6 =	sshrl.u32 s0, $0x3  }
0xc0: {  	s14 =	sadd.s32 s18, s6  }
0xc1: {  	[tilespmem:s11], [sflag:$0x5] =	stream.linear.gather [hbm4b:s14+s5], $0x50, $0x38;
	[tilespmem:$0x1E600] =	vst v63  }
0xc2: {  	_ =	swait.ge [sflag:s13], $0x50  }
0xc3: {  	[sflag:s13] =	ssyncset.done $0x0  }
0xc4: {  	[sflag:s13] =	ssyncadd.s32 $0xFFFFFFB0  }
0xc5: {  	_ =	swait.ge [sflag:s2], $0x2800  }
0xc6: {  	[sflag:s2] =	ssyncset.done $0x0  }
0xc7: {  	s18 =	simm.s32 $0xF;
	[sflag:s2] =	ssyncadd.s32 $0xFFFFD800  }
0xc8: {  	[tilespmem:s7], [sflag:$0xE] =	stream.indirect.gather [hbm4b:s4+s12], $0x80, s21, s12, $0xb8;
	[tilespmem:$0x1E600] =	vst v63  }
0xc9: {  	_ =	swait.ge [sflag:s18], $0x2800  }
0xca: {  	s10 =	rddreg [dreg:$0x11];
	[sflag:s18] =	ssyncset.done $0x0  }
0xcb: {  	s17 =	simm.s32 $0x7;
	[sflag:s18] =	ssyncadd.s32 $0xFFFFD800;
	s14 =	sadd.s32 $0x0, s10  }
0xcc: {  	[tilespmem:s24], [sflag:$0x3] =	stream.linear.gather [hbm4b:s14+s5], $0x50, $0x38;
	[tilespmem:$0x1E600] =	vst v63  }
0xcd: {  	_ =	swait.ge [sflag:s17], $0x50  }
0xce: {  	[sflag:s17] =	ssyncset.done $0x0  }
0xcf: {  	s13 =	simm.s32 $0x300;
	s11 =	rddreg [dreg:$0x10];
	[sflag:s17] =	ssyncadd.s32 $0xFFFFFFB0  }
0xd0: {  	[spmem:s20] =	stream.indirect.scatter.add.f32 [tilespmem:s15], [sflag:$0x13], $0x80, s13, s12, $0xb8;
	[tilespmem:$0x1E600] =	vst v63  }
0xd1: {  	s14 =	sadd.s32 $0x0, s11  }
0xd2: {  	[tilespmem:s30], [sflag:$0x6] =	stream.linear.gather [hbm4b:s14+s5], $0x50, $0x38;
	[tilespmem:$0x1E600] =	vst v63  }
0xd3: {  	_ =	swait.ge [sflag:s26], $0x50  }
0xd4: {  	[sflag:s26] =	ssyncset.done $0x0  }
0xd5: {  	[sflag:s26] =	ssyncadd.s32 $0xFFFFFFB0  }
0xd6: {  	_ =	swait.ge [sflag:s23], $0x2800  }
0xd7: {  	[sflag:s23] =	ssyncset.done $0x0  }
0xd8: {  	s2 =	simm.s32 $0x10;
	[sflag:s23] =	ssyncadd.s32 $0xFFFFD800  }
0xd9: {  	[tilespmem:s15], [sflag:$0xF] =	stream.indirect.gather [hbm4b:s4+s12], $0x80, s24, s12, $0xb8;
	[tilespmem:$0x1E600] =	vst v63  }
0xda: {  	_ =	swait.ge [sflag:s2], $0x2800  }
0xdb: {  	s30 =	rddreg [dreg:$0xe];
	[sflag:s2] =	ssyncset.done $0x0  }
0xdc: {  	s3 =	simm.s32 $0x8;
	[sflag:s2] =	ssyncadd.s32 $0xFFFFD800;
	s14 =	sadd.s32 $0x0, s30  }
0xdd: {  	[tilespmem:s9], [sflag:$0x4] =	stream.linear.gather [hbm4b:s14+s5], $0x50, $0x38;
	[tilespmem:$0x1E600] =	vst v63  }
0xde: {  	_ =	swait.ge [sflag:s3], $0x50  }
0xdf: {  	[sflag:s3] =	ssyncset.done $0x0  }
0xe0: {  	s11 =	simm.s32 $0x380;
	s10 =	rddreg [dreg:$0xd];
	[sflag:s3] =	ssyncadd.s32 $0xFFFFFFB0  }
0xe1: {  	[spmem:s20] =	stream.indirect.scatter.add.f32 [tilespmem:s8], [sflag:$0x14], $0x80, s11, s12, $0xb8;
	[tilespmem:$0x1E600] =	vst v63  }
0xe2: {  	s14 =	sadd.s32 $0x0, s10  }
0xe3: {  	[tilespmem:s13], [sflag:$0x7] =	stream.linear.gather [hbm4b:s14+s5], $0x50, $0x38;
	[tilespmem:$0x1E600] =	vst v63  }
0xe4: {  	_ =	swait.ge [sflag:s28], $0x50  }
0xe5: {  	[sflag:s28] =	ssyncset.done $0x0  }
0xe6: {  	[sflag:s28] =	ssyncadd.s32 $0xFFFFFFB0  }
0xe7: {  	_ =	swait.ge [sflag:s1], $0x2800  }
0xe8: {  	[sflag:s1] =	ssyncset.done $0x0  }
0xe9: {  	[sflag:s1] =	ssyncadd.s32 $0xFFFFD800  }
0xea: {  	[tilespmem:s8], [sflag:$0x10] =	stream.indirect.gather [hbm4b:s4+s12], $0x80, s9, s12, $0xb8;
	[tilespmem:$0x1E600] =	vst v63  }
0xeb: {  	_ =	swait.ge [sflag:s16], $0x2800  }
0xec: {  	[sflag:s16] =	ssyncset.done $0x0  }
0xed: {  	s6 =	sadd.s32 s31, s6;
	s13 =	simm.s32 $0x9;
	[sflag:s16] =	ssyncadd.s32 $0xFFFFD800  }
0xee: {  	[tilespmem:s5], [sflag:$0x1] =	stream.linear.gather [hbm4b:s6+s5], $0x50, $0x38;
	[tilespmem:$0x1E600] =	vst v63  }
0xef: {  	_ =	swait.ge [sflag:s13], $0x50  }
0xf0: {  	[sflag:s13] =	ssyncset.done $0x0  }
0xf1: {  	s14 =	simm.s32 $0x400;
	s16 =	rddreg [dreg:$0xb];
	[sflag:s13] =	ssyncadd.s32 $0xFFFFFFB0  }
0xf2: {  	[spmem:s20] =	stream.indirect.scatter.add.f32 [tilespmem:s29], [sflag:$0x11], $0x80, s14, s12, $0xb8;
	[tilespmem:$0x1E600] =	vst v63  }
0xf3: {  	s6 =	sadd.s32 $0x0, s16;
	s13 =	simm.s32 $0x1  }
0xf4: {  	[tilespmem:s11], [sflag:$0x8] =	stream.linear.gather [hbm4b:s6+s5], $0x50, $0x38;
	[tilespmem:$0x1E600] =	vst v63  }
0xf5: {  	_ =	swait.ge [sflag:s13], $0x50  }
0xf6: {  	[sflag:s13] =	ssyncset.done $0x0  }
0xf7: {  	s17 =	simm.s32 $0x11;
	[sflag:s13] =	ssyncadd.s32 $0xFFFFFFB0  }
0xf8: {  	_ =	swait.ge [sflag:s17], $0x2800  }
0xf9: {  	[sflag:s17] =	ssyncset.done $0x0  }
0xfa: {  	s30 =	simm.s32 $0xE;
	[sflag:s17] =	ssyncadd.s32 $0xFFFFD800  }
0xfb: {  	[tilespmem:s29], [sflag:$0xD] =	stream.indirect.gather [hbm4b:s4+s12], $0x80, s5, s12, $0xb8;
	[tilespmem:$0x1E600] =	vst v63  }
0xfc: {  	_ =	swait.ge [sflag:s30], $0x2800  }
0xfd: {  	s1 =	rddreg [dreg:$0xf];
	[sflag:s30] =	ssyncset.done $0x0  }
0xfe: {  	[sflag:s30] =	ssyncadd.s32 $0xFFFFD800;
	s6 =	sadd.s32 $0x0, s1  }
0xff: {  	[tilespmem:s21], [sflag:$0x2] =	stream.linear.gather [hbm4b:s6+s5], $0x50, $0x38;
	[tilespmem:$0x1E600] =	vst v63  }
0x100: {  	s6 =	simm.s32 $0xA  }
0x101: {  	_ =	swait.ge [sflag:s6], $0x50  }
0x102: {  	[sflag:s6] =	ssyncset.done $0x0  }
0x103: {  	s1 =	simm.s32 $0x480;
	s30 =	rddreg [dreg:$0x9];
	[sflag:s6] =	ssyncadd.s32 $0xFFFFFFB0  }
0x104: {  	[spmem:s20] =	stream.indirect.scatter.add.f32 [tilespmem:s7], [sflag:$0x12], $0x80, s1, s12, $0xb8;
	[tilespmem:$0x1E600] =	vst v63  }
0x105: {  	s16 =	simm.s32 $0x2;
	s6 =	sadd.s32 $0x0, s30  }
0x106: {  	[tilespmem:s14], [sflag:$0x9] =	stream.linear.gather [hbm4b:s6+s5], $0x50, $0x38;
	[tilespmem:$0x1E600] =	vst v63  }
0x107: {  	_ =	swait.ge [sflag:s16], $0x50  }
0x108: {  	[sflag:s16] =	ssyncset.done $0x0  }
0x109: {  	s3 =	simm.s32 $0x12;
	[sflag:s16] =	ssyncadd.s32 $0xFFFFFFB0  }
0x10a: {  	_ =	swait.ge [sflag:s3], $0x2800  }
0x10b: {  	[sflag:s3] =	ssyncset.done $0x0  }
0x10c: {  	[sflag:s3] =	ssyncadd.s32 $0xFFFFD800  }
0x10d: {  	[tilespmem:s7], [sflag:$0xE] =	stream.indirect.gather [hbm4b:s4+s12], $0x80, s21, s12, $0xb8;
	[tilespmem:$0x1E600] =	vst v63  }
0x10e: {  	_ =	swait.ge [sflag:s18], $0x2800  }
0x10f: {  	s3 =	rddreg [dreg:$0xc];
	[sflag:s18] =	ssyncset.done $0x0  }
0x110: {  	[sflag:s18] =	ssyncadd.s32 $0xFFFFD800;
	s6 =	sadd.s32 $0x0, s3  }
0x111: {  	[tilespmem:s24], [sflag:$0x3] =	stream.linear.gather [hbm4b:s6+s5], $0x50, $0x38;
	[tilespmem:$0x1E600] =	vst v63  }
0x112: {  	s6 =	simm.s32 $0xB  }
0x113: {  	_ =	swait.ge [sflag:s6], $0x50  }
0x114: {  	[sflag:s6] =	ssyncset.done $0x0  }
0x115: {  	s18 =	simm.s32 $0x500;
	s14 =	rddreg [dreg:$0x7];
	[sflag:s6] =	ssyncadd.s32 $0xFFFFFFB0  }
0x116: {  	[spmem:s20] =	stream.indirect.scatter.add.f32 [tilespmem:s15], [sflag:$0x13], $0x80, s18, s12, $0xb8;
	[tilespmem:$0x1E600] =	vst v63  }
0x117: {  	s6 =	sadd.s32 $0x0, s14  }
0x118: {  	[tilespmem:s1], [sflag:$0xA] =	stream.linear.gather [hbm4b:s6+s5], $0x50, $0x38;
	[tilespmem:$0x1E600] =	vst v63  }
0x119: {  	_ =	swait.ge [sflag:s26], $0x50  }
0x11a: {  	[sflag:s26] =	ssyncset.done $0x0  }
0x11b: {  	s10 =	simm.s32 $0x13;
	[sflag:s26] =	ssyncadd.s32 $0xFFFFFFB0  }
0x11c: {  	_ =	swait.ge [sflag:s10], $0x2800  }
0x11d: {  	[sflag:s10] =	ssyncset.done $0x0  }
0x11e: {  	[sflag:s10] =	ssyncadd.s32 $0xFFFFD800  }
0x11f: {  	[tilespmem:s15], [sflag:$0xF] =	stream.indirect.gather [hbm4b:s4+s12], $0x80, s24, s12, $0xb8;
	[tilespmem:$0x1E600] =	vst v63  }
0x120: {  	_ =	swait.ge [sflag:s2], $0x2800  }
0x121: {  	s21 =	rddreg [dreg:$0xa];
	[sflag:s2] =	ssyncset.done $0x0  }
0x122: {  	s24 =	simm.s32 $0xC;
	[sflag:s2] =	ssyncadd.s32 $0xFFFFD800;
	s6 =	sadd.s32 $0x0, s21  }
0x123: {  	[tilespmem:s9], [sflag:$0x4] =	stream.linear.gather [hbm4b:s6+s5], $0x50, $0x38;
	[tilespmem:$0x1E600] =	vst v63  }
0x124: {  	_ =	swait.ge [sflag:s24], $0x50  }
0x125: {  	[sflag:s24] =	ssyncset.done $0x0  }
0x126: {  	s26 =	rddreg [dreg:$0x6];
	[sflag:s24] =	ssyncadd.s32 $0xFFFFFFB0  }
0x127: {  	[spmem:s20] =	stream.indirect.scatter.add.f32 [tilespmem:s8], [sflag:$0x14], $0x80, s22, s12, $0xb8;
	[tilespmem:$0x1E600] =	vst v63  }
0x128: {  	s6 =	sadd.s32 $0x0, s26  }
0x129: {  	[tilespmem:s18], [sflag:$0xB] =	stream.linear.gather [hbm4b:s6+s5], $0x50, $0x38;
	[tilespmem:$0x1E600] =	vst v63  }
0x12a: {  	_ =	swait.ge [sflag:s28], $0x50  }
0x12b: {  	[sflag:s28] =	ssyncset.done $0x0  }
0x12c: {  	s25 =	simm.s32 $0x14;
	[sflag:s28] =	ssyncadd.s32 $0xFFFFFFB0  }
0x12d: {  	_ =	swait.ge [sflag:s25], $0x2800  }
0x12e: {  	[sflag:s25] =	ssyncset.done $0x0  }
0x12f: {  	s11 =	simm.s32 $0xD;
	[sflag:s25] =	ssyncadd.s32 $0xFFFFD800  }
0x130: {  	[tilespmem:s8], [sflag:$0x10] =	stream.indirect.gather [hbm4b:s4+s12], $0x80, s9, s12, $0xb8;
	[tilespmem:$0x1E600] =	vst v63  }
0x131: {  	_ =	swait.ge [sflag:s11], $0x2800  }
0x132: {  	s28 =	rddreg [dreg:$0x8];
	[sflag:s11] =	ssyncset.done $0x0  }
0x133: {  	[sflag:s11] =	ssyncadd.s32 $0xFFFFD800;
	s6 =	sadd.s32 $0x0, s28  }
0x134: {  	[tilespmem:s5], [sflag:$0x1] =	stream.linear.gather [hbm4b:s6+s5], $0x50, $0x38;
	[tilespmem:$0x1E600] =	vst v63  }
0x135: {  	s23 =	simm.s32 $0x200;
	s14 =	sadd.s32 $0x280, s0;
	_ =	swait.ge [sflag:s19], $0x50  }
0x136: {  	s0 =	simm.s32 $0x80;
	[sflag:s19] =	ssyncset.done $0x0;
	s30 =	rddreg [dreg:$0x5]  }
0x137: {  	s22 =	simm.s32 $0x50;
	[sflag:s19] =	ssyncadd.s32 $0xFFFFFFB0;
	s6 =	sadd.s32 $0x0, s30  }
0x138: {  	[spmem:s20] =	stream.indirect.scatter.add.f32 [tilespmem:s29], [sflag:$0x11], $0x80, s23, s12, $0xb8;
	[tilespmem:$0x1E600] =	vst v63  }
.LBB2_4:
0x139: {  	s1 =	simm.s32 $0x580  }
0x13a: {  	[tilespmem:s1], [sflag:$0xC] =	stream.linear.gather [hbm4b:s6+s5], $0x50, $0x38;
	[tilespmem:$0x1E600] =	vst v63  }
0x13b: {  	_ =	swait.ge [sflag:s13], $0x50  }
0x13c: {  	[sflag:s13] =	ssyncset.done $0x0  }
0x13d: {  	s1 =	simm.s32 $0x11;
	[sflag:s13] =	ssyncadd.s32 $0xFFFFFFB0  }
0x13e: {  	_ =	swait.ge [sflag:s1], $0x2800  }
0x13f: {  	[sflag:s1] =	ssyncset.done $0x0  }
0x140: {  	s23 =	simm.s32 $0xE;
	[sflag:s1] =	ssyncadd.s32 $0xFFFFD800  }
0x141: {  	[tilespmem:s29], [sflag:$0xD] =	stream.indirect.gather [hbm4b:s4+s12], $0x80, s5, s12, $0xb8;
	[tilespmem:$0x1E600] =	vst v63  }
0x142: {  	_ =	swait.ge [sflag:s23], $0x2800  }
0x143: {  	s6 =	smov.u32 s22;
	s29 =	rddreg [dreg:$0x12];
	[sflag:s23] =	ssyncset.done $0x0  }
0x144: {  	s25 =	simm.s32 $0x6;
	[sflag:s23] =	ssyncadd.s32 $0xFFFFD800;
	s29 =	sadd.s32 s6, s29  }
0x145: {  	[tilespmem:s0], [sflag:$0x2] =	stream.linear.gather [hbm4b:s29+s5], $0x50, $0x38;
	[tilespmem:$0x1E600] =	vst v63  }
0x146: {  	_ =	swait.ge [sflag:s25], $0x50  }
0x147: {  	s7 =	simm.s32 $0x2E00;
	s17 =	simm.s32 $0x280;
	[sflag:s25] =	ssyncset.done $0x0  }
0x148: {  	s29 =	sshrl.u32 s14, $0x3;
	s8 =	rddreg [dreg:$0x13];
	[sflag:s25] =	ssyncadd.s32 $0xFFFFFFB0  }
0x149: {  	[spmem:s20] =	stream.indirect.scatter.add.f32 [tilespmem:s7], [sflag:$0x12], $0x80, s17, s12, $0xb8;
	[tilespmem:$0x1E600] =	vst v63  }
0x14a: {  	s0 =	smov.u32 s31;
	s31 =	sadd.s32 s8, s29;
	s25 =	simm.s32 $0x200  }
0x14b: {  	[tilespmem:s25], [sflag:$0x5] =	stream.linear.gather [hbm4b:s31+s5], $0x50, $0x38;
	[tilespmem:$0x1E600] =	vst v63  }
0x14c: {  	_ =	swait.ge [sflag:s16], $0x50  }
0x14d: {  	[sflag:s16] =	ssyncset.done $0x0  }
0x14e: {  	s3 =	simm.s32 $0x12;
	[sflag:s16] =	ssyncadd.s32 $0xFFFFFFB0  }
0x14f: {  	_ =	swait.ge [sflag:s3], $0x2800  }
0x150: {  	[sflag:s3] =	ssyncset.done $0x0  }
0x151: {  	s24 =	simm.s32 $0x80;
	s18 =	simm.s32 $0xF;
	[sflag:s3] =	ssyncadd.s32 $0xFFFFD800  }
0x152: {  	[tilespmem:s7], [sflag:$0xE] =	stream.indirect.gather [hbm4b:s4+s12], $0x80, s24, s12, $0xb8;
	[tilespmem:$0x1E600] =	vst v63  }
0x153: {  	_ =	swait.ge [sflag:s18], $0x2800  }
0x154: {  	s26 =	simm.s32 $0x7;
	s31 =	rddreg [dreg:$0x11];
	[sflag:s18] =	ssyncset.done $0x0  }
0x155: {  	s24 =	simm.s32 $0x100;
	[sflag:s18] =	ssyncadd.s32 $0xFFFFD800;
	s31 =	sadd.s32 s6, s31  }
0x156: {  	[tilespmem:s24], [sflag:$0x3] =	stream.linear.gather [hbm4b:s31+s5], $0x50, $0x38;
	[tilespmem:$0x1E600] =	vst v63  }
0x157: {  	_ =	swait.ge [sflag:s26], $0x50  }
0x158: {  	s19 =	simm.s32 $0x5600;
	[sflag:s26] =	ssyncset.done $0x0  }
0x159: {  	s28 =	simm.s32 $0x300;
	s31 =	rddreg [dreg:$0x10];
	[sflag:s26] =	ssyncadd.s32 $0xFFFFFFB0  }
0x15a: {  	[spmem:s20] =	stream.indirect.scatter.add.f32 [tilespmem:s19], [sflag:$0x13], $0x80, s28, s12, $0xb8;
	[tilespmem:$0x1E600] =	vst v63  }
0x15b: {  	s30 =	simm.s32 $0x3;
	s31 =	sadd.s32 s6, s31  }
0x15c: {  	[tilespmem:s17], [sflag:$0x6] =	stream.linear.gather [hbm4b:s31+s5], $0x50, $0x38;
	[tilespmem:$0x1E600] =	vst v63  }
0x15d: {  	_ =	swait.ge [sflag:s30], $0x50  }
0x15e: {  	[sflag:s30] =	ssyncset.done $0x0  }
0x15f: {  	s10 =	simm.s32 $0x13;
	[sflag:s30] =	ssyncadd.s32 $0xFFFFFFB0  }
0x160: {  	_ =	swait.ge [sflag:s10], $0x2800  }
0x161: {  	[sflag:s10] =	ssyncset.done $0x0  }
0x162: {  	s2 =	simm.s32 $0x10;
	[sflag:s10] =	ssyncadd.s32 $0xFFFFD800  }
0x163: {  	[tilespmem:s19], [sflag:$0xF] =	stream.indirect.gather [hbm4b:s4+s12], $0x80, s24, s12, $0xb8;
	[tilespmem:$0x1E600] =	vst v63  }
0x164: {  	_ =	swait.ge [sflag:s2], $0x2800  }
0x165: {  	s31 =	rddreg [dreg:$0xe];
	[sflag:s2] =	ssyncset.done $0x0  }
0x166: {  	s21 =	simm.s32 $0x8;
	[sflag:s2] =	ssyncadd.s32 $0xFFFFD800;
	s31 =	sadd.s32 s6, s31  }
0x167: {  	[tilespmem:s9], [sflag:$0x4] =	stream.linear.gather [hbm4b:s31+s5], $0x50, $0x38;
	[tilespmem:$0x1E600] =	vst v63  }
0x168: {  	_ =	swait.ge [sflag:s21], $0x50  }
0x169: {  	s17 =	simm.s32 $0x7E00;
	[sflag:s21] =	ssyncset.done $0x0  }
0x16a: {  	s31 =	rddreg [dreg:$0xd];
	[sflag:s21] =	ssyncadd.s32 $0xFFFFFFB0;
	s21 =	simm.s32 $0x380  }
0x16b: {  	[spmem:s20] =	stream.indirect.scatter.add.f32 [tilespmem:s17], [sflag:$0x14], $0x80, s21, s12, $0xb8;
	[tilespmem:$0x1E600] =	vst v63  }
0x16c: {  	s26 =	simm.s32 $0x4;
	s31 =	sadd.s32 s6, s31  }
0x16d: {  	[tilespmem:s28], [sflag:$0x7] =	stream.linear.gather [hbm4b:s31+s5], $0x50, $0x38;
	[tilespmem:$0x1E600] =	vst v63  }
0x16e: {  	_ =	swait.ge [sflag:s26], $0x50  }
0x16f: {  	[sflag:s26] =	ssyncset.done $0x0  }
0x170: {  	s28 =	simm.s32 $0x14;
	[sflag:s26] =	ssyncadd.s32 $0xFFFFFFB0  }
0x171: {  	_ =	swait.ge [sflag:s28], $0x2800  }
0x172: {  	[sflag:s28] =	ssyncset.done $0x0  }
0x173: {  	[sflag:s28] =	ssyncadd.s32 $0xFFFFD800  }
0x174: {  	[tilespmem:s17], [sflag:$0x10] =	stream.indirect.gather [hbm4b:s4+s12], $0x80, s9, s12, $0xb8;
	[tilespmem:$0x1E600] =	vst v63  }
0x175: {  	_ =	swait.ge [sflag:s11], $0x2800  }
0x176: {  	s31 =	smov.u32 s0;
	[sflag:s11] =	ssyncset.done $0x0  }
0x177: {  	s8 =	simm.s32 $0x9;
	s29 =	sadd.s32 s31, s29;
	[sflag:s11] =	ssyncadd.s32 $0xFFFFD800  }
0x178: {  	[tilespmem:s5], [sflag:$0x1] =	stream.linear.gather [hbm4b:s29+s5], $0x50, $0x38;
	[tilespmem:$0x1E600] =	vst v63  }
0x179: {  	_ =	swait.ge [sflag:s8], $0x50  }
0x17a: {  	s15 =	simm.s32 $0x600;
	[sflag:s8] =	ssyncset.done $0x0  }
0x17b: {  	s29 =	rddreg [dreg:$0xb];
	[sflag:s8] =	ssyncadd.s32 $0xFFFFFFB0;
	s8 =	simm.s32 $0x400  }
0x17c: {  	[spmem:s20] =	stream.indirect.scatter.add.f32 [tilespmem:s15], [sflag:$0x11], $0x80, s8, s12, $0xb8;
	[tilespmem:$0x1E600] =	vst v63  }
0x17d: {  	s13 =	simm.s32 $0x1;
	s29 =	sadd.s32 s6, s29  }
0x17e: {  	[tilespmem:s21], [sflag:$0x8] =	stream.linear.gather [hbm4b:s29+s5], $0x50, $0x38;
	[tilespmem:$0x1E600] =	vst v63  }
0x17f: {  	_ =	swait.ge [sflag:s13], $0x50  }
0x180: {  	[sflag:s13] =	ssyncset.done $0x0  }
0x181: {  	[sflag:s13] =	ssyncadd.s32 $0xFFFFFFB0  }
0x182: {  	_ =	swait.ge [sflag:s1], $0x2800  }
0x183: {  	[sflag:s1] =	ssyncset.done $0x0  }
0x184: {  	[sflag:s1] =	ssyncadd.s32 $0xFFFFD800  }
0x185: {  	[tilespmem:s15], [sflag:$0xD] =	stream.indirect.gather [hbm4b:s4+s12], $0x80, s5, s12, $0xb8;
	[tilespmem:$0x1E600] =	vst v63  }
0x186: {  	_ =	swait.ge [sflag:s23], $0x2800  }
0x187: {  	s0 =	simm.s32 $0x80;
	s29 =	rddreg [dreg:$0xf];
	[sflag:s23] =	ssyncset.done $0x0  }
0x188: {  	[sflag:s23] =	ssyncadd.s32 $0xFFFFD800;
	s29 =	sadd.s32 s6, s29;
	s23 =	simm.s32 $0xA  }
0x189: {  	[tilespmem:s0], [sflag:$0x2] =	stream.linear.gather [hbm4b:s29+s5], $0x50, $0x38;
	[tilespmem:$0x1E600] =	vst v63  }
0x18a: {  	_ =	swait.ge [sflag:s23], $0x50  }
0x18b: {  	[sflag:s23] =	ssyncset.done $0x0  }
0x18c: {  	s1 =	simm.s32 $0x480;
	s29 =	rddreg [dreg:$0x9];
	[sflag:s23] =	ssyncadd.s32 $0xFFFFFFB0  }
0x18d: {  	[spmem:s20] =	stream.indirect.scatter.add.f32 [tilespmem:s7], [sflag:$0x12], $0x80, s1, s12, $0xb8;
	[tilespmem:$0x1E600] =	vst v63  }
0x18e: {  	s29 =	sadd.s32 s6, s29  }
0x18f: {  	[tilespmem:s8], [sflag:$0x9] =	stream.linear.gather [hbm4b:s29+s5], $0x50, $0x38;
	[tilespmem:$0x1E600] =	vst v63  }
0x190: {  	_ =	swait.ge [sflag:s16], $0x50  }
0x191: {  	[sflag:s16] =	ssyncset.done $0x0  }
0x192: {  	[sflag:s16] =	ssyncadd.s32 $0xFFFFFFB0  }
0x193: {  	_ =	swait.ge [sflag:s3], $0x2800  }
0x194: {  	[sflag:s3] =	ssyncset.done $0x0  }
0x195: {  	[sflag:s3] =	ssyncadd.s32 $0xFFFFD800  }
0x196: {  	[tilespmem:s7], [sflag:$0xE] =	stream.indirect.gather [hbm4b:s4+s12], $0x80, s0, s12, $0xb8;
	[tilespmem:$0x1E600] =	vst v63  }
0x197: {  	_ =	swait.ge [sflag:s18], $0x2800  }
0x198: {  	s29 =	rddreg [dreg:$0xc];
	[sflag:s18] =	ssyncset.done $0x0  }
0x199: {  	s13 =	simm.s32 $0xB;
	[sflag:s18] =	ssyncadd.s32 $0xFFFFD800;
	s29 =	sadd.s32 s6, s29  }
0x19a: {  	[tilespmem:s24], [sflag:$0x3] =	stream.linear.gather [hbm4b:s29+s5], $0x50, $0x38;
	[tilespmem:$0x1E600] =	vst v63  }
0x19b: {  	_ =	swait.ge [sflag:s13], $0x50  }
0x19c: {  	[sflag:s13] =	ssyncset.done $0x0  }
0x19d: {  	s18 =	simm.s32 $0x500;
	s29 =	rddreg [dreg:$0x7];
	[sflag:s13] =	ssyncadd.s32 $0xFFFFFFB0  }
0x19e: {  	[spmem:s20] =	stream.indirect.scatter.add.f32 [tilespmem:s19], [sflag:$0x13], $0x80, s18, s12, $0xb8;
	[tilespmem:$0x1E600] =	vst v63  }
0x19f: {  	s29 =	sadd.s32 s6, s29  }
0x1a0: {  	[tilespmem:s1], [sflag:$0xA] =	stream.linear.gather [hbm4b:s29+s5], $0x50, $0x38;
	[tilespmem:$0x1E600] =	vst v63  }
0x1a1: {  	_ =	swait.ge [sflag:s30], $0x50  }
0x1a2: {  	[sflag:s30] =	ssyncset.done $0x0  }
0x1a3: {  	[sflag:s30] =	ssyncadd.s32 $0xFFFFFFB0  }
0x1a4: {  	_ =	swait.ge [sflag:s10], $0x2800  }
0x1a5: {  	[sflag:s10] =	ssyncset.done $0x0  }
0x1a6: {  	[sflag:s10] =	ssyncadd.s32 $0xFFFFD800  }
0x1a7: {  	[tilespmem:s19], [sflag:$0xF] =	stream.indirect.gather [hbm4b:s4+s12], $0x80, s24, s12, $0xb8;
	[tilespmem:$0x1E600] =	vst v63  }
0x1a8: {  	_ =	swait.ge [sflag:s2], $0x2800  }
0x1a9: {  	s29 =	rddreg [dreg:$0xa];
	[sflag:s2] =	ssyncset.done $0x0  }
0x1aa: {  	s21 =	simm.s32 $0xC;
	[sflag:s2] =	ssyncadd.s32 $0xFFFFD800;
	s29 =	sadd.s32 s6, s29  }
0x1ab: {  	[tilespmem:s9], [sflag:$0x4] =	stream.linear.gather [hbm4b:s29+s5], $0x50, $0x38;
	[tilespmem:$0x1E600] =	vst v63  }
0x1ac: {  	_ =	swait.ge [sflag:s21], $0x50  }
0x1ad: {  	[sflag:s21] =	ssyncset.done $0x0  }
0x1ae: {  	s23 =	simm.s32 $0x580;
	s29 =	rddreg [dreg:$0x6];
	[sflag:s21] =	ssyncadd.s32 $0xFFFFFFB0  }
0x1af: {  	[spmem:s20] =	stream.indirect.scatter.add.f32 [tilespmem:s17], [sflag:$0x14], $0x80, s23, s12, $0xb8;
	[tilespmem:$0x1E600] =	vst v63  }
0x1b0: {  	s29 =	sadd.s32 s6, s29  }
0x1b1: {  	[tilespmem:s18], [sflag:$0xB] =	stream.linear.gather [hbm4b:s29+s5], $0x50, $0x38;
	[tilespmem:$0x1E600] =	vst v63  }
0x1b2: {  	_ =	swait.ge [sflag:s26], $0x50  }
0x1b3: {  	[sflag:s26] =	ssyncset.done $0x0  }
0x1b4: {  	[sflag:s26] =	ssyncadd.s32 $0xFFFFFFB0  }
0x1b5: {  	_ =	swait.ge [sflag:s28], $0x2800  }
0x1b6: {  	[sflag:s28] =	ssyncset.done $0x0  }
0x1b7: {  	[sflag:s28] =	ssyncadd.s32 $0xFFFFD800  }
0x1b8: {  	[tilespmem:s17], [sflag:$0x10] =	stream.indirect.gather [hbm4b:s4+s12], $0x80, s9, s12, $0xb8;
	[tilespmem:$0x1E600] =	vst v63  }
0x1b9: {  	_ =	swait.ge [sflag:s11], $0x2800  }
0x1ba: {  	s29 =	rddreg [dreg:$0x8];
	[sflag:s11] =	ssyncset.done $0x0  }
0x1bb: {  	p0 =	sne.s32 s22, $0x410;
	[sflag:s11] =	ssyncadd.s32 $0xFFFFD800;
	s29 =	sadd.s32 s6, s29  }
0x1bc: {  	[tilespmem:s5], [sflag:$0x1] =	stream.linear.gather [hbm4b:s29+s5], $0x50, $0x38;
	[tilespmem:$0x1E600] =	vst v63  }
.Ltmp1:
0x1bd: {  	s22 =	sadd.s32 $0x50, s22;
	s30 =	simm.s32 $0x5;
	(pc) =	sbr.rel @p0 .LBB2_4-.Ltmp1, $4  }
0x1be: {  	s14 =	sadd.s32 $0x280, s14;
	s13 =	simm.s32 $0x1;
	_ =	swait.ge [sflag:s30], $0x50  }
0x1bf: {  	s21 =	simm.s32 $0x500;
	[sflag:s30] =	ssyncset.done $0x0;
	s29 =	rddreg [dreg:$0x5]  }
0x1c0: {  	[sflag:s30] =	ssyncadd.s32 $0xFFFFFFB0;
	s6 =	sadd.s32 s6, s29;
	s29 =	simm.s32 $0x600  }
0x1c1: {  	[spmem:s20] =	stream.indirect.scatter.add.f32 [tilespmem:s15], [sflag:$0x11], $0x80, s25, s12, $0xb8;
	[tilespmem:$0x1E600] =	vst v63  }
0x1c2: {  	s0 =	simm.s32 $0x580  }
0x1c3: {  	[tilespmem:s0], [sflag:$0xC] =	stream.linear.gather [hbm4b:s6+s5], $0x50, $0x38;
	[tilespmem:$0x1E600] =	vst v63  }
0x1c4: {  	_ =	swait.ge [sflag:s13], $0x50  }
0x1c5: {  	[sflag:s13] =	ssyncset.done $0x0  }
0x1c6: {  	s3 =	simm.s32 $0x11;
	[sflag:s13] =	ssyncadd.s32 $0xFFFFFFB0  }
0x1c7: {  	_ =	swait.ge [sflag:s3], $0x2800  }
0x1c8: {  	[sflag:s3] =	ssyncset.done $0x0  }
0x1c9: {  	s28 =	simm.s32 $0xE;
	[sflag:s3] =	ssyncadd.s32 $0xFFFFD800  }
0x1ca: {  	[tilespmem:s29], [sflag:$0xD] =	stream.indirect.gather [hbm4b:s4+s12], $0x80, s5, s12, $0xb8;
	[tilespmem:$0x1E600] =	vst v63  }
0x1cb: {  	_ =	swait.ge [sflag:s28], $0x2800  }
0x1cc: {  	s23 =	sld [smem:$0x7FA]  }
0x1cd: {  	[sflag:s28] =	ssyncset.done $0x0  }
0x1ce: {  	s22 =	simm.s32 $0x80;
	s17 =	simm.s32 $0x6;
	[sflag:s28] =	ssyncadd.s32 $0xFFFFD800  }
0x1cf: {  	[tilespmem:s22], [sflag:$0x2] =	stream.linear.gather [hbm4b:s23+s5], $0x50, $0x38;
	[tilespmem:$0x1E600] =	vst v63  }
0x1d0: {  	_ =	swait.ge [sflag:s17], $0x50  }
0x1d1: {  	[sflag:s17] =	ssyncset.done $0x0  }
0x1d2: {  	s2 =	simm.s32 $0x2E00;
	s25 =	simm.s32 $0x280;
	[sflag:s17] =	ssyncadd.s32 $0xFFFFFFB0  }
0x1d3: {  	[spmem:s20] =	stream.indirect.scatter.add.f32 [tilespmem:s2], [sflag:$0x12], $0x80, s25, s12, $0xb8;
	[tilespmem:$0x1E600] =	vst v63  }
0x1d4: {  	s26 =	rddreg [dreg:$0x1d];
	s25 =	simm.s32 $0x200  }
0x1d5: {  	[tilespmem:s25], [sflag:$0x5] =	stream.linear.gather [hbm4b:s26+s5], $0x50, $0x38;
	[tilespmem:$0x1E600] =	vst v63  }
0x1d6: {  	_ =	swait.ge [sflag:s16], $0x50  }
0x1d7: {  	[sflag:s16] =	ssyncset.done $0x0  }
0x1d8: {  	s26 =	simm.s32 $0x12;
	[sflag:s16] =	ssyncadd.s32 $0xFFFFFFB0  }
0x1d9: {  	_ =	swait.ge [sflag:s26], $0x2800  }
0x1da: {  	[sflag:s26] =	ssyncset.done $0x0  }
0x1db: {  	s18 =	simm.s32 $0xF;
	[sflag:s26] =	ssyncadd.s32 $0xFFFFD800  }
0x1dc: {  	[tilespmem:s2], [sflag:$0xE] =	stream.indirect.gather [hbm4b:s4+s12], $0x80, s22, s12, $0xb8;
	[tilespmem:$0x1E600] =	vst v63  }
0x1dd: {  	_ =	swait.ge [sflag:s18], $0x2800  }
0x1de: {  	s7 =	sld [smem:$0x7FB]  }
0x1df: {  	[sflag:s18] =	ssyncset.done $0x0  }
0x1e0: {  	s19 =	simm.s32 $0x7;
	[sflag:s18] =	ssyncadd.s32 $0xFFFFD800  }
0x1e1: {  	[tilespmem:s24], [sflag:$0x3] =	stream.linear.gather [hbm4b:s7+s5], $0x50, $0x38;
	[tilespmem:$0x1E600] =	vst v63  }
0x1e2: {  	_ =	swait.ge [sflag:s19], $0x50  }
0x1e3: {  	[sflag:s19] =	ssyncset.done $0x0  }
0x1e4: {  	s8 =	simm.s32 $0x5600;
	s10 =	simm.s32 $0x300;
	[sflag:s19] =	ssyncadd.s32 $0xFFFFFFB0  }
0x1e5: {  	[spmem:s20] =	stream.indirect.scatter.add.f32 [tilespmem:s8], [sflag:$0x13], $0x80, s10, s12, $0xb8;
	[tilespmem:$0x1E600] =	vst v63  }
0x1e6: {  	s1 =	simm.s32 $0x280;
	s23 =	simm.s32 $0x3;
	s13 =	rddreg [dreg:$0x1e]  }
0x1e7: {  	[tilespmem:s1], [sflag:$0x6] =	stream.linear.gather [hbm4b:s13+s5], $0x50, $0x38;
	[tilespmem:$0x1E600] =	vst v63  }
0x1e8: {  	_ =	swait.ge [sflag:s23], $0x50  }
0x1e9: {  	[sflag:s23] =	ssyncset.done $0x0  }
0x1ea: {  	s10 =	simm.s32 $0x13;
	[sflag:s23] =	ssyncadd.s32 $0xFFFFFFB0  }
0x1eb: {  	_ =	swait.ge [sflag:s10], $0x2800  }
0x1ec: {  	[sflag:s10] =	ssyncset.done $0x0  }
0x1ed: {  	s2 =	simm.s32 $0x10;
	[sflag:s10] =	ssyncadd.s32 $0xFFFFD800  }
0x1ee: {  	[tilespmem:s8], [sflag:$0xF] =	stream.indirect.gather [hbm4b:s4+s12], $0x80, s24, s12, $0xb8;
	[tilespmem:$0x1E600] =	vst v63  }
0x1ef: {  	_ =	swait.ge [sflag:s2], $0x2800  }
0x1f0: {  	s14 =	sld [smem:$0x7FD]  }
0x1f1: {  	[sflag:s2] =	ssyncset.done $0x0  }
0x1f2: {  	s8 =	simm.s32 $0x8;
	[sflag:s2] =	ssyncadd.s32 $0xFFFFD800  }
0x1f3: {  	[tilespmem:s9], [sflag:$0x4] =	stream.linear.gather [hbm4b:s14+s5], $0x50, $0x38;
	[tilespmem:$0x1E600] =	vst v63  }
0x1f4: {  	_ =	swait.ge [sflag:s8], $0x50  }
0x1f5: {  	[sflag:s8] =	ssyncset.done $0x0  }
0x1f6: {  	s15 =	simm.s32 $0x380;
	s14 =	simm.s32 $0x7E00;
	[sflag:s8] =	ssyncadd.s32 $0xFFFFFFB0  }
0x1f7: {  	[spmem:s20] =	stream.indirect.scatter.add.f32 [tilespmem:s14], [sflag:$0x14], $0x80, s15, s12, $0xb8;
	[tilespmem:$0x1E600] =	vst v63  }
0x1f8: {  	s7 =	simm.s32 $0x300;
	s13 =	simm.s32 $0x4;
	s1 =	rddreg [dreg:$0x1f]  }
0x1f9: {  	[tilespmem:s7], [sflag:$0x7] =	stream.linear.gather [hbm4b:s1+s5], $0x50, $0x38;
	[tilespmem:$0x1E600] =	vst v63  }
0x1fa: {  	_ =	swait.ge [sflag:s13], $0x50  }
0x1fb: {  	[sflag:s13] =	ssyncset.done $0x0  }
0x1fc: {  	s1 =	simm.s32 $0x14;
	[sflag:s13] =	ssyncadd.s32 $0xFFFFFFB0  }
0x1fd: {  	_ =	swait.ge [sflag:s1], $0x2800  }
0x1fe: {  	[sflag:s1] =	ssyncset.done $0x0  }
0x1ff: {  	[sflag:s1] =	ssyncadd.s32 $0xFFFFD800  }
0x200: {  	[tilespmem:s14], [sflag:$0x10] =	stream.indirect.gather [hbm4b:s4+s12], $0x80, s9, s12, $0xb8;
	[tilespmem:$0x1E600] =	vst v63  }
0x201: {  	_ =	swait.ge [sflag:s11], $0x2800  }
0x202: {  	s7 =	sld [smem:$0x7E3]  }
0x203: {  	[sflag:s11] =	ssyncset.done $0x0  }
0x204: {  	[sflag:s11] =	ssyncadd.s32 $0xFFFFD800  }
0x205: {  	[tilespmem:s5], [sflag:$0x1] =	stream.linear.gather [hbm4b:s7+s5], $0x50, $0x38;
	[tilespmem:$0x1E600] =	vst v63  }
0x206: {  	s7 =	simm.s32 $0x9  }
0x207: {  	_ =	swait.ge [sflag:s7], $0x50  }
0x208: {  	[sflag:s7] =	ssyncset.done $0x0  }
0x209: {  	s14 =	simm.s32 $0x400;
	s15 =	sld [smem:$0x7E6];
	[sflag:s7] =	ssyncadd.s32 $0xFFFFFFB0  }
0x20a: {  	[spmem:s20] =	stream.indirect.scatter.add.f32 [tilespmem:s29], [sflag:$0x11], $0x80, s14, s12, $0xb8;
	[tilespmem:$0x1E600] =	vst v63  }
0x20b: {  	s30 =	simm.s32 $0x380;
	s6 =	simm.s32 $0x1  }
0x20c: {  	[tilespmem:s30], [sflag:$0x8] =	stream.linear.gather [hbm4b:s15+s5], $0x50, $0x38;
	[tilespmem:$0x1E600] =	vst v63  }
0x20d: {  	_ =	swait.ge [sflag:s6], $0x50  }
0x20e: {  	[sflag:s6] =	ssyncset.done $0x0  }
0x20f: {  	[sflag:s6] =	ssyncadd.s32 $0xFFFFFFB0  }
0x210: {  	_ =	swait.ge [sflag:s3], $0x2800  }
0x211: {  	[sflag:s3] =	ssyncset.done $0x0  }
0x212: {  	[sflag:s3] =	ssyncadd.s32 $0xFFFFD800  }
0x213: {  	[tilespmem:s29], [sflag:$0xD] =	stream.indirect.gather [hbm4b:s4+s12], $0x80, s5, s12, $0xb8;
	[tilespmem:$0x1E600] =	vst v63  }
0x214: {  	_ =	swait.ge [sflag:s28], $0x2800  }
0x215: {  	s6 =	sld [smem:$0x7E4]  }
0x216: {  	[sflag:s28] =	ssyncset.done $0x0  }
0x217: {  	[sflag:s28] =	ssyncadd.s32 $0xFFFFD800  }
0x218: {  	[tilespmem:s22], [sflag:$0x2] =	stream.linear.gather [hbm4b:s6+s5], $0x50, $0x38;
	[tilespmem:$0x1E600] =	vst v63  }
0x219: {  	s6 =	simm.s32 $0xA  }
0x21a: {  	_ =	swait.ge [sflag:s6], $0x50  }
0x21b: {  	s15 =	simm.s32 $0x480;
	[sflag:s6] =	ssyncset.done $0x0  }
0x21c: {  	s30 =	simm.s32 $0x2E00;
	s0 =	sld [smem:$0x7E8];
	[sflag:s6] =	ssyncadd.s32 $0xFFFFFFB0  }
0x21d: {  	[spmem:s20] =	stream.indirect.scatter.add.f32 [tilespmem:s30], [sflag:$0x12], $0x80, s15, s12, $0xb8;
	[tilespmem:$0x1E600] =	vst v63  }
0x21e: {  	s14 =	simm.s32 $0x400  }
0x21f: {  	[tilespmem:s14], [sflag:$0x9] =	stream.linear.gather [hbm4b:s0+s5], $0x50, $0x38;
	[tilespmem:$0x1E600] =	vst v63  }
0x220: {  	_ =	swait.ge [sflag:s16], $0x50  }
0x221: {  	[sflag:s16] =	ssyncset.done $0x0  }
0x222: {  	[sflag:s16] =	ssyncadd.s32 $0xFFFFFFB0  }
0x223: {  	_ =	swait.ge [sflag:s26], $0x2800  }
0x224: {  	[sflag:s26] =	ssyncset.done $0x0  }
0x225: {  	[sflag:s26] =	ssyncadd.s32 $0xFFFFD800  }
0x226: {  	[tilespmem:s30], [sflag:$0xE] =	stream.indirect.gather [hbm4b:s4+s12], $0x80, s22, s12, $0xb8;
	[tilespmem:$0x1E600] =	vst v63  }
0x227: {  	_ =	swait.ge [sflag:s18], $0x2800  }
0x228: {  	s14 =	sld [smem:$0x7E5]  }
0x229: {  	[sflag:s18] =	ssyncset.done $0x0  }
0x22a: {  	[sflag:s18] =	ssyncadd.s32 $0xFFFFD800  }
0x22b: {  	[tilespmem:s24], [sflag:$0x3] =	stream.linear.gather [hbm4b:s14+s5], $0x50, $0x38;
	[tilespmem:$0x1E600] =	vst v63  }
0x22c: {  	s14 =	simm.s32 $0xB  }
0x22d: {  	_ =	swait.ge [sflag:s14], $0x50  }
0x22e: {  	[sflag:s14] =	ssyncset.done $0x0  }
0x22f: {  	s30 =	simm.s32 $0x5600;
	[sflag:s14] =	ssyncadd.s32 $0xFFFFFFB0;
	s14 =	sld [smem:$0x7EA]  }
0x230: {  	[spmem:s20] =	stream.indirect.scatter.add.f32 [tilespmem:s30], [sflag:$0x13], $0x80, s21, s12, $0xb8;
	[tilespmem:$0x1E600] =	vst v63  }
0x231: {  	s15 =	simm.s32 $0x480  }
0x232: {  	[tilespmem:s15], [sflag:$0xA] =	stream.linear.gather [hbm4b:s14+s5], $0x50, $0x38;
	[tilespmem:$0x1E600] =	vst v63  }
0x233: {  	_ =	swait.ge [sflag:s23], $0x50  }
0x234: {  	[sflag:s23] =	ssyncset.done $0x0  }
0x235: {  	[sflag:s23] =	ssyncadd.s32 $0xFFFFFFB0  }
0x236: {  	_ =	swait.ge [sflag:s10], $0x2800  }
0x237: {  	[sflag:s10] =	ssyncset.done $0x0  }
0x238: {  	[sflag:s10] =	ssyncadd.s32 $0xFFFFD800  }
0x239: {  	[tilespmem:s30], [sflag:$0xF] =	stream.indirect.gather [hbm4b:s4+s12], $0x80, s24, s12, $0xb8;
	[tilespmem:$0x1E600] =	vst v63  }
0x23a: {  	_ =	swait.ge [sflag:s2], $0x2800  }
0x23b: {  	s14 =	sld [smem:$0x7E7]  }
0x23c: {  	[sflag:s2] =	ssyncset.done $0x0  }
0x23d: {  	[sflag:s2] =	ssyncadd.s32 $0xFFFFD800  }
0x23e: {  	[tilespmem:s9], [sflag:$0x4] =	stream.linear.gather [hbm4b:s14+s5], $0x50, $0x38;
	[tilespmem:$0x1E600] =	vst v63  }
0x23f: {  	s14 =	simm.s32 $0xC  }
0x240: {  	_ =	swait.ge [sflag:s14], $0x50  }
0x241: {  	[sflag:s14] =	ssyncset.done $0x0  }
0x242: {  	s0 =	simm.s32 $0x580;
	[sflag:s14] =	ssyncadd.s32 $0xFFFFFFB0;
	s14 =	simm.s32 $0x7E00  }
0x243: {  	[spmem:s20] =	stream.indirect.scatter.add.f32 [tilespmem:s14], [sflag:$0x14], $0x80, s0, s12, $0xb8;
	[tilespmem:$0x1E600] =	vst v63  }
0x244: {  	_ =	swait.ge [sflag:s13], $0x50  }
0x245: {  	[sflag:s13] =	ssyncset.done $0x0  }
0x246: {  	[sflag:s13] =	ssyncadd.s32 $0xFFFFFFB0  }
0x247: {  	_ =	swait.ge [sflag:s1], $0x2800  }
0x248: {  	[sflag:s1] =	ssyncset.done $0x0  }
0x249: {  	[sflag:s1] =	ssyncadd.s32 $0xFFFFD800  }
0x24a: {  	[tilespmem:s14], [sflag:$0x10] =	stream.indirect.gather [hbm4b:s4+s12], $0x80, s9, s12, $0xb8;
	[tilespmem:$0x1E600] =	vst v63  }
0x24b: {  	_ =	swait.ge [sflag:s11], $0x2800  }
0x24c: {  	s14 =	sld [smem:$0x7E9]  }
0x24d: {  	[sflag:s11] =	ssyncset.done $0x0  }
0x24e: {  	[sflag:s11] =	ssyncadd.s32 $0xFFFFD800  }
0x24f: {  	[tilespmem:s5], [sflag:$0x1] =	stream.linear.gather [hbm4b:s14+s5], $0x50, $0x38;
	[tilespmem:$0x1E600] =	vst v63  }
0x250: {  	s14 =	simm.s32 $0x5  }
0x251: {  	_ =	swait.ge [sflag:s14], $0x50  }
0x252: {  	[sflag:s14] =	ssyncset.done $0x0  }
0x253: {  	[sflag:s14] =	ssyncadd.s32 $0xFFFFFFB0  }
0x254: {  	[spmem:s20] =	stream.indirect.scatter.add.f32 [tilespmem:s29], [sflag:$0x11], $0x80, s25, s12, $0xb8;
	[tilespmem:$0x1E600] =	vst v63  }
0x255: {  	s25 =	simm.s32 $0x1  }
0x256: {  	_ =	swait.ge [sflag:s25], $0x50  }
0x257: {  	[sflag:s25] =	ssyncset.done $0x0  }
0x258: {  	[sflag:s25] =	ssyncadd.s32 $0xFFFFFFB0  }
0x259: {  	_ =	swait.ge [sflag:s3], $0x2800  }
0x25a: {  	[sflag:s3] =	ssyncset.done $0x0  }
0x25b: {  	[sflag:s3] =	ssyncadd.s32 $0xFFFFD800  }
0x25c: {  	[tilespmem:s29], [sflag:$0xD] =	stream.indirect.gather [hbm4b:s4+s12], $0x80, s5, s12, $0xb8;
	[tilespmem:$0x1E600] =	vst v63  }
0x25d: {  	_ =	swait.ge [sflag:s28], $0x2800  }
0x25e: {  	s14 =	sld [smem:$0x7EB]  }
0x25f: {  	[sflag:s28] =	ssyncset.done $0x0  }
0x260: {  	[sflag:s28] =	ssyncadd.s32 $0xFFFFD800  }
0x261: {  	[tilespmem:s22], [sflag:$0x2] =	stream.linear.gather [hbm4b:s14+s5], $0x50, $0x38;
	[tilespmem:$0x1E600] =	vst v63  }
0x262: {  	_ =	swait.ge [sflag:s17], $0x50  }
0x263: {  	[sflag:s17] =	ssyncset.done $0x0  }
0x264: {  	s14 =	simm.s32 $0x280;
	[sflag:s17] =	ssyncadd.s32 $0xFFFFFFB0;
	s17 =	simm.s32 $0x2E00  }
0x265: {  	[spmem:s20] =	stream.indirect.scatter.add.f32 [tilespmem:s17], [sflag:$0x12], $0x80, s14, s12, $0xb8;
	[tilespmem:$0x1E600] =	vst v63  }
0x266: {  	_ =	swait.ge [sflag:s16], $0x50  }
0x267: {  	[sflag:s16] =	ssyncset.done $0x0  }
0x268: {  	[sflag:s16] =	ssyncadd.s32 $0xFFFFFFB0  }
0x269: {  	_ =	swait.ge [sflag:s26], $0x2800  }
0x26a: {  	[sflag:s26] =	ssyncset.done $0x0  }
0x26b: {  	[sflag:s26] =	ssyncadd.s32 $0xFFFFD800  }
0x26c: {  	[tilespmem:s17], [sflag:$0xE] =	stream.indirect.gather [hbm4b:s4+s12], $0x80, s22, s12, $0xb8;
	[tilespmem:$0x1E600] =	vst v63  }
0x26d: {  	_ =	swait.ge [sflag:s18], $0x2800  }
0x26e: {  	[sflag:s18] =	ssyncset.done $0x0  }
0x26f: {  	[sflag:s18] =	ssyncadd.s32 $0xFFFFD800  }
0x270: {  	_ =	swait.ge [sflag:s19], $0x50  }
0x271: {  	[sflag:s19] =	ssyncset.done $0x0  }
0x272: {  	s23 =	simm.s32 $0x5600;
	[sflag:s19] =	ssyncadd.s32 $0xFFFFFFB0;
	s19 =	simm.s32 $0x300  }
0x273: {  	[spmem:s20] =	stream.indirect.scatter.add.f32 [tilespmem:s23], [sflag:$0x13], $0x80, s19, s12, $0xb8;
	[tilespmem:$0x1E600] =	vst v63  }
0x274: {  	_ =	swait.ge [sflag:s2], $0x2800  }
0x275: {  	[sflag:s2] =	ssyncset.done $0x0  }
0x276: {  	[sflag:s2] =	ssyncadd.s32 $0xFFFFD800  }
0x277: {  	_ =	swait.ge [sflag:s8], $0x50  }
0x278: {  	[sflag:s8] =	ssyncset.done $0x0  }
0x279: {  	s13 =	simm.s32 $0x7E00;
	[sflag:s8] =	ssyncadd.s32 $0xFFFFFFB0;
	s8 =	simm.s32 $0x380  }
0x27a: {  	[spmem:s20] =	stream.indirect.scatter.add.f32 [tilespmem:s13], [sflag:$0x14], $0x80, s8, s12, $0xb8;
	[tilespmem:$0x1E600] =	vst v63  }
0x27b: {  	_ =	swait.ge [sflag:s11], $0x2800  }
0x27c: {  	[sflag:s11] =	ssyncset.done $0x0  }
0x27d: {  	[sflag:s11] =	ssyncadd.s32 $0xFFFFD800  }
0x27e: {  	_ =	swait.ge [sflag:s7], $0x50  }
0x27f: {  	[sflag:s7] =	ssyncset.done $0x0  }
0x280: {  	s13 =	simm.s32 $0x400;
	[sflag:s7] =	ssyncadd.s32 $0xFFFFFFB0  }
0x281: {  	[spmem:s20] =	stream.indirect.scatter.add.f32 [tilespmem:s29], [sflag:$0x11], $0x80, s13, s12, $0xb8;
	[tilespmem:$0x1E600] =	vst v63  }
0x282: {  	_ =	swait.ge [sflag:s28], $0x2800  }
0x283: {  	[sflag:s28] =	ssyncset.done $0x0  }
0x284: {  	[sflag:s28] =	ssyncadd.s32 $0xFFFFD800  }
0x285: {  	_ =	swait.ge [sflag:s6], $0x50  }
0x286: {  	[sflag:s6] =	ssyncset.done $0x0  }
0x287: {  	s15 =	simm.s32 $0x480;
	s17 =	simm.s32 $0x2E00;
	[sflag:s6] =	ssyncadd.s32 $0xFFFFFFB0  }
0x288: {  	[spmem:s20] =	stream.indirect.scatter.add.f32 [tilespmem:s17], [sflag:$0x12], $0x80, s15, s12, $0xb8;
	[tilespmem:$0x1E600] =	vst v63  }
0x289: {  	_ =	swait.ge [sflag:s10], $0x2800  }
0x28a: {  	[sflag:s10] =	ssyncset.done $0x0  }
0x28b: {  	[sflag:s10] =	ssyncadd.s32 $0xFFFFD800  }
0x28c: {  	_ =	swait.ge [sflag:s1], $0x2800  }
0x28d: {  	[sflag:s1] =	ssyncset.done $0x0  }
0x28e: {  	[sflag:s1] =	ssyncadd.s32 $0xFFFFD800  }
0x28f: {  	_ =	swait.ge [sflag:s3], $0x2800  }
0x290: {  	[sflag:s3] =	ssyncset.done $0x0  }
0x291: {  	[sflag:s3] =	ssyncadd.s32 $0xFFFFD800  }
0x292: {  	_ =	swait.ge [sflag:s26], $0x2800  }
0x293: {  	[sflag:s26] =	ssyncset.done $0x0  }
0x294: {  	[sflag:s26] =	ssyncadd.s32 $0xFFFFD800  }
0x295: {  	[bflag:$0x0] =	sbarrier.arrive $0xFFFF  }
0x296: {  	s16 =	stileid.u32;
	s23 =	sld [smem:$0x7EC]  }
0x297: {  	s17 =	sshll.u32 s16, $0x6;
	s29 =	rddreg [dreg:$0x1b]  }
0x298: {  	s15 =	simm.s32 $0x15;
	s6 =	sor.u32 $0x1C15, s17;
	s18 =	sshrl.u32 s29, $0x3  }
0x299: {  	[hbm:s23], [sflag:s6] =	dma.local [spmem:s18], $0x2800  }
0x29a: {  	_ =	swait.ge [sflag:s15], $0x2800  }
0x29b: {  	s26 =	sld [smem:$0x7E2]  }
0x29c: {  	s28 =	sld [smem:$0x7ED];
	_ =	sdelay $0x1  }
0x29d: {  	s30 =	simm.s32 $0x580;
	s17 =	sadd.s32 $0x1, s26  }
0x29e: {  	s14 =	simm.s32 $0x380;
	s19 =	simm.s32 $0x400;
	p0 =	sne.s32 s17, s28  }
.Ltmp2:
0x29f: {  	s2 =	simm.s32 $0x12;
	s8 =	simm.s32 $0x280;
	(pc) =	sbr.rel @p0 .LBB2_1-.Ltmp2, $4  }
0x2a0: {  	s11 =	simm.s32 $0x200;
	s7 =	simm.s32 $0x480;
	s13 =	simm.s32 $0x2  }
0x2a1: {  	s16 =	simm.s32 $0xD;
	s10 =	simm.s32 $0xE;
	s1 =	simm.s32 $0x14  }
0x2a2: {  	s3 =	simm.s32 $0x11;
	s6 =	simm.s32 $0x300;
	[sflag:s15] =	ssyncset.done $0x0  }
0x2a3: {  	s23 =	simm.s32 $0x13;
	s18 =	rddreg [dreg:$0x13];
	[sflag:s15] =	ssyncadd.s32 $0xFFFFD800  }
0x2a4: {  	_ =	sfence.sel $0x180000  }
0x2a5: {  	[bflag:$0x0] =	sbarrier.arrive $0xFFFF  }
0x2a6: {  	_ =	strace $0x90000047  }
0x2a7: {  	s0 =	stileid.u32;
	[bflag:$0x2] =	sbarrier.arrive $0xFFFF  }
0x2a8: {  	p0 =	sne.s32 s0, $0x0;
	s0 =	rddreg [dreg:$0x4]  }
0x2a9: {  	s0 =	sadd.s32 @!p0 $0x100000, s0  }
0x2aa: {  	[sflag:s0] =	ssyncadd.tile.s32 @!p0 $0x1;
	_ =	shalt  }
.Lfunc_end2:
_tile_overlayer_lowered:
.L_overlay_start_2:
0x2ab: {  	(tag) =	ssettag $0x2  }
0x2ac: {  	s0 =	rddreg [dreg:$0x0];
	s2 =	stileid.u32  }
0x2ad: {  	s1 =	rddreg [dreg:$0x1];
	p0 =	sne.s32 s2, $0x0  }
0x2ae: {  	s3 =	rddreg [dreg:$0x2];
	[bflag:$0x3] =	sbarrier.arrive $0xFFFF;
	s2 =	simm.s32 @!p0 $0x1C15  }
0x2af: {  	[timem:s3], [sflag:s2] =	dma.local @!p0 [hbm:s0], s1  }
0x2b0: {  	s0 =	simm.s32 @!p0 $0x15  }
0x2b1: {  	_ =	swait.ge @!p0 [sflag:s0], s1  }
0x2b2: {  	s1 =	ssub.s32 @!p0 $0x0, s1;
	[sflag:s0] =	ssyncset.done @!p0 $0x0  }
0x2b3: {  	[sflag:s0] =	ssyncadd.s32 @!p0 s1  }
0x2b4: {  	[bflag:$0x3] =	sbarrier.arrive $0xFFFF  }
0x2b5: {  	_ =	shalt  }

</sc_bundles>
